<compile_context>
chip_gen: v7x
topology: tpu7x:2x2x1
jax: 0.10.2.dev20260603
libtpu: 0.0.44.dev20260713+nightly
codegen_flags: <defaults>
</compile_context>

<pallas_src>
import jax
import jax.numpy as jnp
from jax import lax
from jax.experimental import pallas as pl
from jax.experimental.pallas import tpu as pltpu
from jax.experimental.pallas import tpu_sc as plsc

NC, NS = 2, 16
NW = NC * NS
LANES = 128
NB = 8
NBA = 4
D = 18
WD = 32
DG = 16


def _fill_f32(ref, nrow16, value):
    for k in range(nrow16):
        ref[pl.ds(k * 16, 16)] = jnp.full((16,), value, jnp.float32)


def _deg_body(src2d, dst2d, od_out, id_out, *rest):
    sidx, didx, ones2, zv, odeg, ideg, sem_i, sem_a = rest
    c = lax.axis_index("c")
    s = lax.axis_index("s")
    w = s * NC + c
    nrows = src2d.shape[0]
    nsc = nrows // NB
    pad = odeg.shape[0] // NS
    _fill_f32(ones2, LANES // 16, 1.0)
    _fill_f32(zv, LANES // 16, 0.0)

    def zbody(k, carry):
        pltpu.sync_copy(zv, odeg.at[pl.ds(s * pad + k * LANES, LANES)])
        pltpu.sync_copy(zv, ideg.at[pl.ds(s * pad + k * LANES, LANES)])
        return carry

    lax.fori_loop(0, pad // LANES, zbody, 0)
    rem = pad % LANES
    if rem:
        pltpu.sync_copy(
            zv.at[pl.ds(0, rem)], odeg.at[pl.ds(s * pad + pad - rem, rem)]
        )
        pltpu.sync_copy(
            zv.at[pl.ds(0, rem)], ideg.at[pl.ds(s * pad + pad - rem, rem)]
        )
    plsc.subcore_barrier()
    iters = (nsc + NW - 1) // NW

    def body(i, carry):
        scid = w + NW * i

        @pl.when(scid < nsc)
        def _():
            base = scid * NB
            lds = [
                pltpu.async_copy(src2d.at[pl.ds(base, NB)], sidx, sem_i),
                pltpu.async_copy(dst2d.at[pl.ds(base, NB)], didx, sem_i),
            ]
            for d_ in lds:
                d_.wait()
            def fb(b, carry):
                pltpu.async_copy(ones2, odeg.at[sidx.at[b]], sem_a, add=True)
                pltpu.async_copy(ones2, ideg.at[didx.at[b]], sem_a, add=True)
                return carry

            lax.fori_loop(0, NB, fb, 0)

            def db(b, carry):
                pltpu.make_async_copy(ones2, odeg.at[sidx.at[b]], sem_a).wait()
                pltpu.make_async_copy(ones2, ideg.at[didx.at[b]], sem_a).wait()
                return carry

            lax.fori_loop(0, NB, db, 0)

        return carry

    lax.fori_loop(0, iters, body, 0)
    plsc.subcore_barrier()
    pltpu.sync_copy(odeg.at[pl.ds(s * pad, pad)], od_out.at[c, pl.ds(s * pad, pad)])
    pltpu.sync_copy(ideg.at[pl.ds(s * pad, pad)], id_out.at[c, pl.ds(s * pad, pad)])


def _agg_body(srcab, dst2d, hw2, zsrc, agg_out, *rest):
    sidx = rest[0:3]
    didx = rest[3:6]
    rows = rest[6:9]
    zrow = rest[9]
    agg = rest[10]
    sem_i = rest[11:14]
    sem_g = rest[14:17]
    sem_a = rest[17:20]
    c = lax.axis_index("c")
    s = lax.axis_index("s")
    nrows = dst2d.shape[0]
    nsc = nrows // NBA
    npt = agg.shape[0] // NS
    pltpu.sync_copy(zsrc, zrow)

    def zbody(k, carry):
        pltpu.sync_copy(zrow, agg.at[pl.ds(s * npt + k * LANES, LANES)])
        return carry

    lax.fori_loop(0, npt // LANES, zbody, 0)
    plsc.subcore_barrier()
    sbase = c * nrows

    def valid(j):
        return s + NS * j < nsc

    def fire_idx(j, st):
        base = (s + NS * j) * NBA
        pltpu.async_copy(srcab.at[pl.ds(sbase + base, NBA)], sidx[st], sem_i[st])
        pltpu.async_copy(dst2d.at[pl.ds(base, NBA)], didx[st], sem_i[st])

    def drain_idx(st):
        pltpu.make_async_copy(dst2d.at[pl.ds(0, NBA)], sidx[st], sem_i[st]).wait()
        pltpu.make_async_copy(dst2d.at[pl.ds(0, NBA)], didx[st], sem_i[st]).wait()

    def fire_gather(st):
        def fb(b, carry):
            pltpu.async_copy(hw2.at[sidx[st].at[b]], rows[st].at[b], sem_g[st])
            return carry

        lax.fori_loop(0, NBA, fb, 0)

    def drain_gather(st):
        def fb(b, carry):
            pltpu.make_async_copy(
                hw2.at[sidx[st].at[b]], rows[st].at[b], sem_g[st]
            ).wait()
            return carry

        lax.fori_loop(0, NBA, fb, 0)

    def fire_scatter(st):
        def fb(b, carry):
            pltpu.async_copy(
                rows[st].at[b], agg.at[didx[st].at[b]], sem_a[st], add=True
            )
            return carry

        lax.fori_loop(0, NBA, fb, 0)

    def drain_scatter(st):
        def fb(b, carry):
            pltpu.make_async_copy(
                rows[st].at[b], agg.at[didx[st].at[b]], sem_a[st]
            ).wait()
            return carry

        lax.fori_loop(0, NBA, fb, 0)

    @pl.when(valid(0))
    def _():
        fire_idx(0, 0)
        drain_idx(0)
        fire_gather(0)

    @pl.when(valid(1))
    def _():
        fire_idx(1, 1)

    nphase = ((nsc + NS - 1) // NS + 2 + 2) // 3

    def body(i, carry):
        for p in range(3):
            jj = 3 * i + p

            @pl.when((jj >= 1) & valid(jj - 1))
            def _(p=p):
                drain_scatter((p + 2) % 3)

            @pl.when(valid(jj + 1))
            def _(p=p, jj=jj):
                drain_idx((p + 1) % 3)
                fire_gather((p + 1) % 3)

            @pl.when(valid(jj + 2))
            def _(p=p, jj=jj):
                fire_idx(jj + 2, (p + 2) % 3)

            @pl.when(valid(jj))
            def _(p=p):
                drain_gather(p)
                fire_scatter(p)

        return carry

    lax.fori_loop(0, nphase, body, 0)
    plsc.subcore_barrier()
    pltpu.sync_copy(agg.at[pl.ds(s * npt, npt)], agg_out.at[c, pl.ds(s * npt, npt)])


def _dense1_body(
    nf_ref, odp_ref, feat_ref, wc_ref, wl_ref, bl_ref, hn_ref, src_ref,
    hw2_ref, tra_ref, srcab_ref,
):
    od = odp_ref[0, :] + odp_ref[1, :]
    nrm = lax.rsqrt(jnp.maximum(od, 1.0))
    hw = jnp.dot(nf_ref[:, :], wc_ref[:, :], preferred_element_type=jnp.float32)
    hw = hw * nrm[:, None]
    hw2_ref[0] = hw[:, :DG]
    hw2_ref[1] = hw[:, DG:]
    tra_ref[:, :] = (
        jnp.dot(feat_ref[:, :], wl_ref[:, :], preferred_element_type=jnp.float32)
        + bl_ref[:, :]
    )
    s_ = src_ref[:, :]
    srcab_ref[0] = s_
    srcab_ref[1] = s_ + hn_ref[0]


def _dense2_body(agg_ref, idp_ref, tra_ref, bc_ref, out_ref):
    indeg = idp_ref[0, :] + idp_ref[1, :]
    nrm = lax.rsqrt(jnp.maximum(indeg, 1.0))
    a = jnp.concatenate([agg_ref[0], agg_ref[1][:, : D - DG]], axis=1)
    rst = jnp.maximum(a * nrm[:, None] + bc_ref[:, :], 0.0)
    cat = jnp.concatenate([tra_ref[:, :], rst], axis=1)
    out_ref[:, :] = cat[:, : out_ref.shape[1]]


def kernel(node_feat, feat, edge_index, W_conv, b_conv, W_lin, b_lin):
    N = node_feat.shape[0]
    E = edge_index.shape[1]
    H = W_lin.shape[1]
    src2d = edge_index[0].astype(jnp.int32).reshape(E // LANES, LANES)
    dst2d = edge_index[1].astype(jnp.int32).reshape(E // LANES, LANES)
    nrows = E // LANES

    pad_tile = ((N + NS - 1) // NS + 7) // 8 * 8
    padn = NS * pad_tile
    ACC = (N + NS * LANES - 1) // (NS * LANES) * (NS * LANES)

    mesh = plsc.VectorSubcoreMesh(
        core_axis_name="c", subcore_axis_name="s", num_cores=NC, num_subcores=NS
    )
    sc_params = pltpu.CompilerParams(use_tc_tiling_on_sc=False)

    deg_call = pl.kernel(
        _deg_body,
        out_type=[
            jax.ShapeDtypeStruct((NC, padn), jnp.float32),
            jax.ShapeDtypeStruct((NC, padn), jnp.float32),
        ],
        mesh=mesh,
        compiler_params=sc_params,
        scratch_types=[
            pltpu.VMEM((NB, LANES), jnp.int32),
            pltpu.VMEM((NB, LANES), jnp.int32),
            pltpu.VMEM((LANES,), jnp.float32),
            pltpu.VMEM((LANES,), jnp.float32),
            pltpu.VMEM_SHARED((padn,), jnp.float32),
            pltpu.VMEM_SHARED((padn,), jnp.float32),
            pltpu.SemaphoreType.DMA,
            pltpu.SemaphoreType.DMA,
        ],
    )
    odp, idp = deg_call(src2d, dst2d)
    odp = odp[:, :N]
    idp = idp[:, :N]

    wc_pad = jnp.concatenate(
        [W_conv, jnp.zeros((D, WD - D), jnp.float32)], axis=1
    )
    R = 2048
    nb_ = (N + R - 1) // R
    RB = 1000
    nrb = (nrows + RB - 1) // RB
    hw2, tra, srcab = pl.pallas_call(
        _dense1_body,
        grid=(nb_,),
        in_specs=[
            pl.BlockSpec((R, D), lambda i: (i, 0)),
            pl.BlockSpec((NC, R), lambda i: (0, i)),
            pl.BlockSpec((R, feat.shape[1]), lambda i: (i, 0)),
            pl.BlockSpec((D, WD), lambda i: (0, 0)),
            pl.BlockSpec((feat.shape[1], H), lambda i: (0, 0)),
            pl.BlockSpec((1, H), lambda i: (0, 0)),
            pl.BlockSpec(memory_space=pltpu.SMEM),
            pl.BlockSpec((RB, LANES), lambda i: (jnp.minimum(i, nrb - 1), 0)),
        ],
        out_specs=[
            pl.BlockSpec((2, R, DG), lambda i: (0, i, 0)),
            pl.BlockSpec((R, H), lambda i: (i, 0)),
            pl.BlockSpec(
                (NC, RB, LANES), lambda i: (0, jnp.minimum(i, nrb - 1), 0)
            ),
        ],
        out_shape=[
            jax.ShapeDtypeStruct((2, N, DG), jnp.float32),
            jax.ShapeDtypeStruct((N, H), jnp.float32),
            jax.ShapeDtypeStruct((NC, nrows, LANES), jnp.int32),
        ],
    )(
        node_feat, odp, feat, wc_pad, W_lin, b_lin.reshape(1, H),
        jnp.array([N], jnp.int32), src2d,
    )
    hw2 = hw2.reshape(2 * N, DG)
    srcab = srcab.reshape(NC * nrows, LANES)

    agg_call = pl.kernel(
        _agg_body,
        out_type=jax.ShapeDtypeStruct((NC, ACC, DG), jnp.float32),
        mesh=mesh,
        compiler_params=sc_params,
        scratch_types=[pltpu.VMEM((NBA, LANES), jnp.int32) for _ in range(6)]
        + [pltpu.VMEM((NBA, LANES, DG), jnp.float32) for _ in range(3)]
        + [
            pltpu.VMEM((LANES, DG), jnp.float32),
            pltpu.VMEM_SHARED((ACC, DG), jnp.float32),
        ]
        + [pltpu.SemaphoreType.DMA for _ in range(9)],
    )
    aggp = agg_call(srcab, dst2d, hw2, jnp.zeros((LANES, DG), jnp.float32))
    aggp = aggp[:, :N]

    out = pl.pallas_call(
        _dense2_body,
        grid=(nb_,),
        in_specs=[
            pl.BlockSpec((NC, R, DG), lambda i: (0, i, 0)),
            pl.BlockSpec((NC, R), lambda i: (0, i)),
            pl.BlockSpec((R, H), lambda i: (i, 0)),
            pl.BlockSpec((1, D), lambda i: (0, 0)),
        ],
        out_specs=pl.BlockSpec((R, H + D), lambda i: (i, 0)),
        out_shape=jax.ShapeDtypeStruct((N, H + D), jnp.float32),
    )(aggp, idp, tra, b_conv.reshape(1, D))
    return out

# --- scband reference (transcript-rebuilt; emitter-appended) ---
"""Pipeline reference for scband-my-gcn2-defect-27642409517485 (READ-ONLY COPY).

The authoritative reference and input builder live on the scoring server;
editing this copy changes nothing except your own understanding.
"""

import jax, jax.numpy as jnp
import numpy as np

N_NODES = 100000
N_EDGES = 3200000
D_TRA = 18
H_DIM = 32
D_FEAT = D_TRA + 2 * H_DIM  # 82

def setup_inputs(seed: int = 0) -> dict:
    key = jax.random.key(seed)
    k1, k2, k3, k4, k5, k6, k7 = jax.random.split(key, 7)
    node_feat = jax.random.normal(k1, (N_NODES, D_TRA), dtype=jnp.float32)
    feat = jax.random.normal(k2, (N_NODES, D_FEAT), dtype=jnp.float32)
    edge_index = jax.random.randint(k3, (2, N_EDGES), 0, N_NODES, dtype=jnp.int64)
    # GraphConv params (in=out=18)
    W_conv = jax.random.normal(k4, (D_TRA, D_TRA), dtype=jnp.float32) * (1.0 / np.sqrt(D_TRA))
    b_conv = jnp.zeros((D_TRA,), dtype=jnp.float32)
    # Linear(82 -> 32)
    W_lin = jax.random.normal(k5, (D_FEAT, H_DIM), dtype=jnp.float32) * (1.0 / np.sqrt(D_FEAT))
    b_lin = jax.random.normal(k6, (H_DIM,), dtype=jnp.float32) * 0.01
    return {"node_feat": node_feat, "feat": feat, "edge_index": edge_index,
            "W_conv": W_conv, "b_conv": b_conv, "W_lin": W_lin, "b_lin": b_lin}

def reference(node_feat, feat, edge_index, W_conv, b_conv, W_lin, b_lin):
    src = edge_index[0]
    dst = edge_index[1]
    N = node_feat.shape[0]
    ones = jnp.ones((src.shape[0],), dtype=jnp.float32)
    # DGL GraphConv norm='both': src normalized by out-degree^{-1/2} (clamped min 1)
    out_deg = jnp.zeros((N,), dtype=jnp.float32).at[src].add(ones)
    norm_src = jnp.power(jnp.maximum(out_deg, 1.0), -0.5)
    h = node_feat * norm_src[:, None]
    # in_feats == out_feats -> weight applied before aggregation
    h = h @ W_conv
    msgs = jnp.take(h, src, axis=0)
    agg = jax.ops.segment_sum(msgs, dst, num_segments=N)
    in_deg = jnp.zeros((N,), dtype=jnp.float32).at[dst].add(ones)
    norm_dst = jnp.power(jnp.maximum(in_deg, 1.0), -0.5)
    rst = agg * norm_dst[:, None]
    rst = rst + b_conv
    rst = jax.nn.relu(rst)
    tra = feat @ W_lin + b_lin
    return jnp.concatenate((tra, rst), axis=1)

if __name__ == "__main__":
    import jax
    _d = setup_inputs()
    print(jax.jit(kernel)(*tuple(_d.values())))

</pallas_src>

<mosaic_0001>
#map = affine_map<(d0, d1) -> (0, 0)>
#map1 = affine_map<(d0, d1) -> (0, 0, 0)>
module attributes {stable_mosaic.version = 14 : i64} {
  func.func @_agg_body(%arg0: i32, %arg1: i32, %arg2: memref<50000x128xi32, #tpu.memory_space<hbm>>, %arg3: memref<25000x128xi32, #tpu.memory_space<hbm>>, %arg4: memref<200000x16xf32, #tpu.memory_space<hbm>>, %arg5: memref<128x16xf32, #tpu.memory_space<hbm>>, %arg6: memref<2x100352x16xf32, #tpu.memory_space<hbm>>, %arg7: memref<4x128xi32, #tpu.memory_space<vmem>>, %arg8: memref<4x128xi32, #tpu.memory_space<vmem>>, %arg9: memref<4x128xi32, #tpu.memory_space<vmem>>, %arg10: memref<4x128xi32, #tpu.memory_space<vmem>>, %arg11: memref<4x128xi32, #tpu.memory_space<vmem>>, %arg12: memref<4x128xi32, #tpu.memory_space<vmem>>, %arg13: memref<4x128x16xf32, #tpu.memory_space<vmem>>, %arg14: memref<4x128x16xf32, #tpu.memory_space<vmem>>, %arg15: memref<4x128x16xf32, #tpu.memory_space<vmem>>, %arg16: memref<128x16xf32, #tpu.memory_space<vmem>>, %arg17: memref<100352x16xf32, #tpu.memory_space<vmem_shared>>, %arg18: memref<!tpu.dma_semaphore, #tpu.memory_space<semaphore_mem>>, %arg19: memref<!tpu.dma_semaphore, #tpu.memory_space<semaphore_mem>>, %arg20: memref<!tpu.dma_semaphore, #tpu.memory_space<semaphore_mem>>, %arg21: memref<!tpu.dma_semaphore, #tpu.memory_space<semaphore_mem>>, %arg22: memref<!tpu.dma_semaphore, #tpu.memory_space<semaphore_mem>>, %arg23: memref<!tpu.dma_semaphore, #tpu.memory_space<semaphore_mem>>, %arg24: memref<!tpu.dma_semaphore, #tpu.memory_space<semaphore_mem>>, %arg25: memref<!tpu.dma_semaphore, #tpu.memory_space<semaphore_mem>>, %arg26: memref<!tpu.dma_semaphore, #tpu.memory_space<semaphore_mem>>) attributes {dimension_semantics = [#tpu.dimension_semantics<core_parallel>, #tpu.dimension_semantics<subcore_parallel>], iteration_bounds = array<i64: 2, 16>, scalar_prefetch = 0 : i64, scratch_operands = 20 : i64, tpu.core_type = #tpu.core_type<sc_vector_subcore>, window_params = [{transform_indices = #map}, {transform_indices = #map}, {transform_indices = #map}, {transform_indices = #map}, {transform_indices = #map1}]} {
    "tpu.region"() ({
      %run_scoped3A = tpu.sem_alloc : memref<!tpu.dma_semaphore, #tpu.memory_space<semaphore_mem>>
      tpu.enqueue_dma source(%arg5 : memref<128x16xf32, #tpu.memory_space<hbm>>) target(%arg16 : memref<128x16xf32, #tpu.memory_space<vmem>>) target_semaphore(%run_scoped3A : memref<!tpu.dma_semaphore, #tpu.memory_space<semaphore_mem>>)
      tpu.wait_dma2 semaphore(%run_scoped3A : memref<!tpu.dma_semaphore, #tpu.memory_space<semaphore_mem>>) src(%arg5 : memref<128x16xf32, #tpu.memory_space<hbm>>) dst(%arg16 : memref<128x16xf32, #tpu.memory_space<vmem>>)
      tpu.yield
    }) : () -> ()
    %scan3A = arith.constant 0 : i32
    %scan3A_0 = arith.constant 0 : i32
    %scan3A_1 = arith.constant 49 : i32
    %scan3A_2 = arith.addi %scan3A_0, %scan3A_1 : i32
    %scan3A_3 = arith.constant 1 : i32
    scf.for %scan3A_27 = %scan3A_0 to %scan3A_2 step %scan3A_3  : i32 {
      %mul3A_28 = arith.constant 6272 : i32
      %mul3A_29 = arith.muli %arg1, %mul3A_28 : i32
      %mul3A_30 = arith.constant 128 : i32
      %mul3A_31 = arith.muli %scan3A_27, %mul3A_30 : i32
      %add3A_32 = arith.addi %mul3A_29, %mul3A_31 : i32
      "tpu.region"() ({
        %run_scoped3A = tpu.sem_alloc : memref<!tpu.dma_semaphore, #tpu.memory_space<semaphore_mem>>
        %dma_start3A = arith.constant 0 : i32
        %dma_start3A_33 = tpu.memref_slice %arg17[%add3A_32, %dma_start3A] : memref<100352x16xf32, #tpu.memory_space<vmem_shared>> -> memref<128x16xf32, #tpu.memory_space<vmem_shared>>
        %dma_start3A_34 = arith.constant 0 : i32
        %dma_start3A_35 = tpu.memref_slice %arg17[%add3A_32, %dma_start3A_34] : memref<100352x16xf32, #tpu.memory_space<vmem_shared>> -> memref<128x16xf32, #tpu.memory_space<vmem_shared>>
        tpu.enqueue_dma source(%arg16 : memref<128x16xf32, #tpu.memory_space<vmem>>) target(%dma_start3A_35 : memref<128x16xf32, #tpu.memory_space<vmem_shared>>) target_semaphore(%run_scoped3A : memref<!tpu.dma_semaphore, #tpu.memory_space<semaphore_mem>>)
        %dma_wait3A = arith.constant 0 : i32
        %dma_wait3A_36 = tpu.memref_slice %arg17[%add3A_32, %dma_wait3A] : memref<100352x16xf32, #tpu.memory_space<vmem_shared>> -> memref<128x16xf32, #tpu.memory_space<vmem_shared>>
        %dma_wait3A_37 = arith.constant 0 : i32
        %dma_wait3A_38 = tpu.memref_slice %arg17[%add3A_32, %dma_wait3A_37] : memref<100352x16xf32, #tpu.memory_space<vmem_shared>> -> memref<128x16xf32, #tpu.memory_space<vmem_shared>>
        tpu.wait_dma2 semaphore(%run_scoped3A : memref<!tpu.dma_semaphore, #tpu.memory_space<semaphore_mem>>) src(%arg16 : memref<128x16xf32, #tpu.memory_space<vmem>>) dst(%dma_wait3A_38 : memref<128x16xf32, #tpu.memory_space<vmem_shared>>)
        tpu.yield
      }) : () -> ()
    }
    %scan3A_4 = arith.constant 49 : i32
    %barrier3A = arith.constant 0 : index
    tpu.barrier barrier_id(%barrier3A)
    %mul3A = arith.constant 25000 : i32
    %mul3A_5 = arith.muli %arg0, %mul3A : i32
    %add3A = arith.constant 0 : i32
    %add3A_6 = arith.addi %arg1, %add3A : i32
    %lt3A = arith.constant 6250 : i32
    %lt3A_7 = arith.cmpi slt, %add3A_6, %lt3A : i32
    %convert_element_type3A = arith.extui %lt3A_7 : i1 to i32
    %cond3A = arith.constant 0 : i32
    %cond3A_8 = arith.cmpi ne, %convert_element_type3A, %cond3A : i32
    scf.if %cond3A_8 {
      %add3A_27 = arith.constant 0 : i32
      %add3A_28 = arith.addi %arg1, %add3A_27 : i32
      %mul3A_29 = arith.constant 4 : i32
      %mul3A_30 = arith.muli %add3A_28, %mul3A_29 : i32
      %add3A_31 = arith.addi %mul3A_5, %mul3A_30 : i32
      %dma_start3A = arith.constant 0 : i32
      %dma_start3A_32 = tpu.memref_slice %arg2[%add3A_31, %dma_start3A] : memref<50000x128xi32, #tpu.memory_space<hbm>> -> memref<4x128xi32, #tpu.memory_space<hbm>>
      %dma_start3A_33 = arith.constant 0 : i32
      %dma_start3A_34 = tpu.memref_slice %arg2[%add3A_31, %dma_start3A_33] : memref<50000x128xi32, #tpu.memory_space<hbm>> -> memref<4x128xi32, #tpu.memory_space<hbm>>
      tpu.enqueue_dma source(%dma_start3A_34 : memref<4x128xi32, #tpu.memory_space<hbm>>) target(%arg7 : memref<4x128xi32, #tpu.memory_space<vmem>>) target_semaphore(%arg18 : memref<!tpu.dma_semaphore, #tpu.memory_space<semaphore_mem>>)
      %dma_start3A_35 = arith.constant 0 : i32
      %dma_start3A_36 = tpu.memref_slice %arg3[%mul3A_30, %dma_start3A_35] : memref<25000x128xi32, #tpu.memory_space<hbm>> -> memref<4x128xi32, #tpu.memory_space<hbm>>
      %dma_start3A_37 = arith.constant 0 : i32
      %dma_start3A_38 = tpu.memref_slice %arg3[%mul3A_30, %dma_start3A_37] : memref<25000x128xi32, #tpu.memory_space<hbm>> -> memref<4x128xi32, #tpu.memory_space<hbm>>
      tpu.enqueue_dma source(%dma_start3A_38 : memref<4x128xi32, #tpu.memory_space<hbm>>) target(%arg10 : memref<4x128xi32, #tpu.memory_space<vmem>>) target_semaphore(%arg18 : memref<!tpu.dma_semaphore, #tpu.memory_space<semaphore_mem>>)
      %dma_wait3A = arith.constant 0 : i32
      %dma_wait3A_39 = arith.constant 0 : i32
      %dma_wait3A_40 = tpu.memref_slice %arg3[%dma_wait3A, %dma_wait3A_39] : memref<25000x128xi32, #tpu.memory_space<hbm>> -> memref<4x128xi32, #tpu.memory_space<hbm>>
      %dma_wait3A_41 = arith.constant 0 : i32
      %dma_wait3A_42 = arith.constant 0 : i32
      %dma_wait3A_43 = tpu.memref_slice %arg3[%dma_wait3A_41, %dma_wait3A_42] : memref<25000x128xi32, #tpu.memory_space<hbm>> -> memref<4x128xi32, #tpu.memory_space<hbm>>
      tpu.wait_dma2 semaphore(%arg18 : memref<!tpu.dma_semaphore, #tpu.memory_space<semaphore_mem>>) src(%dma_wait3A_43 : memref<4x128xi32, #tpu.memory_space<hbm>>) dst(%arg7 : memref<4x128xi32, #tpu.memory_space<vmem>>)
      %dma_wait3A_44 = arith.constant 0 : i32
      %dma_wait3A_45 = arith.constant 0 : i32
      %dma_wait3A_46 = tpu.memref_slice %arg3[%dma_wait3A_44, %dma_wait3A_45] : memref<25000x128xi32, #tpu.memory_space<hbm>> -> memref<4x128xi32, #tpu.memory_space<hbm>>
      %dma_wait3A_47 = arith.constant 0 : i32
      %dma_wait3A_48 = arith.constant 0 : i32
      %dma_wait3A_49 = tpu.memref_slice %arg3[%dma_wait3A_47, %dma_wait3A_48] : memref<25000x128xi32, #tpu.memory_space<hbm>> -> memref<4x128xi32, #tpu.memory_space<hbm>>
      tpu.wait_dma2 semaphore(%arg18 : memref<!tpu.dma_semaphore, #tpu.memory_space<semaphore_mem>>) src(%dma_wait3A_49 : memref<4x128xi32, #tpu.memory_space<hbm>>) dst(%arg10 : memref<4x128xi32, #tpu.memory_space<vmem>>)
      %scan3A_50 = arith.constant 0 : i32
      %scan3A_51 = arith.constant 0 : i32
      %scan3A_52 = arith.constant 4 : i32
      %scan3A_53 = arith.addi %scan3A_51, %scan3A_52 : i32
      %scan3A_54 = arith.constant 1 : i32
      scf.for %scan3A_56 = %scan3A_51 to %scan3A_53 step %scan3A_54  : i32 {
        %dma_start3A_57 = arith.constant 0 : i32
        %dma_start3A_58 = arith.constant 0 : i32
        %dma_start3A_59 = tpu.memref_slice %arg13[%scan3A_56, %dma_start3A_57, %dma_start3A_58] : memref<4x128x16xf32, #tpu.memory_space<vmem>> -> memref<1x128x16xf32, #tpu.memory_space<vmem>>
        %dma_start3A_60 = tpu.memref_squeeze %dma_start3A_59 : memref<1x128x16xf32, #tpu.memory_space<vmem>> -> memref<128x16xf32, #tpu.memory_space<vmem>>
        %dma_start3A_61 = arith.constant 0 : i32
        %dma_start3A_62 = tpu.memref_slice %arg7[%scan3A_56, %dma_start3A_61] : memref<4x128xi32, #tpu.memory_space<vmem>> -> memref<1x128xi32, #tpu.memory_space<vmem>>
        %dma_start3A_63 = tpu.memref_squeeze %dma_start3A_62 : memref<1x128xi32, #tpu.memory_space<vmem>> -> memref<128xi32, #tpu.memory_space<vmem>>
        %dma_start3A_64 = arith.constant 0 : i32
        %dma_start3A_65 = arith.constant 0 : i32
        %dma_start3A_66 = tpu.memref_slice %arg4[%dma_start3A_64, %dma_start3A_65] : memref<200000x16xf32, #tpu.memory_space<hbm>> -> memref<200000x16xf32, #tpu.memory_space<hbm>>
        tpu.enqueue_indirect_dma source(%dma_start3A_66 : memref<200000x16xf32, #tpu.memory_space<hbm>>) target(%dma_start3A_60 : memref<128x16xf32, #tpu.memory_space<vmem>>) offsets(%dma_start3A_63 : memref<128xi32, #tpu.memory_space<vmem>>) semaphore(%arg21 : memref<!tpu.dma_semaphore, #tpu.memory_space<semaphore_mem>>)
      }
      %scan3A_55 = arith.constant 4 : i32
    } else {
    }
    %add3A_9 = arith.constant 16 : i32
    %add3A_10 = arith.addi %arg1, %add3A_9 : i32
    %lt3A_11 = arith.constant 6250 : i32
    %lt3A_12 = arith.cmpi slt, %add3A_10, %lt3A_11 : i32
    %convert_element_type3A_13 = arith.extui %lt3A_12 : i1 to i32
    %cond3A_14 = arith.constant 0 : i32
    %cond3A_15 = arith.cmpi ne, %convert_element_type3A_13, %cond3A_14 : i32
    scf.if %cond3A_15 {
      %add3A_27 = arith.constant 16 : i32
      %add3A_28 = arith.addi %arg1, %add3A_27 : i32
      %mul3A_29 = arith.constant 4 : i32
      %mul3A_30 = arith.muli %add3A_28, %mul3A_29 : i32
      %add3A_31 = arith.addi %mul3A_5, %mul3A_30 : i32
      %dma_start3A = arith.constant 0 : i32
      %dma_start3A_32 = tpu.memref_slice %arg2[%add3A_31, %dma_start3A] : memref<50000x128xi32, #tpu.memory_space<hbm>> -> memref<4x128xi32, #tpu.memory_space<hbm>>
      %dma_start3A_33 = arith.constant 0 : i32
      %dma_start3A_34 = tpu.memref_slice %arg2[%add3A_31, %dma_start3A_33] : memref<50000x128xi32, #tpu.memory_space<hbm>> -> memref<4x128xi32, #tpu.memory_space<hbm>>
      tpu.enqueue_dma source(%dma_start3A_34 : memref<4x128xi32, #tpu.memory_space<hbm>>) target(%arg8 : memref<4x128xi32, #tpu.memory_space<vmem>>) target_semaphore(%arg19 : memref<!tpu.dma_semaphore, #tpu.memory_space<semaphore_mem>>)
      %dma_start3A_35 = arith.constant 0 : i32
      %dma_start3A_36 = tpu.memref_slice %arg3[%mul3A_30, %dma_start3A_35] : memref<25000x128xi32, #tpu.memory_space<hbm>> -> memref<4x128xi32, #tpu.memory_space<hbm>>
      %dma_start3A_37 = arith.constant 0 : i32
      %dma_start3A_38 = tpu.memref_slice %arg3[%mul3A_30, %dma_start3A_37] : memref<25000x128xi32, #tpu.memory_space<hbm>> -> memref<4x128xi32, #tpu.memory_space<hbm>>
      tpu.enqueue_dma source(%dma_start3A_38 : memref<4x128xi32, #tpu.memory_space<hbm>>) target(%arg11 : memref<4x128xi32, #tpu.memory_space<vmem>>) target_semaphore(%arg19 : memref<!tpu.dma_semaphore, #tpu.memory_space<semaphore_mem>>)
    } else {
    }
    %scan3A_16 = arith.constant 0 : i32
    %scan3A_17 = arith.constant 0 : i32
    %scan3A_18 = arith.constant 131 : i32
    %scan3A_19 = arith.addi %scan3A_17, %scan3A_18 : i32
    %scan3A_20 = arith.constant 1 : i32
    scf.for %scan3A_27 = %scan3A_17 to %scan3A_19 step %scan3A_20  : i32 {
      %mul3A_28 = arith.constant 3 : i32
      %mul3A_29 = arith.muli %mul3A_28, %scan3A_27 : i32
      %add3A_30 = arith.constant 0 : i32
      %add3A_31 = arith.addi %mul3A_29, %add3A_30 : i32
      %ge3A = arith.constant 1 : i32
      %ge3A_32 = arith.cmpi sge, %add3A_31, %ge3A : i32
      %sub3A = arith.constant 1 : i32
      %sub3A_33 = arith.subi %add3A_31, %sub3A : i32
      %mul3A_34 = arith.constant 16 : i32
      %mul3A_35 = arith.muli %mul3A_34, %sub3A_33 : i32
      %add3A_36 = arith.addi %arg1, %mul3A_35 : i32
      %lt3A_37 = arith.constant 6250 : i32
      %lt3A_38 = arith.cmpi slt, %add3A_36, %lt3A_37 : i32
      %and3A = arith.andi %ge3A_32, %lt3A_38 : i1
      %convert_element_type3A_39 = arith.extui %and3A : i1 to i32
      %cond3A_40 = arith.constant 0 : i32
      %cond3A_41 = arith.cmpi ne, %convert_element_type3A_39, %cond3A_40 : i32
      scf.if %cond3A_41 {
        %scan3A_160 = arith.constant 0 : i32
        %scan3A_161 = arith.constant 0 : i32
        %scan3A_162 = arith.constant 4 : i32
        %scan3A_163 = arith.addi %scan3A_161, %scan3A_162 : i32
        %scan3A_164 = arith.constant 1 : i32
        scf.for %scan3A_166 = %scan3A_161 to %scan3A_163 step %scan3A_164  : i32 {
          %dma_wait3A = arith.constant 0 : i32
          %dma_wait3A_167 = arith.constant 0 : i32
          %dma_wait3A_168 = tpu.memref_slice %arg15[%scan3A_166, %dma_wait3A, %dma_wait3A_167] : memref<4x128x16xf32, #tpu.memory_space<vmem>> -> memref<1x128x16xf32, #tpu.memory_space<vmem>>
          %dma_wait3A_169 = tpu.memref_squeeze %dma_wait3A_168 : memref<1x128x16xf32, #tpu.memory_space<vmem>> -> memref<128x16xf32, #tpu.memory_space<vmem>>
          %dma_wait3A_170 = arith.constant 0 : i32
          %dma_wait3A_171 = tpu.memref_slice %arg12[%scan3A_166, %dma_wait3A_170] : memref<4x128xi32, #tpu.memory_space<vmem>> -> memref<1x128xi32, #tpu.memory_space<vmem>>
          %dma_wait3A_172 = tpu.memref_squeeze %dma_wait3A_171 : memref<1x128xi32, #tpu.memory_space<vmem>> -> memref<128xi32, #tpu.memory_space<vmem>>
          %dma_wait3A_173 = arith.constant 0 : i32
          %dma_wait3A_174 = arith.constant 0 : i32
          %dma_wait3A_175 = tpu.memref_slice %arg17[%dma_wait3A_173, %dma_wait3A_174] : memref<100352x16xf32, #tpu.memory_space<vmem_shared>> -> memref<100352x16xf32, #tpu.memory_space<vmem_shared>>
          tpu.wait_indirect_dma semaphore(%arg26 : memref<!tpu.dma_semaphore, #tpu.memory_space<semaphore_mem>>) src(%dma_wait3A_169 : memref<128x16xf32, #tpu.memory_space<vmem>>) dst(%dma_wait3A_175 : memref<100352x16xf32, #tpu.memory_space<vmem_shared>>)
        }
        %scan3A_165 = arith.constant 4 : i32
      } else {
      }
      %add3A_42 = arith.constant 1 : i32
      %add3A_43 = arith.addi %add3A_31, %add3A_42 : i32
      %mul3A_44 = arith.constant 16 : i32
      %mul3A_45 = arith.muli %mul3A_44, %add3A_43 : i32
      %add3A_46 = arith.addi %arg1, %mul3A_45 : i32
      %lt3A_47 = arith.constant 6250 : i32
      %lt3A_48 = arith.cmpi slt, %add3A_46, %lt3A_47 : i32
      %convert_element_type3A_49 = arith.extui %lt3A_48 : i1 to i32
      %cond3A_50 = arith.constant 0 : i32
      %cond3A_51 = arith.cmpi ne, %convert_element_type3A_49, %cond3A_50 : i32
      scf.if %cond3A_51 {
        %dma_wait3A = arith.constant 0 : i32
        %dma_wait3A_160 = arith.constant 0 : i32
        %dma_wait3A_161 = tpu.memref_slice %arg3[%dma_wait3A, %dma_wait3A_160] : memref<25000x128xi32, #tpu.memory_space<hbm>> -> memref<4x128xi32, #tpu.memory_space<hbm>>
        %dma_wait3A_162 = arith.constant 0 : i32
        %dma_wait3A_163 = arith.constant 0 : i32
        %dma_wait3A_164 = tpu.memref_slice %arg3[%dma_wait3A_162, %dma_wait3A_163] : memref<25000x128xi32, #tpu.memory_space<hbm>> -> memref<4x128xi32, #tpu.memory_space<hbm>>
        tpu.wait_dma2 semaphore(%arg19 : memref<!tpu.dma_semaphore, #tpu.memory_space<semaphore_mem>>) src(%dma_wait3A_164 : memref<4x128xi32, #tpu.memory_space<hbm>>) dst(%arg8 : memref<4x128xi32, #tpu.memory_space<vmem>>)
        %dma_wait3A_165 = arith.constant 0 : i32
        %dma_wait3A_166 = arith.constant 0 : i32
        %dma_wait3A_167 = tpu.memref_slice %arg3[%dma_wait3A_165, %dma_wait3A_166] : memref<25000x128xi32, #tpu.memory_space<hbm>> -> memref<4x128xi32, #tpu.memory_space<hbm>>
        %dma_wait3A_168 = arith.constant 0 : i32
        %dma_wait3A_169 = arith.constant 0 : i32
        %dma_wait3A_170 = tpu.memref_slice %arg3[%dma_wait3A_168, %dma_wait3A_169] : memref<25000x128xi32, #tpu.memory_space<hbm>> -> memref<4x128xi32, #tpu.memory_space<hbm>>
        tpu.wait_dma2 semaphore(%arg19 : memref<!tpu.dma_semaphore, #tpu.memory_space<semaphore_mem>>) src(%dma_wait3A_170 : memref<4x128xi32, #tpu.memory_space<hbm>>) dst(%arg11 : memref<4x128xi32, #tpu.memory_space<vmem>>)
        %scan3A_171 = arith.constant 0 : i32
        %scan3A_172 = arith.constant 0 : i32
        %scan3A_173 = arith.constant 4 : i32
        %scan3A_174 = arith.addi %scan3A_172, %scan3A_173 : i32
        %scan3A_175 = arith.constant 1 : i32
        scf.for %scan3A_177 = %scan3A_172 to %scan3A_174 step %scan3A_175  : i32 {
          %dma_start3A = arith.constant 0 : i32
          %dma_start3A_178 = arith.constant 0 : i32
          %dma_start3A_179 = tpu.memref_slice %arg14[%scan3A_177, %dma_start3A, %dma_start3A_178] : memref<4x128x16xf32, #tpu.memory_space<vmem>> -> memref<1x128x16xf32, #tpu.memory_space<vmem>>
          %dma_start3A_180 = tpu.memref_squeeze %dma_start3A_179 : memref<1x128x16xf32, #tpu.memory_space<vmem>> -> memref<128x16xf32, #tpu.memory_space<vmem>>
          %dma_start3A_181 = arith.constant 0 : i32
          %dma_start3A_182 = tpu.memref_slice %arg8[%scan3A_177, %dma_start3A_181] : memref<4x128xi32, #tpu.memory_space<vmem>> -> memref<1x128xi32, #tpu.memory_space<vmem>>
          %dma_start3A_183 = tpu.memref_squeeze %dma_start3A_182 : memref<1x128xi32, #tpu.memory_space<vmem>> -> memref<128xi32, #tpu.memory_space<vmem>>
          %dma_start3A_184 = arith.constant 0 : i32
          %dma_start3A_185 = arith.constant 0 : i32
          %dma_start3A_186 = tpu.memref_slice %arg4[%dma_start3A_184, %dma_start3A_185] : memref<200000x16xf32, #tpu.memory_space<hbm>> -> memref<200000x16xf32, #tpu.memory_space<hbm>>
          tpu.enqueue_indirect_dma source(%dma_start3A_186 : memref<200000x16xf32, #tpu.memory_space<hbm>>) target(%dma_start3A_180 : memref<128x16xf32, #tpu.memory_space<vmem>>) offsets(%dma_start3A_183 : memref<128xi32, #tpu.memory_space<vmem>>) semaphore(%arg22 : memref<!tpu.dma_semaphore, #tpu.memory_space<semaphore_mem>>)
        }
        %scan3A_176 = arith.constant 4 : i32
      } else {
      }
      %add3A_52 = arith.constant 2 : i32
      %add3A_53 = arith.addi %add3A_31, %add3A_52 : i32
      %mul3A_54 = arith.constant 16 : i32
      %mul3A_55 = arith.muli %mul3A_54, %add3A_53 : i32
      %add3A_56 = arith.addi %arg1, %mul3A_55 : i32
      %lt3A_57 = arith.constant 6250 : i32
      %lt3A_58 = arith.cmpi slt, %add3A_56, %lt3A_57 : i32
      %convert_element_type3A_59 = arith.extui %lt3A_58 : i1 to i32
      %cond3A_60 = arith.constant 0 : i32
      %cond3A_61 = arith.cmpi ne, %convert_element_type3A_59, %cond3A_60 : i32
      scf.if %cond3A_61 {
        %add3A_160 = arith.constant 2 : i32
        %add3A_161 = arith.addi %add3A_31, %add3A_160 : i32
        %mul3A_162 = arith.constant 16 : i32
        %mul3A_163 = arith.muli %mul3A_162, %add3A_161 : i32
        %add3A_164 = arith.addi %arg1, %mul3A_163 : i32
        %mul3A_165 = arith.constant 4 : i32
        %mul3A_166 = arith.muli %add3A_164, %mul3A_165 : i32
        %add3A_167 = arith.addi %mul3A_5, %mul3A_166 : i32
        %dma_start3A = arith.constant 0 : i32
        %dma_start3A_168 = tpu.memref_slice %arg2[%add3A_167, %dma_start3A] : memref<50000x128xi32, #tpu.memory_space<hbm>> -> memref<4x128xi32, #tpu.memory_space<hbm>>
        %dma_start3A_169 = arith.constant 0 : i32
        %dma_start3A_170 = tpu.memref_slice %arg2[%add3A_167, %dma_start3A_169] : memref<50000x128xi32, #tpu.memory_space<hbm>> -> memref<4x128xi32, #tpu.memory_space<hbm>>
        tpu.enqueue_dma source(%dma_start3A_170 : memref<4x128xi32, #tpu.memory_space<hbm>>) target(%arg9 : memref<4x128xi32, #tpu.memory_space<vmem>>) target_semaphore(%arg20 : memref<!tpu.dma_semaphore, #tpu.memory_space<semaphore_mem>>)
        %dma_start3A_171 = arith.constant 0 : i32
        %dma_start3A_172 = tpu.memref_slice %arg3[%mul3A_166, %dma_start3A_171] : memref<25000x128xi32, #tpu.memory_space<hbm>> -> memref<4x128xi32, #tpu.memory_space<hbm>>
        %dma_start3A_173 = arith.constant 0 : i32
        %dma_start3A_174 = tpu.memref_slice %arg3[%mul3A_166, %dma_start3A_173] : memref<25000x128xi32, #tpu.memory_space<hbm>> -> memref<4x128xi32, #tpu.memory_space<hbm>>
        tpu.enqueue_dma source(%dma_start3A_174 : memref<4x128xi32, #tpu.memory_space<hbm>>) target(%arg12 : memref<4x128xi32, #tpu.memory_space<vmem>>) target_semaphore(%arg20 : memref<!tpu.dma_semaphore, #tpu.memory_space<semaphore_mem>>)
      } else {
      }
      %mul3A_62 = arith.constant 16 : i32
      %mul3A_63 = arith.muli %mul3A_62, %add3A_31 : i32
      %add3A_64 = arith.addi %arg1, %mul3A_63 : i32
      %lt3A_65 = arith.constant 6250 : i32
      %lt3A_66 = arith.cmpi slt, %add3A_64, %lt3A_65 : i32
      %convert_element_type3A_67 = arith.extui %lt3A_66 : i1 to i32
      %cond3A_68 = arith.constant 0 : i32
      %cond3A_69 = arith.cmpi ne, %convert_element_type3A_67, %cond3A_68 : i32
      scf.if %cond3A_69 {
        %scan3A_160 = arith.constant 0 : i32
        %scan3A_161 = arith.constant 0 : i32
        %scan3A_162 = arith.constant 4 : i32
        %scan3A_163 = arith.addi %scan3A_161, %scan3A_162 : i32
        %scan3A_164 = arith.constant 1 : i32
        scf.for %scan3A_172 = %scan3A_161 to %scan3A_163 step %scan3A_164  : i32 {
          %dma_wait3A = arith.constant 0 : i32
          %dma_wait3A_173 = arith.constant 0 : i32
          %dma_wait3A_174 = tpu.memref_slice %arg13[%scan3A_172, %dma_wait3A, %dma_wait3A_173] : memref<4x128x16xf32, #tpu.memory_space<vmem>> -> memref<1x128x16xf32, #tpu.memory_space<vmem>>
          %dma_wait3A_175 = tpu.memref_squeeze %dma_wait3A_174 : memref<1x128x16xf32, #tpu.memory_space<vmem>> -> memref<128x16xf32, #tpu.memory_space<vmem>>
          %dma_wait3A_176 = arith.constant 0 : i32
          %dma_wait3A_177 = tpu.memref_slice %arg7[%scan3A_172, %dma_wait3A_176] : memref<4x128xi32, #tpu.memory_space<vmem>> -> memref<1x128xi32, #tpu.memory_space<vmem>>
          %dma_wait3A_178 = tpu.memref_squeeze %dma_wait3A_177 : memref<1x128xi32, #tpu.memory_space<vmem>> -> memref<128xi32, #tpu.memory_space<vmem>>
          %dma_wait3A_179 = arith.constant 0 : i32
          %dma_wait3A_180 = arith.constant 0 : i32
          %dma_wait3A_181 = tpu.memref_slice %arg4[%dma_wait3A_179, %dma_wait3A_180] : memref<200000x16xf32, #tpu.memory_space<hbm>> -> memref<200000x16xf32, #tpu.memory_space<hbm>>
          tpu.wait_indirect_dma semaphore(%arg21 : memref<!tpu.dma_semaphore, #tpu.memory_space<semaphore_mem>>) src(%dma_wait3A_181 : memref<200000x16xf32, #tpu.memory_space<hbm>>) dst(%dma_wait3A_175 : memref<128x16xf32, #tpu.memory_space<vmem>>)
        }
        %scan3A_165 = arith.constant 4 : i32
        %scan3A_166 = arith.constant 0 : i32
        %scan3A_167 = arith.constant 0 : i32
        %scan3A_168 = arith.constant 4 : i32
        %scan3A_169 = arith.addi %scan3A_167, %scan3A_168 : i32
        %scan3A_170 = arith.constant 1 : i32
        scf.for %scan3A_172 = %scan3A_167 to %scan3A_169 step %scan3A_170  : i32 {
          %dma_start3A = arith.constant 0 : i32
          %dma_start3A_173 = arith.constant 0 : i32
          %dma_start3A_174 = tpu.memref_slice %arg13[%scan3A_172, %dma_start3A, %dma_start3A_173] : memref<4x128x16xf32, #tpu.memory_space<vmem>> -> memref<1x128x16xf32, #tpu.memory_space<vmem>>
          %dma_start3A_175 = tpu.memref_squeeze %dma_start3A_174 : memref<1x128x16xf32, #tpu.memory_space<vmem>> -> memref<128x16xf32, #tpu.memory_space<vmem>>
          %dma_start3A_176 = arith.constant 0 : i32
          %dma_start3A_177 = tpu.memref_slice %arg10[%scan3A_172, %dma_start3A_176] : memref<4x128xi32, #tpu.memory_space<vmem>> -> memref<1x128xi32, #tpu.memory_space<vmem>>
          %dma_start3A_178 = tpu.memref_squeeze %dma_start3A_177 : memref<1x128xi32, #tpu.memory_space<vmem>> -> memref<128xi32, #tpu.memory_space<vmem>>
          %dma_start3A_179 = arith.constant 0 : i32
          %dma_start3A_180 = arith.constant 0 : i32
          %dma_start3A_181 = tpu.memref_slice %arg17[%dma_start3A_179, %dma_start3A_180] : memref<100352x16xf32, #tpu.memory_space<vmem_shared>> -> memref<100352x16xf32, #tpu.memory_space<vmem_shared>>
          tpu.enqueue_indirect_dma source(%dma_start3A_175 : memref<128x16xf32, #tpu.memory_space<vmem>>) target(%dma_start3A_181 : memref<100352x16xf32, #tpu.memory_space<vmem_shared>>) offsets(%dma_start3A_178 : memref<128xi32, #tpu.memory_space<vmem>>) semaphore(%arg24 : memref<!tpu.dma_semaphore, #tpu.memory_space<semaphore_mem>>) {add = true}
        }
        %scan3A_171 = arith.constant 4 : i32
      } else {
      }
      %mul3A_70 = arith.constant 3 : i32
      %mul3A_71 = arith.muli %mul3A_70, %scan3A_27 : i32
      %add3A_72 = arith.constant 1 : i32
      %add3A_73 = arith.addi %mul3A_71, %add3A_72 : i32
      %ge3A_74 = arith.constant 1 : i32
      %ge3A_75 = arith.cmpi sge, %add3A_73, %ge3A_74 : i32
      %sub3A_76 = arith.constant 1 : i32
      %sub3A_77 = arith.subi %add3A_73, %sub3A_76 : i32
      %mul3A_78 = arith.constant 16 : i32
      %mul3A_79 = arith.muli %mul3A_78, %sub3A_77 : i32
      %add3A_80 = arith.addi %arg1, %mul3A_79 : i32
      %lt3A_81 = arith.constant 6250 : i32
      %lt3A_82 = arith.cmpi slt, %add3A_80, %lt3A_81 : i32
      %and3A_83 = arith.andi %ge3A_75, %lt3A_82 : i1
      %convert_element_type3A_84 = arith.extui %and3A_83 : i1 to i32
      %cond3A_85 = arith.constant 0 : i32
      %cond3A_86 = arith.cmpi ne, %convert_element_type3A_84, %cond3A_85 : i32
      scf.if %cond3A_86 {
        %scan3A_160 = arith.constant 0 : i32
        %scan3A_161 = arith.constant 0 : i32
        %scan3A_162 = arith.constant 4 : i32
        %scan3A_163 = arith.addi %scan3A_161, %scan3A_162 : i32
        %scan3A_164 = arith.constant 1 : i32
        scf.for %scan3A_166 = %scan3A_161 to %scan3A_163 step %scan3A_164  : i32 {
          %dma_wait3A = arith.constant 0 : i32
          %dma_wait3A_167 = arith.constant 0 : i32
          %dma_wait3A_168 = tpu.memref_slice %arg13[%scan3A_166, %dma_wait3A, %dma_wait3A_167] : memref<4x128x16xf32, #tpu.memory_space<vmem>> -> memref<1x128x16xf32, #tpu.memory_space<vmem>>
          %dma_wait3A_169 = tpu.memref_squeeze %dma_wait3A_168 : memref<1x128x16xf32, #tpu.memory_space<vmem>> -> memref<128x16xf32, #tpu.memory_space<vmem>>
          %dma_wait3A_170 = arith.constant 0 : i32
          %dma_wait3A_171 = tpu.memref_slice %arg10[%scan3A_166, %dma_wait3A_170] : memref<4x128xi32, #tpu.memory_space<vmem>> -> memref<1x128xi32, #tpu.memory_space<vmem>>
          %dma_wait3A_172 = tpu.memref_squeeze %dma_wait3A_171 : memref<1x128xi32, #tpu.memory_space<vmem>> -> memref<128xi32, #tpu.memory_space<vmem>>
          %dma_wait3A_173 = arith.constant 0 : i32
          %dma_wait3A_174 = arith.constant 0 : i32
          %dma_wait3A_175 = tpu.memref_slice %arg17[%dma_wait3A_173, %dma_wait3A_174] : memref<100352x16xf32, #tpu.memory_space<vmem_shared>> -> memref<100352x16xf32, #tpu.memory_space<vmem_shared>>
          tpu.wait_indirect_dma semaphore(%arg24 : memref<!tpu.dma_semaphore, #tpu.memory_space<semaphore_mem>>) src(%dma_wait3A_169 : memref<128x16xf32, #tpu.memory_space<vmem>>) dst(%dma_wait3A_175 : memref<100352x16xf32, #tpu.memory_space<vmem_shared>>)
        }
        %scan3A_165 = arith.constant 4 : i32
      } else {
      }
      %add3A_87 = arith.constant 1 : i32
      %add3A_88 = arith.addi %add3A_73, %add3A_87 : i32
      %mul3A_89 = arith.constant 16 : i32
      %mul3A_90 = arith.muli %mul3A_89, %add3A_88 : i32
      %add3A_91 = arith.addi %arg1, %mul3A_90 : i32
      %lt3A_92 = arith.constant 6250 : i32
      %lt3A_93 = arith.cmpi slt, %add3A_91, %lt3A_92 : i32
      %convert_element_type3A_94 = arith.extui %lt3A_93 : i1 to i32
      %cond3A_95 = arith.constant 0 : i32
      %cond3A_96 = arith.cmpi ne, %convert_element_type3A_94, %cond3A_95 : i32
      scf.if %cond3A_96 {
        %dma_wait3A = arith.constant 0 : i32
        %dma_wait3A_160 = arith.constant 0 : i32
        %dma_wait3A_161 = tpu.memref_slice %arg3[%dma_wait3A, %dma_wait3A_160] : memref<25000x128xi32, #tpu.memory_space<hbm>> -> memref<4x128xi32, #tpu.memory_space<hbm>>
        %dma_wait3A_162 = arith.constant 0 : i32
        %dma_wait3A_163 = arith.constant 0 : i32
        %dma_wait3A_164 = tpu.memref_slice %arg3[%dma_wait3A_162, %dma_wait3A_163] : memref<25000x128xi32, #tpu.memory_space<hbm>> -> memref<4x128xi32, #tpu.memory_space<hbm>>
        tpu.wait_dma2 semaphore(%arg20 : memref<!tpu.dma_semaphore, #tpu.memory_space<semaphore_mem>>) src(%dma_wait3A_164 : memref<4x128xi32, #tpu.memory_space<hbm>>) dst(%arg9 : memref<4x128xi32, #tpu.memory_space<vmem>>)
        %dma_wait3A_165 = arith.constant 0 : i32
        %dma_wait3A_166 = arith.constant 0 : i32
        %dma_wait3A_167 = tpu.memref_slice %arg3[%dma_wait3A_165, %dma_wait3A_166] : memref<25000x128xi32, #tpu.memory_space<hbm>> -> memref<4x128xi32, #tpu.memory_space<hbm>>
        %dma_wait3A_168 = arith.constant 0 : i32
        %dma_wait3A_169 = arith.constant 0 : i32
        %dma_wait3A_170 = tpu.memref_slice %arg3[%dma_wait3A_168, %dma_wait3A_169] : memref<25000x128xi32, #tpu.memory_space<hbm>> -> memref<4x128xi32, #tpu.memory_space<hbm>>
        tpu.wait_dma2 semaphore(%arg20 : memref<!tpu.dma_semaphore, #tpu.memory_space<semaphore_mem>>) src(%dma_wait3A_170 : memref<4x128xi32, #tpu.memory_space<hbm>>) dst(%arg12 : memref<4x128xi32, #tpu.memory_space<vmem>>)
        %scan3A_171 = arith.constant 0 : i32
        %scan3A_172 = arith.constant 0 : i32
        %scan3A_173 = arith.constant 4 : i32
        %scan3A_174 = arith.addi %scan3A_172, %scan3A_173 : i32
        %scan3A_175 = arith.constant 1 : i32
        scf.for %scan3A_177 = %scan3A_172 to %scan3A_174 step %scan3A_175  : i32 {
          %dma_start3A = arith.constant 0 : i32
          %dma_start3A_178 = arith.constant 0 : i32
          %dma_start3A_179 = tpu.memref_slice %arg15[%scan3A_177, %dma_start3A, %dma_start3A_178] : memref<4x128x16xf32, #tpu.memory_space<vmem>> -> memref<1x128x16xf32, #tpu.memory_space<vmem>>
          %dma_start3A_180 = tpu.memref_squeeze %dma_start3A_179 : memref<1x128x16xf32, #tpu.memory_space<vmem>> -> memref<128x16xf32, #tpu.memory_space<vmem>>
          %dma_start3A_181 = arith.constant 0 : i32
          %dma_start3A_182 = tpu.memref_slice %arg9[%scan3A_177, %dma_start3A_181] : memref<4x128xi32, #tpu.memory_space<vmem>> -> memref<1x128xi32, #tpu.memory_space<vmem>>
          %dma_start3A_183 = tpu.memref_squeeze %dma_start3A_182 : memref<1x128xi32, #tpu.memory_space<vmem>> -> memref<128xi32, #tpu.memory_space<vmem>>
          %dma_start3A_184 = arith.constant 0 : i32
          %dma_start3A_185 = arith.constant 0 : i32
          %dma_start3A_186 = tpu.memref_slice %arg4[%dma_start3A_184, %dma_start3A_185] : memref<200000x16xf32, #tpu.memory_space<hbm>> -> memref<200000x16xf32, #tpu.memory_space<hbm>>
          tpu.enqueue_indirect_dma source(%dma_start3A_186 : memref<200000x16xf32, #tpu.memory_space<hbm>>) target(%dma_start3A_180 : memref<128x16xf32, #tpu.memory_space<vmem>>) offsets(%dma_start3A_183 : memref<128xi32, #tpu.memory_space<vmem>>) semaphore(%arg23 : memref<!tpu.dma_semaphore, #tpu.memory_space<semaphore_mem>>)
        }
        %scan3A_176 = arith.constant 4 : i32
      } else {
      }
      %add3A_97 = arith.constant 2 : i32
      %add3A_98 = arith.addi %add3A_73, %add3A_97 : i32
      %mul3A_99 = arith.constant 16 : i32
      %mul3A_100 = arith.muli %mul3A_99, %add3A_98 : i32
      %add3A_101 = arith.addi %arg1, %mul3A_100 : i32
      %lt3A_102 = arith.constant 6250 : i32
      %lt3A_103 = arith.cmpi slt, %add3A_101, %lt3A_102 : i32
      %convert_element_type3A_104 = arith.extui %lt3A_103 : i1 to i32
      %cond3A_105 = arith.constant 0 : i32
      %cond3A_106 = arith.cmpi ne, %convert_element_type3A_104, %cond3A_105 : i32
      scf.if %cond3A_106 {
        %add3A_160 = arith.constant 2 : i32
        %add3A_161 = arith.addi %add3A_73, %add3A_160 : i32
        %mul3A_162 = arith.constant 16 : i32
        %mul3A_163 = arith.muli %mul3A_162, %add3A_161 : i32
        %add3A_164 = arith.addi %arg1, %mul3A_163 : i32
        %mul3A_165 = arith.constant 4 : i32
        %mul3A_166 = arith.muli %add3A_164, %mul3A_165 : i32
        %add3A_167 = arith.addi %mul3A_5, %mul3A_166 : i32
        %dma_start3A = arith.constant 0 : i32
        %dma_start3A_168 = tpu.memref_slice %arg2[%add3A_167, %dma_start3A] : memref<50000x128xi32, #tpu.memory_space<hbm>> -> memref<4x128xi32, #tpu.memory_space<hbm>>
        %dma_start3A_169 = arith.constant 0 : i32
        %dma_start3A_170 = tpu.memref_slice %arg2[%add3A_167, %dma_start3A_169] : memref<50000x128xi32, #tpu.memory_space<hbm>> -> memref<4x128xi32, #tpu.memory_space<hbm>>
        tpu.enqueue_dma source(%dma_start3A_170 : memref<4x128xi32, #tpu.memory_space<hbm>>) target(%arg7 : memref<4x128xi32, #tpu.memory_space<vmem>>) target_semaphore(%arg18 : memref<!tpu.dma_semaphore, #tpu.memory_space<semaphore_mem>>)
        %dma_start3A_171 = arith.constant 0 : i32
        %dma_start3A_172 = tpu.memref_slice %arg3[%mul3A_166, %dma_start3A_171] : memref<25000x128xi32, #tpu.memory_space<hbm>> -> memref<4x128xi32, #tpu.memory_space<hbm>>
        %dma_start3A_173 = arith.constant 0 : i32
        %dma_start3A_174 = tpu.memref_slice %arg3[%mul3A_166, %dma_start3A_173] : memref<25000x128xi32, #tpu.memory_space<hbm>> -> memref<4x128xi32, #tpu.memory_space<hbm>>
        tpu.enqueue_dma source(%dma_start3A_174 : memref<4x128xi32, #tpu.memory_space<hbm>>) target(%arg10 : memref<4x128xi32, #tpu.memory_space<vmem>>) target_semaphore(%arg18 : memref<!tpu.dma_semaphore, #tpu.memory_space<semaphore_mem>>)
      } else {
      }
      %mul3A_107 = arith.constant 16 : i32
      %mul3A_108 = arith.muli %mul3A_107, %add3A_73 : i32
      %add3A_109 = arith.addi %arg1, %mul3A_108 : i32
      %lt3A_110 = arith.constant 6250 : i32
      %lt3A_111 = arith.cmpi slt, %add3A_109, %lt3A_110 : i32
      %convert_element_type3A_112 = arith.extui %lt3A_111 : i1 to i32
      %cond3A_113 = arith.constant 0 : i32
      %cond3A_114 = arith.cmpi ne, %convert_element_type3A_112, %cond3A_113 : i32
      scf.if %cond3A_114 {
        %scan3A_160 = arith.constant 0 : i32
        %scan3A_161 = arith.constant 0 : i32
        %scan3A_162 = arith.constant 4 : i32
        %scan3A_163 = arith.addi %scan3A_161, %scan3A_162 : i32
        %scan3A_164 = arith.constant 1 : i32
        scf.for %scan3A_172 = %scan3A_161 to %scan3A_163 step %scan3A_164  : i32 {
          %dma_wait3A = arith.constant 0 : i32
          %dma_wait3A_173 = arith.constant 0 : i32
          %dma_wait3A_174 = tpu.memref_slice %arg14[%scan3A_172, %dma_wait3A, %dma_wait3A_173] : memref<4x128x16xf32, #tpu.memory_space<vmem>> -> memref<1x128x16xf32, #tpu.memory_space<vmem>>
          %dma_wait3A_175 = tpu.memref_squeeze %dma_wait3A_174 : memref<1x128x16xf32, #tpu.memory_space<vmem>> -> memref<128x16xf32, #tpu.memory_space<vmem>>
          %dma_wait3A_176 = arith.constant 0 : i32
          %dma_wait3A_177 = tpu.memref_slice %arg8[%scan3A_172, %dma_wait3A_176] : memref<4x128xi32, #tpu.memory_space<vmem>> -> memref<1x128xi32, #tpu.memory_space<vmem>>
          %dma_wait3A_178 = tpu.memref_squeeze %dma_wait3A_177 : memref<1x128xi32, #tpu.memory_space<vmem>> -> memref<128xi32, #tpu.memory_space<vmem>>
          %dma_wait3A_179 = arith.constant 0 : i32
          %dma_wait3A_180 = arith.constant 0 : i32
          %dma_wait3A_181 = tpu.memref_slice %arg4[%dma_wait3A_179, %dma_wait3A_180] : memref<200000x16xf32, #tpu.memory_space<hbm>> -> memref<200000x16xf32, #tpu.memory_space<hbm>>
          tpu.wait_indirect_dma semaphore(%arg22 : memref<!tpu.dma_semaphore, #tpu.memory_space<semaphore_mem>>) src(%dma_wait3A_181 : memref<200000x16xf32, #tpu.memory_space<hbm>>) dst(%dma_wait3A_175 : memref<128x16xf32, #tpu.memory_space<vmem>>)
        }
        %scan3A_165 = arith.constant 4 : i32
        %scan3A_166 = arith.constant 0 : i32
        %scan3A_167 = arith.constant 0 : i32
        %scan3A_168 = arith.constant 4 : i32
        %scan3A_169 = arith.addi %scan3A_167, %scan3A_168 : i32
        %scan3A_170 = arith.constant 1 : i32
        scf.for %scan3A_172 = %scan3A_167 to %scan3A_169 step %scan3A_170  : i32 {
          %dma_start3A = arith.constant 0 : i32
          %dma_start3A_173 = arith.constant 0 : i32
          %dma_start3A_174 = tpu.memref_slice %arg14[%scan3A_172, %dma_start3A, %dma_start3A_173] : memref<4x128x16xf32, #tpu.memory_space<vmem>> -> memref<1x128x16xf32, #tpu.memory_space<vmem>>
          %dma_start3A_175 = tpu.memref_squeeze %dma_start3A_174 : memref<1x128x16xf32, #tpu.memory_space<vmem>> -> memref<128x16xf32, #tpu.memory_space<vmem>>
          %dma_start3A_176 = arith.constant 0 : i32
          %dma_start3A_177 = tpu.memref_slice %arg11[%scan3A_172, %dma_start3A_176] : memref<4x128xi32, #tpu.memory_space<vmem>> -> memref<1x128xi32, #tpu.memory_space<vmem>>
          %dma_start3A_178 = tpu.memref_squeeze %dma_start3A_177 : memref<1x128xi32, #tpu.memory_space<vmem>> -> memref<128xi32, #tpu.memory_space<vmem>>
          %dma_start3A_179 = arith.constant 0 : i32
          %dma_start3A_180 = arith.constant 0 : i32
          %dma_start3A_181 = tpu.memref_slice %arg17[%dma_start3A_179, %dma_start3A_180] : memref<100352x16xf32, #tpu.memory_space<vmem_shared>> -> memref<100352x16xf32, #tpu.memory_space<vmem_shared>>
          tpu.enqueue_indirect_dma source(%dma_start3A_175 : memref<128x16xf32, #tpu.memory_space<vmem>>) target(%dma_start3A_181 : memref<100352x16xf32, #tpu.memory_space<vmem_shared>>) offsets(%dma_start3A_178 : memref<128xi32, #tpu.memory_space<vmem>>) semaphore(%arg25 : memref<!tpu.dma_semaphore, #tpu.memory_space<semaphore_mem>>) {add = true}
        }
        %scan3A_171 = arith.constant 4 : i32
      } else {
      }
      %mul3A_115 = arith.constant 3 : i32
      %mul3A_116 = arith.muli %mul3A_115, %scan3A_27 : i32
      %add3A_117 = arith.constant 2 : i32
      %add3A_118 = arith.addi %mul3A_116, %add3A_117 : i32
      %ge3A_119 = arith.constant 1 : i32
      %ge3A_120 = arith.cmpi sge, %add3A_118, %ge3A_119 : i32
      %sub3A_121 = arith.constant 1 : i32
      %sub3A_122 = arith.subi %add3A_118, %sub3A_121 : i32
      %mul3A_123 = arith.constant 16 : i32
      %mul3A_124 = arith.muli %mul3A_123, %sub3A_122 : i32
      %add3A_125 = arith.addi %arg1, %mul3A_124 : i32
      %lt3A_126 = arith.constant 6250 : i32
      %lt3A_127 = arith.cmpi slt, %add3A_125, %lt3A_126 : i32
      %and3A_128 = arith.andi %ge3A_120, %lt3A_127 : i1
      %convert_element_type3A_129 = arith.extui %and3A_128 : i1 to i32
      %cond3A_130 = arith.constant 0 : i32
      %cond3A_131 = arith.cmpi ne, %convert_element_type3A_129, %cond3A_130 : i32
      scf.if %cond3A_131 {
        %scan3A_160 = arith.constant 0 : i32
        %scan3A_161 = arith.constant 0 : i32
        %scan3A_162 = arith.constant 4 : i32
        %scan3A_163 = arith.addi %scan3A_161, %scan3A_162 : i32
        %scan3A_164 = arith.constant 1 : i32
        scf.for %scan3A_166 = %scan3A_161 to %scan3A_163 step %scan3A_164  : i32 {
          %dma_wait3A = arith.constant 0 : i32
          %dma_wait3A_167 = arith.constant 0 : i32
          %dma_wait3A_168 = tpu.memref_slice %arg14[%scan3A_166, %dma_wait3A, %dma_wait3A_167] : memref<4x128x16xf32, #tpu.memory_space<vmem>> -> memref<1x128x16xf32, #tpu.memory_space<vmem>>
          %dma_wait3A_169 = tpu.memref_squeeze %dma_wait3A_168 : memref<1x128x16xf32, #tpu.memory_space<vmem>> -> memref<128x16xf32, #tpu.memory_space<vmem>>
          %dma_wait3A_170 = arith.constant 0 : i32
          %dma_wait3A_171 = tpu.memref_slice %arg11[%scan3A_166, %dma_wait3A_170] : memref<4x128xi32, #tpu.memory_space<vmem>> -> memref<1x128xi32, #tpu.memory_space<vmem>>
          %dma_wait3A_172 = tpu.memref_squeeze %dma_wait3A_171 : memref<1x128xi32, #tpu.memory_space<vmem>> -> memref<128xi32, #tpu.memory_space<vmem>>
          %dma_wait3A_173 = arith.constant 0 : i32
          %dma_wait3A_174 = arith.constant 0 : i32
          %dma_wait3A_175 = tpu.memref_slice %arg17[%dma_wait3A_173, %dma_wait3A_174] : memref<100352x16xf32, #tpu.memory_space<vmem_shared>> -> memref<100352x16xf32, #tpu.memory_space<vmem_shared>>
          tpu.wait_indirect_dma semaphore(%arg25 : memref<!tpu.dma_semaphore, #tpu.memory_space<semaphore_mem>>) src(%dma_wait3A_169 : memref<128x16xf32, #tpu.memory_space<vmem>>) dst(%dma_wait3A_175 : memref<100352x16xf32, #tpu.memory_space<vmem_shared>>)
        }
        %scan3A_165 = arith.constant 4 : i32
      } else {
      }
      %add3A_132 = arith.constant 1 : i32
      %add3A_133 = arith.addi %add3A_118, %add3A_132 : i32
      %mul3A_134 = arith.constant 16 : i32
      %mul3A_135 = arith.muli %mul3A_134, %add3A_133 : i32
      %add3A_136 = arith.addi %arg1, %mul3A_135 : i32
      %lt3A_137 = arith.constant 6250 : i32
      %lt3A_138 = arith.cmpi slt, %add3A_136, %lt3A_137 : i32
      %convert_element_type3A_139 = arith.extui %lt3A_138 : i1 to i32
      %cond3A_140 = arith.constant 0 : i32
      %cond3A_141 = arith.cmpi ne, %convert_element_type3A_139, %cond3A_140 : i32
      scf.if %cond3A_141 {
        %dma_wait3A = arith.constant 0 : i32
        %dma_wait3A_160 = arith.constant 0 : i32
        %dma_wait3A_161 = tpu.memref_slice %arg3[%dma_wait3A, %dma_wait3A_160] : memref<25000x128xi32, #tpu.memory_space<hbm>> -> memref<4x128xi32, #tpu.memory_space<hbm>>
        %dma_wait3A_162 = arith.constant 0 : i32
        %dma_wait3A_163 = arith.constant 0 : i32
        %dma_wait3A_164 = tpu.memref_slice %arg3[%dma_wait3A_162, %dma_wait3A_163] : memref<25000x128xi32, #tpu.memory_space<hbm>> -> memref<4x128xi32, #tpu.memory_space<hbm>>
        tpu.wait_dma2 semaphore(%arg18 : memref<!tpu.dma_semaphore, #tpu.memory_space<semaphore_mem>>) src(%dma_wait3A_164 : memref<4x128xi32, #tpu.memory_space<hbm>>) dst(%arg7 : memref<4x128xi32, #tpu.memory_space<vmem>>)
        %dma_wait3A_165 = arith.constant 0 : i32
        %dma_wait3A_166 = arith.constant 0 : i32
        %dma_wait3A_167 = tpu.memref_slice %arg3[%dma_wait3A_165, %dma_wait3A_166] : memref<25000x128xi32, #tpu.memory_space<hbm>> -> memref<4x128xi32, #tpu.memory_space<hbm>>
        %dma_wait3A_168 = arith.constant 0 : i32
        %dma_wait3A_169 = arith.constant 0 : i32
        %dma_wait3A_170 = tpu.memref_slice %arg3[%dma_wait3A_168, %dma_wait3A_169] : memref<25000x128xi32, #tpu.memory_space<hbm>> -> memref<4x128xi32, #tpu.memory_space<hbm>>
        tpu.wait_dma2 semaphore(%arg18 : memref<!tpu.dma_semaphore, #tpu.memory_space<semaphore_mem>>) src(%dma_wait3A_170 : memref<4x128xi32, #tpu.memory_space<hbm>>) dst(%arg10 : memref<4x128xi32, #tpu.memory_space<vmem>>)
        %scan3A_171 = arith.constant 0 : i32
        %scan3A_172 = arith.constant 0 : i32
        %scan3A_173 = arith.constant 4 : i32
        %scan3A_174 = arith.addi %scan3A_172, %scan3A_173 : i32
        %scan3A_175 = arith.constant 1 : i32
        scf.for %scan3A_177 = %scan3A_172 to %scan3A_174 step %scan3A_175  : i32 {
          %dma_start3A = arith.constant 0 : i32
          %dma_start3A_178 = arith.constant 0 : i32
          %dma_start3A_179 = tpu.memref_slice %arg13[%scan3A_177, %dma_start3A, %dma_start3A_178] : memref<4x128x16xf32, #tpu.memory_space<vmem>> -> memref<1x128x16xf32, #tpu.memory_space<vmem>>
          %dma_start3A_180 = tpu.memref_squeeze %dma_start3A_179 : memref<1x128x16xf32, #tpu.memory_space<vmem>> -> memref<128x16xf32, #tpu.memory_space<vmem>>
          %dma_start3A_181 = arith.constant 0 : i32
          %dma_start3A_182 = tpu.memref_slice %arg7[%scan3A_177, %dma_start3A_181] : memref<4x128xi32, #tpu.memory_space<vmem>> -> memref<1x128xi32, #tpu.memory_space<vmem>>
          %dma_start3A_183 = tpu.memref_squeeze %dma_start3A_182 : memref<1x128xi32, #tpu.memory_space<vmem>> -> memref<128xi32, #tpu.memory_space<vmem>>
          %dma_start3A_184 = arith.constant 0 : i32
          %dma_start3A_185 = arith.constant 0 : i32
          %dma_start3A_186 = tpu.memref_slice %arg4[%dma_start3A_184, %dma_start3A_185] : memref<200000x16xf32, #tpu.memory_space<hbm>> -> memref<200000x16xf32, #tpu.memory_space<hbm>>
          tpu.enqueue_indirect_dma source(%dma_start3A_186 : memref<200000x16xf32, #tpu.memory_space<hbm>>) target(%dma_start3A_180 : memref<128x16xf32, #tpu.memory_space<vmem>>) offsets(%dma_start3A_183 : memref<128xi32, #tpu.memory_space<vmem>>) semaphore(%arg21 : memref<!tpu.dma_semaphore, #tpu.memory_space<semaphore_mem>>)
        }
        %scan3A_176 = arith.constant 4 : i32
      } else {
      }
      %add3A_142 = arith.constant 2 : i32
      %add3A_143 = arith.addi %add3A_118, %add3A_142 : i32
      %mul3A_144 = arith.constant 16 : i32
      %mul3A_145 = arith.muli %mul3A_144, %add3A_143 : i32
      %add3A_146 = arith.addi %arg1, %mul3A_145 : i32
      %lt3A_147 = arith.constant 6250 : i32
      %lt3A_148 = arith.cmpi slt, %add3A_146, %lt3A_147 : i32
      %convert_element_type3A_149 = arith.extui %lt3A_148 : i1 to i32
      %cond3A_150 = arith.constant 0 : i32
      %cond3A_151 = arith.cmpi ne, %convert_element_type3A_149, %cond3A_150 : i32
      scf.if %cond3A_151 {
        %add3A_160 = arith.constant 2 : i32
        %add3A_161 = arith.addi %add3A_118, %add3A_160 : i32
        %mul3A_162 = arith.constant 16 : i32
        %mul3A_163 = arith.muli %mul3A_162, %add3A_161 : i32
        %add3A_164 = arith.addi %arg1, %mul3A_163 : i32
        %mul3A_165 = arith.constant 4 : i32
        %mul3A_166 = arith.muli %add3A_164, %mul3A_165 : i32
        %add3A_167 = arith.addi %mul3A_5, %mul3A_166 : i32
        %dma_start3A = arith.constant 0 : i32
        %dma_start3A_168 = tpu.memref_slice %arg2[%add3A_167, %dma_start3A] : memref<50000x128xi32, #tpu.memory_space<hbm>> -> memref<4x128xi32, #tpu.memory_space<hbm>>
        %dma_start3A_169 = arith.constant 0 : i32
        %dma_start3A_170 = tpu.memref_slice %arg2[%add3A_167, %dma_start3A_169] : memref<50000x128xi32, #tpu.memory_space<hbm>> -> memref<4x128xi32, #tpu.memory_space<hbm>>
        tpu.enqueue_dma source(%dma_start3A_170 : memref<4x128xi32, #tpu.memory_space<hbm>>) target(%arg8 : memref<4x128xi32, #tpu.memory_space<vmem>>) target_semaphore(%arg19 : memref<!tpu.dma_semaphore, #tpu.memory_space<semaphore_mem>>)
        %dma_start3A_171 = arith.constant 0 : i32
        %dma_start3A_172 = tpu.memref_slice %arg3[%mul3A_166, %dma_start3A_171] : memref<25000x128xi32, #tpu.memory_space<hbm>> -> memref<4x128xi32, #tpu.memory_space<hbm>>
        %dma_start3A_173 = arith.constant 0 : i32
        %dma_start3A_174 = tpu.memref_slice %arg3[%mul3A_166, %dma_start3A_173] : memref<25000x128xi32, #tpu.memory_space<hbm>> -> memref<4x128xi32, #tpu.memory_space<hbm>>
        tpu.enqueue_dma source(%dma_start3A_174 : memref<4x128xi32, #tpu.memory_space<hbm>>) target(%arg11 : memref<4x128xi32, #tpu.memory_space<vmem>>) target_semaphore(%arg19 : memref<!tpu.dma_semaphore, #tpu.memory_space<semaphore_mem>>)
      } else {
      }
      %mul3A_152 = arith.constant 16 : i32
      %mul3A_153 = arith.muli %mul3A_152, %add3A_118 : i32
      %add3A_154 = arith.addi %arg1, %mul3A_153 : i32
      %lt3A_155 = arith.constant 6250 : i32
      %lt3A_156 = arith.cmpi slt, %add3A_154, %lt3A_155 : i32
      %convert_element_type3A_157 = arith.extui %lt3A_156 : i1 to i32
      %cond3A_158 = arith.constant 0 : i32
      %cond3A_159 = arith.cmpi ne, %convert_element_type3A_157, %cond3A_158 : i32
      scf.if %cond3A_159 {
        %scan3A_160 = arith.constant 0 : i32
        %scan3A_161 = arith.constant 0 : i32
        %scan3A_162 = arith.constant 4 : i32
        %scan3A_163 = arith.addi %scan3A_161, %scan3A_162 : i32
        %scan3A_164 = arith.constant 1 : i32
        scf.for %scan3A_172 = %scan3A_161 to %scan3A_163 step %scan3A_164  : i32 {
          %dma_wait3A = arith.constant 0 : i32
          %dma_wait3A_173 = arith.constant 0 : i32
          %dma_wait3A_174 = tpu.memref_slice %arg15[%scan3A_172, %dma_wait3A, %dma_wait3A_173] : memref<4x128x16xf32, #tpu.memory_space<vmem>> -> memref<1x128x16xf32, #tpu.memory_space<vmem>>
          %dma_wait3A_175 = tpu.memref_squeeze %dma_wait3A_174 : memref<1x128x16xf32, #tpu.memory_space<vmem>> -> memref<128x16xf32, #tpu.memory_space<vmem>>
          %dma_wait3A_176 = arith.constant 0 : i32
          %dma_wait3A_177 = tpu.memref_slice %arg9[%scan3A_172, %dma_wait3A_176] : memref<4x128xi32, #tpu.memory_space<vmem>> -> memref<1x128xi32, #tpu.memory_space<vmem>>
          %dma_wait3A_178 = tpu.memref_squeeze %dma_wait3A_177 : memref<1x128xi32, #tpu.memory_space<vmem>> -> memref<128xi32, #tpu.memory_space<vmem>>
          %dma_wait3A_179 = arith.constant 0 : i32
          %dma_wait3A_180 = arith.constant 0 : i32
          %dma_wait3A_181 = tpu.memref_slice %arg4[%dma_wait3A_179, %dma_wait3A_180] : memref<200000x16xf32, #tpu.memory_space<hbm>> -> memref<200000x16xf32, #tpu.memory_space<hbm>>
          tpu.wait_indirect_dma semaphore(%arg23 : memref<!tpu.dma_semaphore, #tpu.memory_space<semaphore_mem>>) src(%dma_wait3A_181 : memref<200000x16xf32, #tpu.memory_space<hbm>>) dst(%dma_wait3A_175 : memref<128x16xf32, #tpu.memory_space<vmem>>)
        }
        %scan3A_165 = arith.constant 4 : i32
        %scan3A_166 = arith.constant 0 : i32
        %scan3A_167 = arith.constant 0 : i32
        %scan3A_168 = arith.constant 4 : i32
        %scan3A_169 = arith.addi %scan3A_167, %scan3A_168 : i32
        %scan3A_170 = arith.constant 1 : i32
        scf.for %scan3A_172 = %scan3A_167 to %scan3A_169 step %scan3A_170  : i32 {
          %dma_start3A = arith.constant 0 : i32
          %dma_start3A_173 = arith.constant 0 : i32
          %dma_start3A_174 = tpu.memref_slice %arg15[%scan3A_172, %dma_start3A, %dma_start3A_173] : memref<4x128x16xf32, #tpu.memory_space<vmem>> -> memref<1x128x16xf32, #tpu.memory_space<vmem>>
          %dma_start3A_175 = tpu.memref_squeeze %dma_start3A_174 : memref<1x128x16xf32, #tpu.memory_space<vmem>> -> memref<128x16xf32, #tpu.memory_space<vmem>>
          %dma_start3A_176 = arith.constant 0 : i32
          %dma_start3A_177 = tpu.memref_slice %arg12[%scan3A_172, %dma_start3A_176] : memref<4x128xi32, #tpu.memory_space<vmem>> -> memref<1x128xi32, #tpu.memory_space<vmem>>
          %dma_start3A_178 = tpu.memref_squeeze %dma_start3A_177 : memref<1x128xi32, #tpu.memory_space<vmem>> -> memref<128xi32, #tpu.memory_space<vmem>>
          %dma_start3A_179 = arith.constant 0 : i32
          %dma_start3A_180 = arith.constant 0 : i32
          %dma_start3A_181 = tpu.memref_slice %arg17[%dma_start3A_179, %dma_start3A_180] : memref<100352x16xf32, #tpu.memory_space<vmem_shared>> -> memref<100352x16xf32, #tpu.memory_space<vmem_shared>>
          tpu.enqueue_indirect_dma source(%dma_start3A_175 : memref<128x16xf32, #tpu.memory_space<vmem>>) target(%dma_start3A_181 : memref<100352x16xf32, #tpu.memory_space<vmem_shared>>) offsets(%dma_start3A_178 : memref<128xi32, #tpu.memory_space<vmem>>) semaphore(%arg26 : memref<!tpu.dma_semaphore, #tpu.memory_space<semaphore_mem>>) {add = true}
        }
        %scan3A_171 = arith.constant 4 : i32
      } else {
      }
    }
    %scan3A_21 = arith.constant 131 : i32
    %barrier3A_22 = arith.constant 0 : index
    tpu.barrier barrier_id(%barrier3A_22)
    %mul3A_23 = arith.constant 6272 : i32
    %mul3A_24 = arith.muli %arg1, %mul3A_23 : i32
    %mul3A_25 = arith.constant 6272 : i32
    %mul3A_26 = arith.muli %arg1, %mul3A_25 : i32
    "tpu.region"() ({
      %run_scoped3A = tpu.sem_alloc : memref<!tpu.dma_semaphore, #tpu.memory_space<semaphore_mem>>
      %dma_start3A = arith.constant 0 : i32
      %dma_start3A_27 = tpu.memref_slice %arg6[%arg0, %mul3A_26, %dma_start3A] : memref<2x100352x16xf32, #tpu.memory_space<hbm>> -> memref<1x6272x16xf32, #tpu.memory_space<hbm>>
      %dma_start3A_28 = tpu.memref_squeeze %dma_start3A_27 : memref<1x6272x16xf32, #tpu.memory_space<hbm>> -> memref<6272x16xf32, #tpu.memory_space<hbm>>
      %dma_start3A_29 = arith.constant 0 : i32
      %dma_start3A_30 = tpu.memref_slice %arg17[%mul3A_24, %dma_start3A_29] : memref<100352x16xf32, #tpu.memory_space<vmem_shared>> -> memref<6272x16xf32, #tpu.memory_space<vmem_shared>>
      tpu.enqueue_dma source(%dma_start3A_30 : memref<6272x16xf32, #tpu.memory_space<vmem_shared>>) target(%dma_start3A_28 : memref<6272x16xf32, #tpu.memory_space<hbm>>) target_semaphore(%run_scoped3A : memref<!tpu.dma_semaphore, #tpu.memory_space<semaphore_mem>>)
      %dma_wait3A = arith.constant 0 : i32
      %dma_wait3A_31 = tpu.memref_slice %arg6[%arg0, %mul3A_26, %dma_wait3A] : memref<2x100352x16xf32, #tpu.memory_space<hbm>> -> memref<1x6272x16xf32, #tpu.memory_space<hbm>>
      %dma_wait3A_32 = tpu.memref_squeeze %dma_wait3A_31 : memref<1x6272x16xf32, #tpu.memory_space<hbm>> -> memref<6272x16xf32, #tpu.memory_space<hbm>>
      %dma_wait3A_33 = arith.constant 0 : i32
      %dma_wait3A_34 = tpu.memref_slice %arg17[%mul3A_24, %dma_wait3A_33] : memref<100352x16xf32, #tpu.memory_space<vmem_shared>> -> memref<6272x16xf32, #tpu.memory_space<vmem_shared>>
      tpu.wait_dma2 semaphore(%run_scoped3A : memref<!tpu.dma_semaphore, #tpu.memory_space<semaphore_mem>>) src(%dma_wait3A_34 : memref<6272x16xf32, #tpu.memory_space<vmem_shared>>) dst(%dma_wait3A_32 : memref<6272x16xf32, #tpu.memory_space<hbm>>)
      tpu.yield
    }) : () -> ()
    return
  }
}

#map = affine_map<(d0, d1) -> (0, 0)>
module attributes {stable_mosaic.version = 14 : i64} {
  func.func @_deg_body(%arg0: i32, %arg1: i32, %arg2: memref<25000x128xi32, #tpu.memory_space<hbm>>, %arg3: memref<25000x128xi32, #tpu.memory_space<hbm>>, %arg4: memref<2x100096xf32, #tpu.memory_space<hbm>>, %arg5: memref<2x100096xf32, #tpu.memory_space<hbm>>, %arg6: memref<8x128xi32, #tpu.memory_space<vmem>>, %arg7: memref<8x128xi32, #tpu.memory_space<vmem>>, %arg8: memref<128xf32, #tpu.memory_space<vmem>>, %arg9: memref<128xf32, #tpu.memory_space<vmem>>, %arg10: memref<100096xf32, #tpu.memory_space<vmem_shared>>, %arg11: memref<100096xf32, #tpu.memory_space<vmem_shared>>, %arg12: memref<!tpu.dma_semaphore, #tpu.memory_space<semaphore_mem>>, %arg13: memref<!tpu.dma_semaphore, #tpu.memory_space<semaphore_mem>>) attributes {dimension_semantics = [#tpu.dimension_semantics<core_parallel>, #tpu.dimension_semantics<subcore_parallel>], iteration_bounds = array<i64: 2, 16>, scalar_prefetch = 0 : i64, scratch_operands = 8 : i64, tpu.core_type = #tpu.core_type<sc_vector_subcore>, window_params = [{transform_indices = #map}, {transform_indices = #map}, {transform_indices = #map}, {transform_indices = #map}]} {
    %mul3A = arith.constant 2 : i32
    %mul3A_0 = arith.muli %arg1, %mul3A : i32
    %add3A = arith.addi %mul3A_0, %arg0 : i32
    %broadcast_in_dim3A = arith.constant 1.000000e+00 : f32
    %broadcast_in_dim3A_1 = vector.broadcast %broadcast_in_dim3A : f32 to vector<16xf32>
    %swap3A = arith.constant 0 : index
    %swap3A_2 = tpu.vector_load %arg8[%swap3A] {strides = array<i32>} : memref<128xf32, #tpu.memory_space<vmem>>, vector<16xf32>,
    %swap3A_3 = vector.shape_cast %swap3A_2 : vector<16xf32> to vector<16xf32>
    %swap3A_4 = vector.shape_cast %broadcast_in_dim3A_1 : vector<16xf32> to vector<16xf32>
    tpu.vector_store %arg8[%swap3A], %swap3A_4 {strides = array<i32>} : memref<128xf32, #tpu.memory_space<vmem>>, vector<16xf32>,
    %broadcast_in_dim3A_5 = arith.constant 1.000000e+00 : f32
    %broadcast_in_dim3A_6 = vector.broadcast %broadcast_in_dim3A_5 : f32 to vector<16xf32>
    %swap3A_7 = arith.constant 16 : index
    %swap3A_8 = tpu.vector_load %arg8[%swap3A_7] {strides = array<i32>} : memref<128xf32, #tpu.memory_space<vmem>>, vector<16xf32>,
    %swap3A_9 = vector.shape_cast %swap3A_8 : vector<16xf32> to vector<16xf32>
    %swap3A_10 = vector.shape_cast %broadcast_in_dim3A_6 : vector<16xf32> to vector<16xf32>
    tpu.vector_store %arg8[%swap3A_7], %swap3A_10 {strides = array<i32>} : memref<128xf32, #tpu.memory_space<vmem>>, vector<16xf32>,
    %broadcast_in_dim3A_11 = arith.constant 1.000000e+00 : f32
    %broadcast_in_dim3A_12 = vector.broadcast %broadcast_in_dim3A_11 : f32 to vector<16xf32>
    %swap3A_13 = arith.constant 32 : index
    %swap3A_14 = tpu.vector_load %arg8[%swap3A_13] {strides = array<i32>} : memref<128xf32, #tpu.memory_space<vmem>>, vector<16xf32>,
    %swap3A_15 = vector.shape_cast %swap3A_14 : vector<16xf32> to vector<16xf32>
    %swap3A_16 = vector.shape_cast %broadcast_in_dim3A_12 : vector<16xf32> to vector<16xf32>
    tpu.vector_store %arg8[%swap3A_13], %swap3A_16 {strides = array<i32>} : memref<128xf32, #tpu.memory_space<vmem>>, vector<16xf32>,
    %broadcast_in_dim3A_17 = arith.constant 1.000000e+00 : f32
    %broadcast_in_dim3A_18 = vector.broadcast %broadcast_in_dim3A_17 : f32 to vector<16xf32>
    %swap3A_19 = arith.constant 48 : index
    %swap3A_20 = tpu.vector_load %arg8[%swap3A_19] {strides = array<i32>} : memref<128xf32, #tpu.memory_space<vmem>>, vector<16xf32>,
    %swap3A_21 = vector.shape_cast %swap3A_20 : vector<16xf32> to vector<16xf32>
    %swap3A_22 = vector.shape_cast %broadcast_in_dim3A_18 : vector<16xf32> to vector<16xf32>
    tpu.vector_store %arg8[%swap3A_19], %swap3A_22 {strides = array<i32>} : memref<128xf32, #tpu.memory_space<vmem>>, vector<16xf32>,
    %broadcast_in_dim3A_23 = arith.constant 1.000000e+00 : f32
    %broadcast_in_dim3A_24 = vector.broadcast %broadcast_in_dim3A_23 : f32 to vector<16xf32>
    %swap3A_25 = arith.constant 64 : index
    %swap3A_26 = tpu.vector_load %arg8[%swap3A_25] {strides = array<i32>} : memref<128xf32, #tpu.memory_space<vmem>>, vector<16xf32>,
    %swap3A_27 = vector.shape_cast %swap3A_26 : vector<16xf32> to vector<16xf32>
    %swap3A_28 = vector.shape_cast %broadcast_in_dim3A_24 : vector<16xf32> to vector<16xf32>
    tpu.vector_store %arg8[%swap3A_25], %swap3A_28 {strides = array<i32>} : memref<128xf32, #tpu.memory_space<vmem>>, vector<16xf32>,
    %broadcast_in_dim3A_29 = arith.constant 1.000000e+00 : f32
    %broadcast_in_dim3A_30 = vector.broadcast %broadcast_in_dim3A_29 : f32 to vector<16xf32>
    %swap3A_31 = arith.constant 80 : index
    %swap3A_32 = tpu.vector_load %arg8[%swap3A_31] {strides = array<i32>} : memref<128xf32, #tpu.memory_space<vmem>>, vector<16xf32>,
    %swap3A_33 = vector.shape_cast %swap3A_32 : vector<16xf32> to vector<16xf32>
    %swap3A_34 = vector.shape_cast %broadcast_in_dim3A_30 : vector<16xf32> to vector<16xf32>
    tpu.vector_store %arg8[%swap3A_31], %swap3A_34 {strides = array<i32>} : memref<128xf32, #tpu.memory_space<vmem>>, vector<16xf32>,
    %broadcast_in_dim3A_35 = arith.constant 1.000000e+00 : f32
    %broadcast_in_dim3A_36 = vector.broadcast %broadcast_in_dim3A_35 : f32 to vector<16xf32>
    %swap3A_37 = arith.constant 96 : index
    %swap3A_38 = tpu.vector_load %arg8[%swap3A_37] {strides = array<i32>} : memref<128xf32, #tpu.memory_space<vmem>>, vector<16xf32>,
    %swap3A_39 = vector.shape_cast %swap3A_38 : vector<16xf32> to vector<16xf32>
    %swap3A_40 = vector.shape_cast %broadcast_in_dim3A_36 : vector<16xf32> to vector<16xf32>
    tpu.vector_store %arg8[%swap3A_37], %swap3A_40 {strides = array<i32>} : memref<128xf32, #tpu.memory_space<vmem>>, vector<16xf32>,
    %broadcast_in_dim3A_41 = arith.constant 1.000000e+00 : f32
    %broadcast_in_dim3A_42 = vector.broadcast %broadcast_in_dim3A_41 : f32 to vector<16xf32>
    %swap3A_43 = arith.constant 112 : index
    %swap3A_44 = tpu.vector_load %arg8[%swap3A_43] {strides = array<i32>} : memref<128xf32, #tpu.memory_space<vmem>>, vector<16xf32>,
    %swap3A_45 = vector.shape_cast %swap3A_44 : vector<16xf32> to vector<16xf32>
    %swap3A_46 = vector.shape_cast %broadcast_in_dim3A_42 : vector<16xf32> to vector<16xf32>
    tpu.vector_store %arg8[%swap3A_43], %swap3A_46 {strides = array<i32>} : memref<128xf32, #tpu.memory_space<vmem>>, vector<16xf32>,
    %broadcast_in_dim3A_47 = arith.constant 0.000000e+00 : f32
    %broadcast_in_dim3A_48 = vector.broadcast %broadcast_in_dim3A_47 : f32 to vector<16xf32>
    %swap3A_49 = arith.constant 0 : index
    %swap3A_50 = tpu.vector_load %arg9[%swap3A_49] {strides = array<i32>} : memref<128xf32, #tpu.memory_space<vmem>>, vector<16xf32>,
    %swap3A_51 = vector.shape_cast %swap3A_50 : vector<16xf32> to vector<16xf32>
    %swap3A_52 = vector.shape_cast %broadcast_in_dim3A_48 : vector<16xf32> to vector<16xf32>
    tpu.vector_store %arg9[%swap3A_49], %swap3A_52 {strides = array<i32>} : memref<128xf32, #tpu.memory_space<vmem>>, vector<16xf32>,
    %broadcast_in_dim3A_53 = arith.constant 0.000000e+00 : f32
    %broadcast_in_dim3A_54 = vector.broadcast %broadcast_in_dim3A_53 : f32 to vector<16xf32>
    %swap3A_55 = arith.constant 16 : index
    %swap3A_56 = tpu.vector_load %arg9[%swap3A_55] {strides = array<i32>} : memref<128xf32, #tpu.memory_space<vmem>>, vector<16xf32>,
    %swap3A_57 = vector.shape_cast %swap3A_56 : vector<16xf32> to vector<16xf32>
    %swap3A_58 = vector.shape_cast %broadcast_in_dim3A_54 : vector<16xf32> to vector<16xf32>
    tpu.vector_store %arg9[%swap3A_55], %swap3A_58 {strides = array<i32>} : memref<128xf32, #tpu.memory_space<vmem>>, vector<16xf32>,
    %broadcast_in_dim3A_59 = arith.constant 0.000000e+00 : f32
    %broadcast_in_dim3A_60 = vector.broadcast %broadcast_in_dim3A_59 : f32 to vector<16xf32>
    %swap3A_61 = arith.constant 32 : index
    %swap3A_62 = tpu.vector_load %arg9[%swap3A_61] {strides = array<i32>} : memref<128xf32, #tpu.memory_space<vmem>>, vector<16xf32>,
    %swap3A_63 = vector.shape_cast %swap3A_62 : vector<16xf32> to vector<16xf32>
    %swap3A_64 = vector.shape_cast %broadcast_in_dim3A_60 : vector<16xf32> to vector<16xf32>
    tpu.vector_store %arg9[%swap3A_61], %swap3A_64 {strides = array<i32>} : memref<128xf32, #tpu.memory_space<vmem>>, vector<16xf32>,
    %broadcast_in_dim3A_65 = arith.constant 0.000000e+00 : f32
    %broadcast_in_dim3A_66 = vector.broadcast %broadcast_in_dim3A_65 : f32 to vector<16xf32>
    %swap3A_67 = arith.constant 48 : index
    %swap3A_68 = tpu.vector_load %arg9[%swap3A_67] {strides = array<i32>} : memref<128xf32, #tpu.memory_space<vmem>>, vector<16xf32>,
    %swap3A_69 = vector.shape_cast %swap3A_68 : vector<16xf32> to vector<16xf32>
    %swap3A_70 = vector.shape_cast %broadcast_in_dim3A_66 : vector<16xf32> to vector<16xf32>
    tpu.vector_store %arg9[%swap3A_67], %swap3A_70 {strides = array<i32>} : memref<128xf32, #tpu.memory_space<vmem>>, vector<16xf32>,
    %broadcast_in_dim3A_71 = arith.constant 0.000000e+00 : f32
    %broadcast_in_dim3A_72 = vector.broadcast %broadcast_in_dim3A_71 : f32 to vector<16xf32>
    %swap3A_73 = arith.constant 64 : index
    %swap3A_74 = tpu.vector_load %arg9[%swap3A_73] {strides = array<i32>} : memref<128xf32, #tpu.memory_space<vmem>>, vector<16xf32>,
    %swap3A_75 = vector.shape_cast %swap3A_74 : vector<16xf32> to vector<16xf32>
    %swap3A_76 = vector.shape_cast %broadcast_in_dim3A_72 : vector<16xf32> to vector<16xf32>
    tpu.vector_store %arg9[%swap3A_73], %swap3A_76 {strides = array<i32>} : memref<128xf32, #tpu.memory_space<vmem>>, vector<16xf32>,
    %broadcast_in_dim3A_77 = arith.constant 0.000000e+00 : f32
    %broadcast_in_dim3A_78 = vector.broadcast %broadcast_in_dim3A_77 : f32 to vector<16xf32>
    %swap3A_79 = arith.constant 80 : index
    %swap3A_80 = tpu.vector_load %arg9[%swap3A_79] {strides = array<i32>} : memref<128xf32, #tpu.memory_space<vmem>>, vector<16xf32>,
    %swap3A_81 = vector.shape_cast %swap3A_80 : vector<16xf32> to vector<16xf32>
    %swap3A_82 = vector.shape_cast %broadcast_in_dim3A_78 : vector<16xf32> to vector<16xf32>
    tpu.vector_store %arg9[%swap3A_79], %swap3A_82 {strides = array<i32>} : memref<128xf32, #tpu.memory_space<vmem>>, vector<16xf32>,
    %broadcast_in_dim3A_83 = arith.constant 0.000000e+00 : f32
    %broadcast_in_dim3A_84 = vector.broadcast %broadcast_in_dim3A_83 : f32 to vector<16xf32>
    %swap3A_85 = arith.constant 96 : index
    %swap3A_86 = tpu.vector_load %arg9[%swap3A_85] {strides = array<i32>} : memref<128xf32, #tpu.memory_space<vmem>>, vector<16xf32>,
    %swap3A_87 = vector.shape_cast %swap3A_86 : vector<16xf32> to vector<16xf32>
    %swap3A_88 = vector.shape_cast %broadcast_in_dim3A_84 : vector<16xf32> to vector<16xf32>
    tpu.vector_store %arg9[%swap3A_85], %swap3A_88 {strides = array<i32>} : memref<128xf32, #tpu.memory_space<vmem>>, vector<16xf32>,
    %broadcast_in_dim3A_89 = arith.constant 0.000000e+00 : f32
    %broadcast_in_dim3A_90 = vector.broadcast %broadcast_in_dim3A_89 : f32 to vector<16xf32>
    %swap3A_91 = arith.constant 112 : index
    %swap3A_92 = tpu.vector_load %arg9[%swap3A_91] {strides = array<i32>} : memref<128xf32, #tpu.memory_space<vmem>>, vector<16xf32>,
    %swap3A_93 = vector.shape_cast %swap3A_92 : vector<16xf32> to vector<16xf32>
    %swap3A_94 = vector.shape_cast %broadcast_in_dim3A_90 : vector<16xf32> to vector<16xf32>
    tpu.vector_store %arg9[%swap3A_91], %swap3A_94 {strides = array<i32>} : memref<128xf32, #tpu.memory_space<vmem>>, vector<16xf32>,
    %scan3A = arith.constant 0 : i32
    %scan3A_95 = arith.constant 0 : i32
    %scan3A_96 = arith.constant 48 : i32
    %scan3A_97 = arith.addi %scan3A_95, %scan3A_96 : i32
    %scan3A_98 = arith.constant 1 : i32
    scf.for %scan3A_126 = %scan3A_95 to %scan3A_97 step %scan3A_98  : i32 {
      %mul3A_127 = arith.constant 6256 : i32
      %mul3A_128 = arith.muli %arg1, %mul3A_127 : i32
      %mul3A_129 = arith.constant 128 : i32
      %mul3A_130 = arith.muli %scan3A_126, %mul3A_129 : i32
      %add3A_131 = arith.addi %mul3A_128, %mul3A_130 : i32
      "tpu.region"() ({
        %run_scoped3A = tpu.sem_alloc : memref<!tpu.dma_semaphore, #tpu.memory_space<semaphore_mem>>
        %dma_start3A = tpu.memref_slice %arg10[%add3A_131] : memref<100096xf32, #tpu.memory_space<vmem_shared>> -> memref<128xf32, #tpu.memory_space<vmem_shared>>
        %dma_start3A_137 = tpu.memref_slice %arg10[%add3A_131] : memref<100096xf32, #tpu.memory_space<vmem_shared>> -> memref<128xf32, #tpu.memory_space<vmem_shared>>
        tpu.enqueue_dma source(%arg9 : memref<128xf32, #tpu.memory_space<vmem>>) target(%dma_start3A_137 : memref<128xf32, #tpu.memory_space<vmem_shared>>) target_semaphore(%run_scoped3A : memref<!tpu.dma_semaphore, #tpu.memory_space<semaphore_mem>>)
        %dma_wait3A = tpu.memref_slice %arg10[%add3A_131] : memref<100096xf32, #tpu.memory_space<vmem_shared>> -> memref<128xf32, #tpu.memory_space<vmem_shared>>
        %dma_wait3A_138 = tpu.memref_slice %arg10[%add3A_131] : memref<100096xf32, #tpu.memory_space<vmem_shared>> -> memref<128xf32, #tpu.memory_space<vmem_shared>>
        tpu.wait_dma2 semaphore(%run_scoped3A : memref<!tpu.dma_semaphore, #tpu.memory_space<semaphore_mem>>) src(%arg9 : memref<128xf32, #tpu.memory_space<vmem>>) dst(%dma_wait3A_138 : memref<128xf32, #tpu.memory_space<vmem_shared>>)
        tpu.yield
      }) : () -> ()
      %mul3A_132 = arith.constant 6256 : i32
      %mul3A_133 = arith.muli %arg1, %mul3A_132 : i32
      %mul3A_134 = arith.constant 128 : i32
      %mul3A_135 = arith.muli %scan3A_126, %mul3A_134 : i32
      %add3A_136 = arith.addi %mul3A_133, %mul3A_135 : i32
      "tpu.region"() ({
        %run_scoped3A = tpu.sem_alloc : memref<!tpu.dma_semaphore, #tpu.memory_space<semaphore_mem>>
        %dma_start3A = tpu.memref_slice %arg11[%add3A_136] : memref<100096xf32, #tpu.memory_space<vmem_shared>> -> memref<128xf32, #tpu.memory_space<vmem_shared>>
        %dma_start3A_137 = tpu.memref_slice %arg11[%add3A_136] : memref<100096xf32, #tpu.memory_space<vmem_shared>> -> memref<128xf32, #tpu.memory_space<vmem_shared>>
        tpu.enqueue_dma source(%arg9 : memref<128xf32, #tpu.memory_space<vmem>>) target(%dma_start3A_137 : memref<128xf32, #tpu.memory_space<vmem_shared>>) target_semaphore(%run_scoped3A : memref<!tpu.dma_semaphore, #tpu.memory_space<semaphore_mem>>)
        %dma_wait3A = tpu.memref_slice %arg11[%add3A_136] : memref<100096xf32, #tpu.memory_space<vmem_shared>> -> memref<128xf32, #tpu.memory_space<vmem_shared>>
        %dma_wait3A_138 = tpu.memref_slice %arg11[%add3A_136] : memref<100096xf32, #tpu.memory_space<vmem_shared>> -> memref<128xf32, #tpu.memory_space<vmem_shared>>
        tpu.wait_dma2 semaphore(%run_scoped3A : memref<!tpu.dma_semaphore, #tpu.memory_space<semaphore_mem>>) src(%arg9 : memref<128xf32, #tpu.memory_space<vmem>>) dst(%dma_wait3A_138 : memref<128xf32, #tpu.memory_space<vmem_shared>>)
        tpu.yield
      }) : () -> ()
    }
    %scan3A_99 = arith.constant 48 : i32
    %mul3A_100 = arith.constant 6256 : i32
    %mul3A_101 = arith.muli %arg1, %mul3A_100 : i32
    %add3A_102 = arith.constant 6256 : i32
    %add3A_103 = arith.addi %mul3A_101, %add3A_102 : i32
    %sub3A = arith.constant 112 : i32
    %sub3A_104 = arith.subi %add3A_103, %sub3A : i32
    "tpu.region"() ({
      %run_scoped3A = tpu.sem_alloc : memref<!tpu.dma_semaphore, #tpu.memory_space<semaphore_mem>>
      %dma_start3A = arith.constant 0 : i32
      %dma_start3A_126 = tpu.memref_slice %arg9[%dma_start3A] : memref<128xf32, #tpu.memory_space<vmem>> -> memref<112xf32, #tpu.memory_space<vmem>>
      %dma_start3A_127 = tpu.memref_slice %arg10[%sub3A_104] : memref<100096xf32, #tpu.memory_space<vmem_shared>> -> memref<112xf32, #tpu.memory_space<vmem_shared>>
      %dma_start3A_128 = tpu.memref_slice %arg10[%sub3A_104] : memref<100096xf32, #tpu.memory_space<vmem_shared>> -> memref<112xf32, #tpu.memory_space<vmem_shared>>
      %dma_start3A_129 = arith.constant 0 : i32
      %dma_start3A_130 = tpu.memref_slice %arg9[%dma_start3A_129] : memref<128xf32, #tpu.memory_space<vmem>> -> memref<112xf32, #tpu.memory_space<vmem>>
      tpu.enqueue_dma source(%dma_start3A_130 : memref<112xf32, #tpu.memory_space<vmem>>) target(%dma_start3A_128 : memref<112xf32, #tpu.memory_space<vmem_shared>>) target_semaphore(%run_scoped3A : memref<!tpu.dma_semaphore, #tpu.memory_space<semaphore_mem>>)
      %dma_wait3A = arith.constant 0 : i32
      %dma_wait3A_131 = tpu.memref_slice %arg9[%dma_wait3A] : memref<128xf32, #tpu.memory_space<vmem>> -> memref<112xf32, #tpu.memory_space<vmem>>
      %dma_wait3A_132 = tpu.memref_slice %arg10[%sub3A_104] : memref<100096xf32, #tpu.memory_space<vmem_shared>> -> memref<112xf32, #tpu.memory_space<vmem_shared>>
      %dma_wait3A_133 = tpu.memref_slice %arg10[%sub3A_104] : memref<100096xf32, #tpu.memory_space<vmem_shared>> -> memref<112xf32, #tpu.memory_space<vmem_shared>>
      %dma_wait3A_134 = arith.constant 0 : i32
      %dma_wait3A_135 = tpu.memref_slice %arg9[%dma_wait3A_134] : memref<128xf32, #tpu.memory_space<vmem>> -> memref<112xf32, #tpu.memory_space<vmem>>
      tpu.wait_dma2 semaphore(%run_scoped3A : memref<!tpu.dma_semaphore, #tpu.memory_space<semaphore_mem>>) src(%dma_wait3A_135 : memref<112xf32, #tpu.memory_space<vmem>>) dst(%dma_wait3A_133 : memref<112xf32, #tpu.memory_space<vmem_shared>>)
      tpu.yield
    }) : () -> ()
    %mul3A_105 = arith.constant 6256 : i32
    %mul3A_106 = arith.muli %arg1, %mul3A_105 : i32
    %add3A_107 = arith.constant 6256 : i32
    %add3A_108 = arith.addi %mul3A_106, %add3A_107 : i32
    %sub3A_109 = arith.constant 112 : i32
    %sub3A_110 = arith.subi %add3A_108, %sub3A_109 : i32
    "tpu.region"() ({
      %run_scoped3A = tpu.sem_alloc : memref<!tpu.dma_semaphore, #tpu.memory_space<semaphore_mem>>
      %dma_start3A = arith.constant 0 : i32
      %dma_start3A_126 = tpu.memref_slice %arg9[%dma_start3A] : memref<128xf32, #tpu.memory_space<vmem>> -> memref<112xf32, #tpu.memory_space<vmem>>
      %dma_start3A_127 = tpu.memref_slice %arg11[%sub3A_110] : memref<100096xf32, #tpu.memory_space<vmem_shared>> -> memref<112xf32, #tpu.memory_space<vmem_shared>>
      %dma_start3A_128 = tpu.memref_slice %arg11[%sub3A_110] : memref<100096xf32, #tpu.memory_space<vmem_shared>> -> memref<112xf32, #tpu.memory_space<vmem_shared>>
      %dma_start3A_129 = arith.constant 0 : i32
      %dma_start3A_130 = tpu.memref_slice %arg9[%dma_start3A_129] : memref<128xf32, #tpu.memory_space<vmem>> -> memref<112xf32, #tpu.memory_space<vmem>>
      tpu.enqueue_dma source(%dma_start3A_130 : memref<112xf32, #tpu.memory_space<vmem>>) target(%dma_start3A_128 : memref<112xf32, #tpu.memory_space<vmem_shared>>) target_semaphore(%run_scoped3A : memref<!tpu.dma_semaphore, #tpu.memory_space<semaphore_mem>>)
      %dma_wait3A = arith.constant 0 : i32
      %dma_wait3A_131 = tpu.memref_slice %arg9[%dma_wait3A] : memref<128xf32, #tpu.memory_space<vmem>> -> memref<112xf32, #tpu.memory_space<vmem>>
      %dma_wait3A_132 = tpu.memref_slice %arg11[%sub3A_110] : memref<100096xf32, #tpu.memory_space<vmem_shared>> -> memref<112xf32, #tpu.memory_space<vmem_shared>>
      %dma_wait3A_133 = tpu.memref_slice %arg11[%sub3A_110] : memref<100096xf32, #tpu.memory_space<vmem_shared>> -> memref<112xf32, #tpu.memory_space<vmem_shared>>
      %dma_wait3A_134 = arith.constant 0 : i32
      %dma_wait3A_135 = tpu.memref_slice %arg9[%dma_wait3A_134] : memref<128xf32, #tpu.memory_space<vmem>> -> memref<112xf32, #tpu.memory_space<vmem>>
      tpu.wait_dma2 semaphore(%run_scoped3A : memref<!tpu.dma_semaphore, #tpu.memory_space<semaphore_mem>>) src(%dma_wait3A_135 : memref<112xf32, #tpu.memory_space<vmem>>) dst(%dma_wait3A_133 : memref<112xf32, #tpu.memory_space<vmem_shared>>)
      tpu.yield
    }) : () -> ()
    %barrier3A = arith.constant 0 : index
    tpu.barrier barrier_id(%barrier3A)
    %scan3A_111 = arith.constant 0 : i32
    %scan3A_112 = arith.constant 0 : i32
    %scan3A_113 = arith.constant 98 : i32
    %scan3A_114 = arith.addi %scan3A_112, %scan3A_113 : i32
    %scan3A_115 = arith.constant 1 : i32
    scf.for %scan3A_126 = %scan3A_112 to %scan3A_114 step %scan3A_115  : i32 {
      %mul3A_127 = arith.constant 32 : i32
      %mul3A_128 = arith.muli %mul3A_127, %scan3A_126 : i32
      %add3A_129 = arith.addi %add3A, %mul3A_128 : i32
      %lt3A = arith.constant 3125 : i32
      %lt3A_130 = arith.cmpi slt, %add3A_129, %lt3A : i32
      %convert_element_type3A = arith.extui %lt3A_130 : i1 to i32
      %cond3A = arith.constant 0 : i32
      %cond3A_131 = arith.cmpi ne, %convert_element_type3A, %cond3A : i32
      scf.if %cond3A_131 {
        %mul3A_132 = arith.constant 8 : i32
        %mul3A_133 = arith.muli %add3A_129, %mul3A_132 : i32
        %dma_start3A = arith.constant 0 : i32
        %dma_start3A_134 = tpu.memref_slice %arg2[%mul3A_133, %dma_start3A] : memref<25000x128xi32, #tpu.memory_space<hbm>> -> memref<8x128xi32, #tpu.memory_space<hbm>>
        %dma_start3A_135 = arith.constant 0 : i32
        %dma_start3A_136 = tpu.memref_slice %arg2[%mul3A_133, %dma_start3A_135] : memref<25000x128xi32, #tpu.memory_space<hbm>> -> memref<8x128xi32, #tpu.memory_space<hbm>>
        tpu.enqueue_dma source(%dma_start3A_136 : memref<8x128xi32, #tpu.memory_space<hbm>>) target(%arg6 : memref<8x128xi32, #tpu.memory_space<vmem>>) target_semaphore(%arg12 : memref<!tpu.dma_semaphore, #tpu.memory_space<semaphore_mem>>)
        %dma_start3A_137 = arith.constant 0 : i32
        %dma_start3A_138 = tpu.memref_slice %arg3[%mul3A_133, %dma_start3A_137] : memref<25000x128xi32, #tpu.memory_space<hbm>> -> memref<8x128xi32, #tpu.memory_space<hbm>>
        %dma_start3A_139 = arith.constant 0 : i32
        %dma_start3A_140 = tpu.memref_slice %arg3[%mul3A_133, %dma_start3A_139] : memref<25000x128xi32, #tpu.memory_space<hbm>> -> memref<8x128xi32, #tpu.memory_space<hbm>>
        tpu.enqueue_dma source(%dma_start3A_140 : memref<8x128xi32, #tpu.memory_space<hbm>>) target(%arg7 : memref<8x128xi32, #tpu.memory_space<vmem>>) target_semaphore(%arg12 : memref<!tpu.dma_semaphore, #tpu.memory_space<semaphore_mem>>)
        %dma_wait3A = arith.constant 0 : i32
        %dma_wait3A_141 = tpu.memref_slice %arg2[%mul3A_133, %dma_wait3A] : memref<25000x128xi32, #tpu.memory_space<hbm>> -> memref<8x128xi32, #tpu.memory_space<hbm>>
        %dma_wait3A_142 = arith.constant 0 : i32
        %dma_wait3A_143 = tpu.memref_slice %arg2[%mul3A_133, %dma_wait3A_142] : memref<25000x128xi32, #tpu.memory_space<hbm>> -> memref<8x128xi32, #tpu.memory_space<hbm>>
        tpu.wait_dma2 semaphore(%arg12 : memref<!tpu.dma_semaphore, #tpu.memory_space<semaphore_mem>>) src(%dma_wait3A_143 : memref<8x128xi32, #tpu.memory_space<hbm>>) dst(%arg6 : memref<8x128xi32, #tpu.memory_space<vmem>>)
        %dma_wait3A_144 = arith.constant 0 : i32
        %dma_wait3A_145 = tpu.memref_slice %arg3[%mul3A_133, %dma_wait3A_144] : memref<25000x128xi32, #tpu.memory_space<hbm>> -> memref<8x128xi32, #tpu.memory_space<hbm>>
        %dma_wait3A_146 = arith.constant 0 : i32
        %dma_wait3A_147 = tpu.memref_slice %arg3[%mul3A_133, %dma_wait3A_146] : memref<25000x128xi32, #tpu.memory_space<hbm>> -> memref<8x128xi32, #tpu.memory_space<hbm>>
        tpu.wait_dma2 semaphore(%arg12 : memref<!tpu.dma_semaphore, #tpu.memory_space<semaphore_mem>>) src(%dma_wait3A_147 : memref<8x128xi32, #tpu.memory_space<hbm>>) dst(%arg7 : memref<8x128xi32, #tpu.memory_space<vmem>>)
        %scan3A_148 = arith.constant 0 : i32
        %scan3A_149 = arith.constant 0 : i32
        %scan3A_150 = arith.constant 8 : i32
        %scan3A_151 = arith.addi %scan3A_149, %scan3A_150 : i32
        %scan3A_152 = arith.constant 1 : i32
        scf.for %scan3A_160 = %scan3A_149 to %scan3A_151 step %scan3A_152  : i32 {
          %dma_start3A_161 = arith.constant 0 : i32
          %dma_start3A_162 = tpu.memref_slice %arg6[%scan3A_160, %dma_start3A_161] : memref<8x128xi32, #tpu.memory_space<vmem>> -> memref<1x128xi32, #tpu.memory_space<vmem>>
          %dma_start3A_163 = tpu.memref_squeeze %dma_start3A_162 : memref<1x128xi32, #tpu.memory_space<vmem>> -> memref<128xi32, #tpu.memory_space<vmem>>
          %dma_start3A_164 = arith.constant 0 : i32
          %dma_start3A_165 = tpu.memref_slice %arg10[%dma_start3A_164] : memref<100096xf32, #tpu.memory_space<vmem_shared>> -> memref<100096xf32, #tpu.memory_space<vmem_shared>>
          tpu.enqueue_indirect_dma source(%arg8 : memref<128xf32, #tpu.memory_space<vmem>>) target(%dma_start3A_165 : memref<100096xf32, #tpu.memory_space<vmem_shared>>) offsets(%dma_start3A_163 : memref<128xi32, #tpu.memory_space<vmem>>) semaphore(%arg13 : memref<!tpu.dma_semaphore, #tpu.memory_space<semaphore_mem>>) {add = true}
          %dma_start3A_166 = arith.constant 0 : i32
          %dma_start3A_167 = tpu.memref_slice %arg7[%scan3A_160, %dma_start3A_166] : memref<8x128xi32, #tpu.memory_space<vmem>> -> memref<1x128xi32, #tpu.memory_space<vmem>>
          %dma_start3A_168 = tpu.memref_squeeze %dma_start3A_167 : memref<1x128xi32, #tpu.memory_space<vmem>> -> memref<128xi32, #tpu.memory_space<vmem>>
          %dma_start3A_169 = arith.constant 0 : i32
          %dma_start3A_170 = tpu.memref_slice %arg11[%dma_start3A_169] : memref<100096xf32, #tpu.memory_space<vmem_shared>> -> memref<100096xf32, #tpu.memory_space<vmem_shared>>
          tpu.enqueue_indirect_dma source(%arg8 : memref<128xf32, #tpu.memory_space<vmem>>) target(%dma_start3A_170 : memref<100096xf32, #tpu.memory_space<vmem_shared>>) offsets(%dma_start3A_168 : memref<128xi32, #tpu.memory_space<vmem>>) semaphore(%arg13 : memref<!tpu.dma_semaphore, #tpu.memory_space<semaphore_mem>>) {add = true}
        }
        %scan3A_153 = arith.constant 8 : i32
        %scan3A_154 = arith.constant 0 : i32
        %scan3A_155 = arith.constant 0 : i32
        %scan3A_156 = arith.constant 8 : i32
        %scan3A_157 = arith.addi %scan3A_155, %scan3A_156 : i32
        %scan3A_158 = arith.constant 1 : i32
        scf.for %scan3A_160 = %scan3A_155 to %scan3A_157 step %scan3A_158  : i32 {
          %dma_wait3A_161 = arith.constant 0 : i32
          %dma_wait3A_162 = tpu.memref_slice %arg6[%scan3A_160, %dma_wait3A_161] : memref<8x128xi32, #tpu.memory_space<vmem>> -> memref<1x128xi32, #tpu.memory_space<vmem>>
          %dma_wait3A_163 = tpu.memref_squeeze %dma_wait3A_162 : memref<1x128xi32, #tpu.memory_space<vmem>> -> memref<128xi32, #tpu.memory_space<vmem>>
          %dma_wait3A_164 = arith.constant 0 : i32
          %dma_wait3A_165 = tpu.memref_slice %arg10[%dma_wait3A_164] : memref<100096xf32, #tpu.memory_space<vmem_shared>> -> memref<100096xf32, #tpu.memory_space<vmem_shared>>
          tpu.wait_indirect_dma semaphore(%arg13 : memref<!tpu.dma_semaphore, #tpu.memory_space<semaphore_mem>>) src(%arg8 : memref<128xf32, #tpu.memory_space<vmem>>) dst(%dma_wait3A_165 : memref<100096xf32, #tpu.memory_space<vmem_shared>>)
          %dma_wait3A_166 = arith.constant 0 : i32
          %dma_wait3A_167 = tpu.memref_slice %arg7[%scan3A_160, %dma_wait3A_166] : memref<8x128xi32, #tpu.memory_space<vmem>> -> memref<1x128xi32, #tpu.memory_space<vmem>>
          %dma_wait3A_168 = tpu.memref_squeeze %dma_wait3A_167 : memref<1x128xi32, #tpu.memory_space<vmem>> -> memref<128xi32, #tpu.memory_space<vmem>>
          %dma_wait3A_169 = arith.constant 0 : i32
          %dma_wait3A_170 = tpu.memref_slice %arg11[%dma_wait3A_169] : memref<100096xf32, #tpu.memory_space<vmem_shared>> -> memref<100096xf32, #tpu.memory_space<vmem_shared>>
          tpu.wait_indirect_dma semaphore(%arg13 : memref<!tpu.dma_semaphore, #tpu.memory_space<semaphore_mem>>) src(%arg8 : memref<128xf32, #tpu.memory_space<vmem>>) dst(%dma_wait3A_170 : memref<100096xf32, #tpu.memory_space<vmem_shared>>)
        }
        %scan3A_159 = arith.constant 8 : i32
      } else {
      }
    }
    %scan3A_116 = arith.constant 98 : i32
    %barrier3A_117 = arith.constant 0 : index
    tpu.barrier barrier_id(%barrier3A_117)
    %mul3A_118 = arith.constant 6256 : i32
    %mul3A_119 = arith.muli %arg1, %mul3A_118 : i32
    %mul3A_120 = arith.constant 6256 : i32
    %mul3A_121 = arith.muli %arg1, %mul3A_120 : i32
    "tpu.region"() ({
      %run_scoped3A = tpu.sem_alloc : memref<!tpu.dma_semaphore, #tpu.memory_space<semaphore_mem>>
      %dma_start3A = tpu.memref_slice %arg4[%arg0, %mul3A_121] : memref<2x100096xf32, #tpu.memory_space<hbm>> -> memref<1x6256xf32, #tpu.memory_space<hbm>>
      %dma_start3A_126 = tpu.memref_squeeze %dma_start3A : memref<1x6256xf32, #tpu.memory_space<hbm>> -> memref<6256xf32, #tpu.memory_space<hbm>>
      %dma_start3A_127 = tpu.memref_slice %arg10[%mul3A_119] : memref<100096xf32, #tpu.memory_space<vmem_shared>> -> memref<6256xf32, #tpu.memory_space<vmem_shared>>
      tpu.enqueue_dma source(%dma_start3A_127 : memref<6256xf32, #tpu.memory_space<vmem_shared>>) target(%dma_start3A_126 : memref<6256xf32, #tpu.memory_space<hbm>>) target_semaphore(%run_scoped3A : memref<!tpu.dma_semaphore, #tpu.memory_space<semaphore_mem>>)
      %dma_wait3A = tpu.memref_slice %arg4[%arg0, %mul3A_121] : memref<2x100096xf32, #tpu.memory_space<hbm>> -> memref<1x6256xf32, #tpu.memory_space<hbm>>
      %dma_wait3A_128 = tpu.memref_squeeze %dma_wait3A : memref<1x6256xf32, #tpu.memory_space<hbm>> -> memref<6256xf32, #tpu.memory_space<hbm>>
      %dma_wait3A_129 = tpu.memref_slice %arg10[%mul3A_119] : memref<100096xf32, #tpu.memory_space<vmem_shared>> -> memref<6256xf32, #tpu.memory_space<vmem_shared>>
      tpu.wait_dma2 semaphore(%run_scoped3A : memref<!tpu.dma_semaphore, #tpu.memory_space<semaphore_mem>>) src(%dma_wait3A_129 : memref<6256xf32, #tpu.memory_space<vmem_shared>>) dst(%dma_wait3A_128 : memref<6256xf32, #tpu.memory_space<hbm>>)
      tpu.yield
    }) : () -> ()
    %mul3A_122 = arith.constant 6256 : i32
    %mul3A_123 = arith.muli %arg1, %mul3A_122 : i32
    %mul3A_124 = arith.constant 6256 : i32
    %mul3A_125 = arith.muli %arg1, %mul3A_124 : i32
    "tpu.region"() ({
      %run_scoped3A = tpu.sem_alloc : memref<!tpu.dma_semaphore, #tpu.memory_space<semaphore_mem>>
      %dma_start3A = tpu.memref_slice %arg5[%arg0, %mul3A_125] : memref<2x100096xf32, #tpu.memory_space<hbm>> -> memref<1x6256xf32, #tpu.memory_space<hbm>>
      %dma_start3A_126 = tpu.memref_squeeze %dma_start3A : memref<1x6256xf32, #tpu.memory_space<hbm>> -> memref<6256xf32, #tpu.memory_space<hbm>>
      %dma_start3A_127 = tpu.memref_slice %arg11[%mul3A_123] : memref<100096xf32, #tpu.memory_space<vmem_shared>> -> memref<6256xf32, #tpu.memory_space<vmem_shared>>
      tpu.enqueue_dma source(%dma_start3A_127 : memref<6256xf32, #tpu.memory_space<vmem_shared>>) target(%dma_start3A_126 : memref<6256xf32, #tpu.memory_space<hbm>>) target_semaphore(%run_scoped3A : memref<!tpu.dma_semaphore, #tpu.memory_space<semaphore_mem>>)
      %dma_wait3A = tpu.memref_slice %arg5[%arg0, %mul3A_125] : memref<2x100096xf32, #tpu.memory_space<hbm>> -> memref<1x6256xf32, #tpu.memory_space<hbm>>
      %dma_wait3A_128 = tpu.memref_squeeze %dma_wait3A : memref<1x6256xf32, #tpu.memory_space<hbm>> -> memref<6256xf32, #tpu.memory_space<hbm>>
      %dma_wait3A_129 = tpu.memref_slice %arg11[%mul3A_123] : memref<100096xf32, #tpu.memory_space<vmem_shared>> -> memref<6256xf32, #tpu.memory_space<vmem_shared>>
      tpu.wait_dma2 semaphore(%run_scoped3A : memref<!tpu.dma_semaphore, #tpu.memory_space<semaphore_mem>>) src(%dma_wait3A_129 : memref<6256xf32, #tpu.memory_space<vmem_shared>>) dst(%dma_wait3A_128 : memref<6256xf32, #tpu.memory_space<hbm>>)
      tpu.yield
    }) : () -> ()
    return
  }
}

module attributes {stable_mosaic.version = 14 : i64} {
  func.func @_dense1_body(%arg0: i32, %arg1: memref<2048x18xf32, #tpu.memory_space<vmem>>, %arg2: memref<2x2048xf32, #tpu.memory_space<vmem>>, %arg3: memref<2048x82xf32, #tpu.memory_space<vmem>>, %arg4: memref<18x32xf32, #tpu.memory_space<vmem>>, %arg5: memref<82x32xf32, #tpu.memory_space<vmem>>, %arg6: memref<1x32xf32, #tpu.memory_space<vmem>>, %arg7: memref<1xi32, #tpu.memory_space<smem>>, %arg8: memref<1000x128xi32, #tpu.memory_space<vmem>>, %arg9: memref<2x2048x16xf32, #tpu.memory_space<vmem>>, %arg10: memref<2048x32xf32, #tpu.memory_space<vmem>>, %arg11: memref<2x1000x128xi32, #tpu.memory_space<vmem>>) attributes {dimension_semantics = [#tpu.dimension_semantics<arbitrary>], iteration_bounds = array<i64: 49>, scalar_prefetch = 0 : i64, scratch_operands = 0 : i64, tpu.core_type = #tpu.core_type<tc>, window_params = [{transform_indices = @transform_0, window_bounds = array<i64: 2048, 18>}, {transform_indices = @transform_1, window_bounds = array<i64: 2, 2048>}, {transform_indices = @transform_2, window_bounds = array<i64: 2048, 82>}, {pipeline_mode = #tpu.pipeline_mode<synchronous>, transform_indices = @transform_3, window_bounds = array<i64: 18, 32>}, {pipeline_mode = #tpu.pipeline_mode<synchronous>, transform_indices = @transform_4, window_bounds = array<i64: 82, 32>}, {pipeline_mode = #tpu.pipeline_mode<synchronous>, transform_indices = @transform_5, window_bounds = array<i64: 1, 32>}, {transform_indices = @transform_6, window_bounds = array<i64: 1>}, {transform_indices = @transform_7, window_bounds = array<i64: 1000, 128>}, {transform_indices = @transform_8, window_bounds = array<i64: 2, 2048, 16>}, {transform_indices = @transform_9, window_bounds = array<i64: 2048, 32>}, {transform_indices = @transform_10, window_bounds = array<i64: 2, 1000, 128>}]} {
    %get3A = arith.constant 0 : index
    %get3A_0 = arith.constant 0 : index
    %get3A_1 = vector.load %arg2[%get3A, %get3A_0] : memref<2x2048xf32, #tpu.memory_space<vmem>>, vector<1x2048xf32>
    %get3A_2 = vector.shape_cast %get3A_1 : vector<1x2048xf32> to vector<2048xf32>
    %get3A_3 = arith.constant 1 : index
    %get3A_4 = arith.constant 0 : index
    %get3A_5 = vector.load %arg2[%get3A_3, %get3A_4] : memref<2x2048xf32, #tpu.memory_space<vmem>>, vector<1x2048xf32>
    %get3A_6 = vector.shape_cast %get3A_5 : vector<1x2048xf32> to vector<2048xf32>
    %add3A = arith.addf %get3A_2, %get3A_6 : vector<2048xf32>
    %max3A = arith.constant 1.000000e+00 : f32
    %max3A_7 = vector.broadcast %max3A : f32 to vector<2048xf32>
    %max3A_8 = arith.maximumf %add3A, %max3A_7 : vector<2048xf32>
    %rsqrt3A = math.rsqrt %max3A_8 : vector<2048xf32>
    %get3A_9 = arith.constant 0 : index
    %get3A_10 = arith.constant 0 : index
    %get3A_11 = vector.load %arg1[%get3A_9, %get3A_10] : memref<2048x18xf32, #tpu.memory_space<vmem>>, vector<2048x18xf32>
    %get3A_12 = arith.constant 0 : index
    %get3A_13 = arith.constant 0 : index
    %get3A_14 = vector.load %arg4[%get3A_12, %get3A_13] : memref<18x32xf32, #tpu.memory_space<vmem>>, vector<18x32xf32>
    %dot_general3A = arith.constant dense<0.000000e+00> : vector<2048x32xf32>
    %dot_general3A_15 = tpu.matmul %get3A_11, %get3A_14, %dot_general3A {dimension_numbers = #tpu.dot_dimension_numbers<[1], [0], [0], [1], [0, 0, 1, 1], [], []>, transpose_lhs_hint = false} : vector<2048x18xf32>, vector<18x32xf32>, vector<2048x32xf32> -> vector<2048x32xf32>
    %broadcast_in_dim3A = vector.shape_cast %rsqrt3A : vector<2048xf32> to vector<2048x1xf32>
    %mul3A = vector.broadcast %broadcast_in_dim3A : vector<2048x1xf32> to vector<2048x32xf32>
    %mul3A_16 = arith.mulf %dot_general3A_15, %mul3A : vector<2048x32xf32>
    %slice3A = vector.extract_strided_slice %mul3A_16 {offsets = [0, 0], sizes = [2048, 16], strides = [1, 1]} : vector<2048x32xf32> to vector<2048x16xf32>
    %swap3A = arith.constant 0 : index
    %swap3A_17 = arith.constant 0 : index
    %swap3A_18 = arith.constant 0 : index
    %swap3A_19 = vector.load %arg9[%swap3A, %swap3A_17, %swap3A_18] : memref<2x2048x16xf32, #tpu.memory_space<vmem>>, vector<1x2048x16xf32>
    %swap3A_20 = vector.shape_cast %swap3A_19 : vector<1x2048x16xf32> to vector<2048x16xf32>
    %swap3A_21 = vector.shape_cast %slice3A : vector<2048x16xf32> to vector<1x2048x16xf32>
    tpu.vector_store %arg9[%swap3A, %swap3A_17, %swap3A_18], %swap3A_21 {strides = array<i32>} : memref<2x2048x16xf32, #tpu.memory_space<vmem>>, vector<1x2048x16xf32>,
    %slice3A_22 = vector.extract_strided_slice %mul3A_16 {offsets = [0, 16], sizes = [2048, 16], strides = [1, 1]} : vector<2048x32xf32> to vector<2048x16xf32>
    %swap3A_23 = arith.constant 1 : index
    %swap3A_24 = arith.constant 0 : index
    %swap3A_25 = arith.constant 0 : index
    %swap3A_26 = vector.load %arg9[%swap3A_23, %swap3A_24, %swap3A_25] : memref<2x2048x16xf32, #tpu.memory_space<vmem>>, vector<1x2048x16xf32>
    %swap3A_27 = vector.shape_cast %swap3A_26 : vector<1x2048x16xf32> to vector<2048x16xf32>
    %swap3A_28 = vector.shape_cast %slice3A_22 : vector<2048x16xf32> to vector<1x2048x16xf32>
    tpu.vector_store %arg9[%swap3A_23, %swap3A_24, %swap3A_25], %swap3A_28 {strides = array<i32>} : memref<2x2048x16xf32, #tpu.memory_space<vmem>>, vector<1x2048x16xf32>,
    %get3A_29 = arith.constant 0 : index
    %get3A_30 = arith.constant 0 : index
    %get3A_31 = vector.load %arg3[%get3A_29, %get3A_30] : memref<2048x82xf32, #tpu.memory_space<vmem>>, vector<2048x82xf32>
    %get3A_32 = arith.constant 0 : index
    %get3A_33 = arith.constant 0 : index
    %get3A_34 = vector.load %arg5[%get3A_32, %get3A_33] : memref<82x32xf32, #tpu.memory_space<vmem>>, vector<82x32xf32>
    %dot_general3A_35 = arith.constant dense<0.000000e+00> : vector<2048x32xf32>
    %dot_general3A_36 = tpu.matmul %get3A_31, %get3A_34, %dot_general3A_35 {dimension_numbers = #tpu.dot_dimension_numbers<[1], [0], [0], [1], [0, 0, 1, 1], [], []>, transpose_lhs_hint = false} : vector<2048x82xf32>, vector<82x32xf32>, vector<2048x32xf32> -> vector<2048x32xf32>
    %get3A_37 = arith.constant 0 : index
    %get3A_38 = arith.constant 0 : index
    %get3A_39 = vector.load %arg6[%get3A_37, %get3A_38] : memref<1x32xf32, #tpu.memory_space<vmem>>, vector<1x32xf32>
    %add3A_40 = vector.broadcast %get3A_39 : vector<1x32xf32> to vector<2048x32xf32>
    %add3A_41 = arith.addf %dot_general3A_36, %add3A_40 : vector<2048x32xf32>
    %swap3A_42 = arith.constant 0 : index
    %swap3A_43 = arith.constant 0 : index
    %swap3A_44 = vector.load %arg10[%swap3A_42, %swap3A_43] : memref<2048x32xf32, #tpu.memory_space<vmem>>, vector<2048x32xf32>
    tpu.vector_store %arg10[%swap3A_42, %swap3A_43], %add3A_41 {strides = array<i32>} : memref<2048x32xf32, #tpu.memory_space<vmem>>, vector<2048x32xf32>,
    %get3A_45 = arith.constant 0 : index
    %get3A_46 = arith.constant 0 : index
    %get3A_47 = vector.load %arg8[%get3A_45, %get3A_46] : memref<1000x128xi32, #tpu.memory_space<vmem>>, vector<1000x128xi32>
    %swap3A_48 = arith.constant 0 : index
    %swap3A_49 = arith.constant 0 : index
    %swap3A_50 = arith.constant 0 : index
    %swap3A_51 = vector.load %arg11[%swap3A_48, %swap3A_49, %swap3A_50] : memref<2x1000x128xi32, #tpu.memory_space<vmem>>, vector<1x1000x128xi32>
    %swap3A_52 = vector.shape_cast %swap3A_51 : vector<1x1000x128xi32> to vector<1000x128xi32>
    %swap3A_53 = vector.shape_cast %get3A_47 : vector<1000x128xi32> to vector<1x1000x128xi32>
    tpu.vector_store %arg11[%swap3A_48, %swap3A_49, %swap3A_50], %swap3A_53 {strides = array<i32>} : memref<2x1000x128xi32, #tpu.memory_space<vmem>>, vector<1x1000x128xi32>,
    %get3A_54 = arith.constant 0 : index
    %get3A_55 = memref.load %arg7[%get3A_54] : memref<1xi32, #tpu.memory_space<smem>>
    %add3A_56 = vector.broadcast %get3A_55 : i32 to vector<1000x128xi32>
    %add3A_57 = arith.addi %get3A_47, %add3A_56 : vector<1000x128xi32>
    %swap3A_58 = arith.constant 1 : index
    %swap3A_59 = arith.constant 0 : index
    %swap3A_60 = arith.constant 0 : index
    %swap3A_61 = vector.load %arg11[%swap3A_58, %swap3A_59, %swap3A_60] : memref<2x1000x128xi32, #tpu.memory_space<vmem>>, vector<1x1000x128xi32>
    %swap3A_62 = vector.shape_cast %swap3A_61 : vector<1x1000x128xi32> to vector<1000x128xi32>
    %swap3A_63 = vector.shape_cast %add3A_57 : vector<1000x128xi32> to vector<1x1000x128xi32>
    tpu.vector_store %arg11[%swap3A_58, %swap3A_59, %swap3A_60], %swap3A_63 {strides = array<i32>} : memref<2x1000x128xi32, #tpu.memory_space<vmem>>, vector<1x1000x128xi32>,
    return
  }
  func.func @transform_0(%arg0: i32) -> (i32, i32) {
    %c0_i32 = arith.constant 0 : i32
    %c0_i32_0 = arith.constant 0 : i32
    return %arg0, %c0_i32 : i32, i32
  }
  func.func @transform_1(%arg0: i32) -> (i32, i32) {
    %c0_i32 = arith.constant 0 : i32
    %c0_i32_0 = arith.constant 0 : i32
    return %c0_i32, %arg0 : i32, i32
  }
  func.func @transform_2(%arg0: i32) -> (i32, i32) {
    %c0_i32 = arith.constant 0 : i32
    %c0_i32_0 = arith.constant 0 : i32
    return %arg0, %c0_i32 : i32, i32
  }
  func.func @transform_3(%arg0: i32) -> (i32, i32) {
    %c0_i32 = arith.constant 0 : i32
    %c0_i32_0 = arith.constant 0 : i32
    %c0_i32_1 = arith.constant 0 : i32
    return %c0_i32, %c0_i32_0 : i32, i32
  }
  func.func @transform_4(%arg0: i32) -> (i32, i32) {
    %c0_i32 = arith.constant 0 : i32
    %c0_i32_0 = arith.constant 0 : i32
    %c0_i32_1 = arith.constant 0 : i32
    return %c0_i32, %c0_i32_0 : i32, i32
  }
  func.func @transform_5(%arg0: i32) -> (i32, i32) {
    %c0_i32 = arith.constant 0 : i32
    %c0_i32_0 = arith.constant 0 : i32
    %c0_i32_1 = arith.constant 0 : i32
    return %c0_i32, %c0_i32_0 : i32, i32
  }
  func.func @transform_6(%arg0: i32) -> i32 {
    %c0_i32 = arith.constant 0 : i32
    %c0_i32_0 = arith.constant 0 : i32
    return %c0_i32 : i32
  }
  func.func @transform_7(%arg0: i32) -> (i32, i32) {
    %min3A = arith.constant 24 : i32
    %min3A_0 = arith.minsi %arg0, %min3A : i32
    %c0_i32 = arith.constant 0 : i32
    %c0_i32_1 = arith.constant 0 : i32
    return %min3A_0, %c0_i32 : i32, i32
  }
  func.func @transform_8(%arg0: i32) -> (i32, i32, i32) {
    %c0_i32 = arith.constant 0 : i32
    %c0_i32_0 = arith.constant 0 : i32
    %c0_i32_1 = arith.constant 0 : i32
    return %c0_i32, %arg0, %c0_i32_0 : i32, i32, i32
  }
  func.func @transform_9(%arg0: i32) -> (i32, i32) {
    %c0_i32 = arith.constant 0 : i32
    %c0_i32_0 = arith.constant 0 : i32
    return %arg0, %c0_i32 : i32, i32
  }
  func.func @transform_10(%arg0: i32) -> (i32, i32, i32) {
    %min3A = arith.constant 24 : i32
    %min3A_0 = arith.minsi %arg0, %min3A : i32
    %c0_i32 = arith.constant 0 : i32
    %c0_i32_1 = arith.constant 0 : i32
    %c0_i32_2 = arith.constant 0 : i32
    return %c0_i32, %min3A_0, %c0_i32_1 : i32, i32, i32
  }
}

module attributes {stable_mosaic.version = 14 : i64} {
  func.func @_dense2_body(%arg0: i32, %arg1: memref<2x2048x16xf32, #tpu.memory_space<vmem>>, %arg2: memref<2x2048xf32, #tpu.memory_space<vmem>>, %arg3: memref<2048x32xf32, #tpu.memory_space<vmem>>, %arg4: memref<1x18xf32, #tpu.memory_space<vmem>>, %arg5: memref<2048x50xf32, #tpu.memory_space<vmem>>) attributes {dimension_semantics = [#tpu.dimension_semantics<arbitrary>], iteration_bounds = array<i64: 49>, scalar_prefetch = 0 : i64, scratch_operands = 0 : i64, tpu.core_type = #tpu.core_type<tc>, window_params = [{transform_indices = @transform_0, window_bounds = array<i64: 2, 2048, 16>}, {transform_indices = @transform_1, window_bounds = array<i64: 2, 2048>}, {transform_indices = @transform_2, window_bounds = array<i64: 2048, 32>}, {pipeline_mode = #tpu.pipeline_mode<synchronous>, transform_indices = @transform_3, window_bounds = array<i64: 1, 18>}, {transform_indices = @transform_4, window_bounds = array<i64: 2048, 50>}]} {
    %get3A = arith.constant 0 : index
    %get3A_0 = arith.constant 0 : index
    %get3A_1 = vector.load %arg2[%get3A, %get3A_0] : memref<2x2048xf32, #tpu.memory_space<vmem>>, vector<1x2048xf32>
    %get3A_2 = vector.shape_cast %get3A_1 : vector<1x2048xf32> to vector<2048xf32>
    %get3A_3 = arith.constant 1 : index
    %get3A_4 = arith.constant 0 : index
    %get3A_5 = vector.load %arg2[%get3A_3, %get3A_4] : memref<2x2048xf32, #tpu.memory_space<vmem>>, vector<1x2048xf32>
    %get3A_6 = vector.shape_cast %get3A_5 : vector<1x2048xf32> to vector<2048xf32>
    %add3A = arith.addf %get3A_2, %get3A_6 : vector<2048xf32>
    %max3A = arith.constant 1.000000e+00 : f32
    %max3A_7 = vector.broadcast %max3A : f32 to vector<2048xf32>
    %max3A_8 = arith.maximumf %add3A, %max3A_7 : vector<2048xf32>
    %rsqrt3A = math.rsqrt %max3A_8 : vector<2048xf32>
    %get3A_9 = arith.constant 0 : index
    %get3A_10 = arith.constant 0 : index
    %get3A_11 = arith.constant 0 : index
    %get3A_12 = vector.load %arg1[%get3A_9, %get3A_10, %get3A_11] : memref<2x2048x16xf32, #tpu.memory_space<vmem>>, vector<1x2048x16xf32>
    %get3A_13 = vector.shape_cast %get3A_12 : vector<1x2048x16xf32> to vector<2048x16xf32>
    %get3A_14 = arith.constant 1 : index
    %get3A_15 = arith.constant 0 : index
    %get3A_16 = arith.constant 0 : index
    %get3A_17 = vector.load %arg1[%get3A_14, %get3A_15, %get3A_16] : memref<2x2048x16xf32, #tpu.memory_space<vmem>>, vector<1x2048x16xf32>
    %get3A_18 = vector.shape_cast %get3A_17 : vector<1x2048x16xf32> to vector<2048x16xf32>
    %slice3A = vector.extract_strided_slice %get3A_18 {offsets = [0, 0], sizes = [2048, 2], strides = [1, 1]} : vector<2048x16xf32> to vector<2048x2xf32>
    %concatenate3A = tpu.concatenate %get3A_13, %slice3A in 1 : vector<2048x16xf32>, vector<2048x2xf32> -> vector<2048x18xf32>
    %broadcast_in_dim3A = vector.shape_cast %rsqrt3A : vector<2048xf32> to vector<2048x1xf32>
    %mul3A = vector.broadcast %broadcast_in_dim3A : vector<2048x1xf32> to vector<2048x18xf32>
    %mul3A_19 = arith.mulf %concatenate3A, %mul3A : vector<2048x18xf32>
    %get3A_20 = arith.constant 0 : index
    %get3A_21 = arith.constant 0 : index
    %get3A_22 = vector.load %arg4[%get3A_20, %get3A_21] : memref<1x18xf32, #tpu.memory_space<vmem>>, vector<1x18xf32>
    %add3A_23 = vector.broadcast %get3A_22 : vector<1x18xf32> to vector<2048x18xf32>
    %add3A_24 = arith.addf %mul3A_19, %add3A_23 : vector<2048x18xf32>
    %max3A_25 = arith.constant 0.000000e+00 : f32
    %max3A_26 = vector.broadcast %max3A_25 : f32 to vector<2048x18xf32>
    %max3A_27 = arith.maximumf %add3A_24, %max3A_26 : vector<2048x18xf32>
    %get3A_28 = arith.constant 0 : index
    %get3A_29 = arith.constant 0 : index
    %get3A_30 = vector.load %arg3[%get3A_28, %get3A_29] : memref<2048x32xf32, #tpu.memory_space<vmem>>, vector<2048x32xf32>
    %concatenate3A_31 = tpu.concatenate %get3A_30, %max3A_27 in 1 : vector<2048x32xf32>, vector<2048x18xf32> -> vector<2048x50xf32>
    %swap3A = arith.constant 0 : index
    %swap3A_32 = arith.constant 0 : index
    %swap3A_33 = vector.load %arg5[%swap3A, %swap3A_32] : memref<2048x50xf32, #tpu.memory_space<vmem>>, vector<2048x50xf32>
    tpu.vector_store %arg5[%swap3A, %swap3A_32], %concatenate3A_31 {strides = array<i32>} : memref<2048x50xf32, #tpu.memory_space<vmem>>, vector<2048x50xf32>,
    return
  }
  func.func @transform_0(%arg0: i32) -> (i32, i32, i32) {
    %c0_i32 = arith.constant 0 : i32
    %c0_i32_0 = arith.constant 0 : i32
    %c0_i32_1 = arith.constant 0 : i32
    return %c0_i32, %arg0, %c0_i32_0 : i32, i32, i32
  }
  func.func @transform_1(%arg0: i32) -> (i32, i32) {
    %c0_i32 = arith.constant 0 : i32
    %c0_i32_0 = arith.constant 0 : i32
    return %c0_i32, %arg0 : i32, i32
  }
  func.func @transform_2(%arg0: i32) -> (i32, i32) {
    %c0_i32 = arith.constant 0 : i32
    %c0_i32_0 = arith.constant 0 : i32
    return %arg0, %c0_i32 : i32, i32
  }
  func.func @transform_3(%arg0: i32) -> (i32, i32) {
    %c0_i32 = arith.constant 0 : i32
    %c0_i32_0 = arith.constant 0 : i32
    %c0_i32_1 = arith.constant 0 : i32
    return %c0_i32, %c0_i32_0 : i32, i32
  }
  func.func @transform_4(%arg0: i32) -> (i32, i32) {
    %c0_i32 = arith.constant 0 : i32
    %c0_i32_0 = arith.constant 0 : i32
    return %arg0, %c0_i32 : i32, i32
  }
}

</mosaic_0001>

<sc_bundles>
// kernel: kernel.6.cloned.1.call-start
scs
__scs_entry_jumppad:
0x0: {  	(pc) =	sbr.rel $0x88, $3  }
0x1: {  	(tag) =	ssettag $0x0;
	lr =	simm.s32 $0x1  }
0x2: {  	[smem:$0x3F9A] =	sst lr;
	_ =	strace $0xD0000000  }
0x3: {  	_ = 	snop  }
0x4: {  	_ = 	snop  }
0x5: {  	_ = 	snop  }
0x6: {  	_ = 	snop  }
0x7: {  	_ = 	snop  }
__scs_overlays_trampoline_lowered:
0x8: {  	[smem:$0x3FA9] =	sst s0  }
0x9: {  	[smem:$0x3FAA] =	sst s1  }
0xa: {  	[smem:$0x3FAB] =	sst s2  }
0xb: {  	[smem:$0x3FAC] =	sst s3  }
0xc: {  	[smem:$0x3FAD] =	sst s4  }
0xd: {  	[smem:$0x3FAE] =	sst s5  }
0xe: {  	[smem:$0x3FAF] =	sst s6  }
0xf: {  	[smem:$0x3FB0] =	sst s7  }
0x10: {  	[smem:$0x3FB1] =	sst s8  }
0x11: {  	[smem:$0x3FB2] =	sst s9;
	s0 =	simm.s32 @!p0 $0x0  }
0x12: {  	s1 =	sld [smem:$0x3F98];
	s0 =	simm.s32 @p0 $0x1  }
0x13: {  	[smem:$0x3FB3] =	sst s0;
	s0 =	simm.s32 @!p1 $0x0  }
0x14: {  	s2 =	sld [smem:$0x3F97];
	s0 =	simm.s32 @p1 $0x1  }
0x15: {  	[smem:$0x3FB4] =	sst s0;
	s0 =	simm.s32 @!p2 $0x0  }
0x16: {  	s3 =	sld [smem:$0x3FDB];
	s0 =	simm.s32 @p2 $0x1  }
0x17: {  	s4 =	simm.s32 $0x1BF5;
	[smem:$0x3FB6] =	sst s0  }
0x18: {  	s0 =	sld [smem:$0x3F99];
	_ =	swait.ge [sflag:s4], $0x0  }
0x19: {  	s7 =	sld [smem:$0x3F9A]  }
0x1a: {  	s8 =	sadd.s32 $0xFFFFE003, lr  }
0x1b: {  	s9 =	sadd.s32 $0xFFFFFEF7, lr;
	s5 =	simm.s32 $0xFFFFFFFF;
	p2 =	slt.u32 s8, $0xFFFFF086  }
0x1c: {  	p1 =	slt.u32 s9, $0xF7A;
	s5 =	simm.s32 @!p2 $0x0  }
0x1d: {  	s5 =	simm.s32 @p1 $0x1;
	p0 =	seq.s32 s7, s2  }
0x1e: {  	s7 =	smul.u32 @!p0 $0xF7A, s2;
	p2 =	seq.s32 @!p0 s5, $0x0  }
0x1f: {  	s9 =	smul.u32 $0xF7A, s1;
	s8 =	simm.s32 @!p0 $0x1BF5;
	p2 =	por !p2, p0  }
0x20: {  	[sflag:s8] =	ssyncset.s32 @!p0 $0xFFFFF086;
	s6 =	sadd.s32 @!p0 s3, s7;
	s7 =	simm.s32 @!p0 $0x108  }
0x21: {  	s3 =	sadd.s32 s3, s9;
	s6 =	sadd.s32 @!p0 $0x88, s6;
	s7 =	simm.s32 @p2 $0x1082  }
0x22: {  	[simem:s7], [sflag:s8] =	dma.local @!p0 [hbm:s6], $0xF7A  }
0x23: {  	s9 =	sor.u32 $0xD0000000, s2;
	s6 =	simm.s32 $0x108;
	_ =	swait.ge @!p0 [sflag:s8], $0x0  }
0x24: {  	s3 =	sadd.s32 $0x88, s3;
	s6 =	simm.s32 @!p1 $0x1082;
	[sflag:s4] =	ssyncset.s32 $0xFFFFF086  }
0x25: {  	[simem:s6], [sflag:s4] =	dma.local [hbm:s3], $0xF7A  }
0x26: {  	[smem:$0x3F9A] =	sst s1;
	(tag) =	ssettag s2;
	_ =	strace s9  }
0x27: {  	s1 =	sld [smem:$0x3FAA]  }
0x28: {  	s2 =	sld [smem:$0x3FAB]  }
0x29: {  	s4 =	sld [smem:$0x3FAD]  }
0x2a: {  	p0 =	seq.s32 s5, $0x0;
	s5 =	sld [smem:$0x3FAE]  }
0x2b: {  	s6 =	sld [smem:$0x3FAF]  }
0x2c: {  	s7 =	sld [smem:$0x3FB0]  }
0x2d: {  	s3 =	simm.s32 $0x108;
	s8 =	sld [smem:$0x3FB1]  }
0x2e: {  	s3 =	simm.s32 @!p0 $0x1082;
	s9 =	sld [smem:$0x3FB2]  }
0x2f: {  	lr =	sadd.s32 s0, s3;
	s0 =	sld [smem:$0x3FA9]  }
0x30: {  	s3 =	sld [smem:$0x3FAC]  }
0x31: {  	[smem:$0x3FB5] =	sst s10  }
0x32: {  	s10 =	sld [smem:$0x3FB3];
	_ =	sdelay $0x3  }
0x33: {  	p0 =	seq.s32 s10, $0x1;
	s10 =	sld [smem:$0x3FB5];
	_ =	sdelay $0x3  }
0x34: {  	[smem:$0x3FB5] =	sst s10  }
0x35: {  	s10 =	sld [smem:$0x3FB4];
	_ =	sdelay $0x3  }
0x36: {  	p1 =	seq.s32 s10, $0x1;
	s10 =	sld [smem:$0x3FB5];
	_ =	sdelay $0x3  }
0x37: {  	[smem:$0x3FB5] =	sst s10  }
0x38: {  	s10 =	sld [smem:$0x3FB6]  }
0x39: {  	_ = 	snop;
	(pc) =	sbr.ind lr, $3  }
0x3a: {  	_ = 	snop  }
0x3b: {  	_ = 	snop  }
0x3c: {  	p2 =	seq.s32 s10, $0x1;
	s10 =	sld [smem:$0x3FB5]  }
0x3d: {  	_ =	shalt  }
0x3e: {  	_ =	shalt  }
0x3f: {  	_ =	shalt  }
0x40: {  	_ =	shalt  }
0x41: {  	_ =	shalt  }
0x42: {  	_ =	shalt  }
0x43: {  	_ =	shalt  }
0x44: {  	_ =	shalt  }
0x45: {  	_ =	shalt  }
0x46: {  	_ =	shalt  }
0x47: {  	_ =	shalt  }
0x48: {  	_ =	shalt  }
0x49: {  	_ =	shalt  }
0x4a: {  	_ =	shalt  }
0x4b: {  	_ =	shalt  }
0x4c: {  	_ =	shalt  }
0x4d: {  	_ =	shalt  }
0x4e: {  	_ =	shalt  }
0x4f: {  	_ =	shalt  }
0x50: {  	_ =	shalt  }
0x51: {  	_ =	shalt  }
0x52: {  	_ =	shalt  }
0x53: {  	_ =	shalt  }
0x54: {  	_ =	shalt  }
0x55: {  	_ =	shalt  }
0x56: {  	_ =	shalt  }
0x57: {  	_ =	shalt  }
0x58: {  	_ =	shalt  }
0x59: {  	_ =	shalt  }
0x5a: {  	_ =	shalt  }
0x5b: {  	_ =	shalt  }
0x5c: {  	_ =	shalt  }
0x5d: {  	_ =	shalt  }
0x5e: {  	_ =	shalt  }
0x5f: {  	_ =	shalt  }
0x60: {  	_ =	shalt  }
0x61: {  	_ =	shalt  }
0x62: {  	_ =	shalt  }
0x63: {  	_ =	shalt  }
0x64: {  	_ =	shalt  }
0x65: {  	_ =	shalt  }
0x66: {  	_ =	shalt  }
0x67: {  	_ =	shalt  }
0x68: {  	_ =	shalt  }
0x69: {  	_ =	shalt  }
0x6a: {  	_ =	shalt  }
0x6b: {  	_ =	shalt  }
0x6c: {  	_ =	shalt  }
0x6d: {  	_ =	shalt  }
0x6e: {  	_ =	shalt  }
0x6f: {  	_ =	shalt  }
0x70: {  	_ =	shalt  }
0x71: {  	_ =	shalt  }
0x72: {  	_ =	shalt  }
0x73: {  	_ =	shalt  }
0x74: {  	_ =	shalt  }
0x75: {  	_ =	shalt  }
0x76: {  	_ =	shalt  }
0x77: {  	_ =	shalt  }
0x78: {  	_ =	shalt  }
0x79: {  	_ =	shalt  }
0x7a: {  	_ =	shalt  }
0x7b: {  	_ =	shalt  }
0x7c: {  	_ =	shalt  }
0x7d: {  	_ =	shalt  }
0x7e: {  	_ =	shalt  }
0x7f: {  	_ =	shalt  }
0x80: {  	_ =	shalt  }
0x81: {  	_ =	shalt  }
0x82: {  	_ =	shalt  }
0x83: {  	_ =	shalt  }
0x84: {  	_ =	shalt  }
0x85: {  	_ =	shalt  }
0x86: {  	_ =	shalt  }
0x87: {  	_ =	shalt  }
.Lfunc_end0:
.L_simem_size_0:
called_computation_lowered:
.L_overlay_start_0:
0x88: {  	s2 =	sld [smem:$0x3FD9]  }
0x89: {  	s3 =	sld [smem:$0x3FFE];
	_ =	sdelay $0x1  }
0x8a: {  	s1 =	srdreg.scid  }
0x8b: {  	s0 =	sand.u32 $0x1, s1  }
0x8c: {  	s17 =	sshll.u32 s0, $0xA;
	s2 =	sadd.s32 s3, s2  }
0x8d: {  	s2 =	sadd.s32 s2, s17  }
0x8e: {  	[smem:$0x3FC1] =	sst s2  }
0x8f: {  	_ = 	snop  }
0x90: {  	s2 =	sld [smem:$0x3FD0];
	(tm) =	ssettm $0x1  }
0x91: {  	s18 =	sld [smem:$0x3FFB];
	_ =	sdelay $0x3  }
0x92: {  	_ =	strace s18  }
0x93: {  	s3 =	sld [smem:$0x3FFC];
	_ =	sdelay $0x3  }
0x94: {  	_ =	strace s3  }
0x95: {  	s3 =	sld [smem:$0x3FFD];
	_ =	sdelay $0x3  }
0x96: {  	_ =	strace s3  }
0x97: {  	_ =	strace $0x8FFFFFFF  }
0x98: {  	s19 =	sld [smem:$0x3FDB];
	_ =	sdelay $0x1  }
0x99: {  	s4 =	simm.s32 $_scs_section_size  }
0x9a: {  	s5 =	simm.s32 $_size__tile_overlayer_lowered;
	s6 =	simm.s32 $_tile_overlayer_lowered  }
0x9b: {  	s22 =	simm.s32 $0x1BFF;
	s21 =	sshll.u32 s6, $0x1;
	s3 =	sadd.s32 s4, s19  }
0x9c: {  	s7 =	simm.s32 $0x0;
	s20 =	sshll.u32 s5, $0x1;
	s5 =	sadd.s32 s21, s3  }
0x9d: {  	[timem:s7], [sflag:s22] =	dma.local [hbm:s5], s20  }
0x9e: {  	_ =	swait.ge [sflag:s22], s20  }
0x9f: {  	s4 =	ssub.s32 $0x0, s20;
	[sflag:s22] =	ssyncset.done $0x0  }
0xa0: {  	[sflag:s22] =	ssyncadd.s32 s4;
	_ =	sdelay $0x1  }
0xa1: {  	s23 =	simm.s32 $0x1B8B  }
0xa2: {  	_ =	swait.ge [sflag:s23], $0x1  }
0xa3: {  	[sflag:s23] =	ssyncset.done $0x0  }
0xa4: {  	s25 =	simm.s32 $0x1B8E;
	s24 =	sld [smem:$0x3FFE];
	[sflag:s23] =	ssyncadd.s32 $0xFFFFFFFF  }
0xa5: {  	s26 =	simm.s32 $execute0_lowered;
	[smem:$0x3FD2] =	sst s25  }
0xa6: {  	s5 =	sshll.u32 s26, $0x1;
	_ =	strace $0x80000046;
	[dreg:$0x1] =	wrdreg $0xFFFFFFFF  }
0xa7: {  	s28 =	simm.s32 $_size_execute0_lowered;
	s3 =	sadd.s32 s3, s5;
	[dreg:$0x0] =	wrdreg $0x0  }
0xa8: {  	s5 =	sshll.u32 s28, $0x1;
	[dreg:$0x2] =	wrdreg s3  }
0xa9: {  	[dreg:$0x3] =	wrdreg s5  }
0xaa: {  	[dreg:$0x4] =	wrdreg $0xC0  }
0xab: {  	_ =	task [dreg:s7], $0x5FFFF  }
0xac: {  	[dreg:$0x1] =	wrdreg $0xFFFFFFFF  }
0xad: {  	[dreg:$0x0] =	wrdreg $0x60  }
0xae: {  	[dreg:$0x2] =	wrdreg s2  }
0xaf: {  	[dreg:$0x3] =	wrdreg s24  }
0xb0: {  	[dreg:$0x4] =	wrdreg $0x9000  }
0xb1: {  	[dreg:$0x5] =	wrdreg $0x21700  }
0xb2: {  	[dreg:$0x6] =	wrdreg $0x9  }
0xb3: {  	_ =	task.clear_ibuf [dreg:s7], $0x7FFFF;
	_ =	strace $0x90000046  }
0xb4: {  	s29 =	simm.s32 $0x9;
	_ =	strace $0x80000048  }
0xb5: {  	_ =	swait.ge [sflag:s29], $0x1  }
0xb6: {  	[sflag:s29] =	ssyncadd.s32 $0xFFFFFFFF  }
0xb7: {  	_ =	strace $0x90000048  }
0xb8: {  	_ =	sfence  }
0xb9: {  	s30 =	sld [smem:$0x0];
	_ =	sdelay $0x2  }
0xba: {  	s31 =	sshll.u32 s1, $0xD;
	s1 =	sshrl.u32 s1, $0x2  }
0xbb: {  	s3 =	sand.u32 $0x4000, s31;
	s1 =	sadd.s32 s1, s30  }
0xbc: {  	s0 =	sor.u32 s3, s0;
	s1 =	sshll.u32 s1, $0x11  }
0xbd: {  	s0 =	sor.u32 s1, s0  }
0xbe: {  	s0 =	sadd.s32 $0x8F2B, s0  }
0xbf: {  	[sflag:s0] =	ssyncadd.remote.s32 $0x1  }
0xc0: {  	_ =	sfence.sel $0xFFFF  }
0xc1: {  	[dreg:$0x0] =	wrdreg $0xFFFFFFFF;
	(pc) =	sbr.abs _section_cstart, $3  }
0xc2: {  	[dreg:$0x1] =	wrdreg $0xFFFFFFFF  }
0xc3: {  	_ =	task.clear_ibuf [dreg:s7], $0x2FFFF;
	_ =	strace $0x9FFFFFFF  }
0xc4: {  	(tm) =	ssettm $0x7FFFFFFF  }
0xc5: {  	_ =	shalt  }
tec
execute0_lowered:
.L_overlay_start_1:
0x0: {  	(tag) =	ssettag $0x1  }
0x1: {  	s0 =	rddreg [dreg:$0x0]  }
0x2: {  	s1 =	rddreg [dreg:$0x1]  }
0x3: {  	s2 =	rddreg [dreg:$0x2];
	s12 =	stileid.u32  }
0x4: {  	s4 =	srdreg.scid;
	s3 =	rddreg [dreg:$0x3];
	s15 =	simm.s32 $0x880  }
0x5: {  	s16 =	simm.s32 $0x3;
	s17 =	simm.s32 $0x400;
	s18 =	simm.s32 $0x1  }
0x6: {  	s19 =	simm.s32 $0x80;
	s28 =	simm.s32 $0x580;
	s29 =	simm.s32 $0x200  }
0x7: {  	s30 =	simm.s32 $0x600;
	s31 =	simm.s32 $0x280;
	s6 =	smul.u32 $0x1870, s12  }
0x8: {  	s5 =	sand.u32 $0x1, s4;
	s4 =	simm.s32 $0x0;
	s25 =	smul.u32 $0x61C0, s12  }
0x9: {  	s8 =	sshll.u32 s12, $0x8;
	s14 =	sshll.u32 s12, $0x1;
	s7 =	smul.u32 $0x18700, s5  }
0xa: {  	[smem:$0x7FF] =	sst s4;
	s9 =	sadd.s32 s8, s1;
	s10 =	ssub.s32 $0x2, s5  }
0xb: {  	s0 =	sadd.s32 s8, s0;
	s8 =	simm.s32 $0x2;
	_ =	strace $0x80000047  }
0xc: {  	s21 =	sshrl.u32 s10, $0x1;
	s11 =	sadd.s32 $0x1800, s6;
	s26 =	sadd.s32 s6, s3  }
0xd: {  	s7 =	sadd.s32 s6, s7;
	s22 =	sadd.s32 s11, s2;
	s23 =	sadd.s32 s11, s3  }
0xe: {  	s26 =	sshrl.u32 s26, $0x3;
	s7 =	sshrl.u32 s7, $0x3;
	[dreg:$0x5] =	wrdreg s22  }
0xf: {  	[dreg:$0x6] =	wrdreg s23;
	s22 =	sshll.u32 s5, $0x7;
	s23 =	sor.u32 s5, s14  }
0x10: {  	[dreg:$0xc] =	wrdreg s26;
	s26 =	simm.s32 $0x180;
	s5 =	simm.s32 $0x700  }
0x11: {  	s14 =	simm.s32 $0x0;
	s1 =	sadd.s32 s7, s1;
	s7 =	ssub.s32 s10, s21  }
0x12: {  	s21 =	sshrl.u32 s25, $0x2;
	s9 =	sadd.s32 s22, s9;
	s13 =	sadd.s32 s22, s0  }
0x13: {  	[dreg:$0xa] =	wrdreg s23;
	s22 =	simm.s32 $0x100;
	s23 =	simm.s32 $0x500  }
0x14: {  	s0 =	simm.s32 $0x300;
	s24 =	sadd.s32 $0x65200, s1;
	s1 =	sadd.s32 $0x6B400, s1  }
.Ltmp0:
0x15: {  	s20 =	smax.u32 s7, $0x1;
	s10 =	sadd.s32 s21, s2;
	(pc) =	sbr.rel .LBB2_1-.Ltmp0, $4  }
0x16: {  	s11 =	sadd.s32 s21, s3;
	s12 =	sadd.s32 $0x3600, s9;
	[dreg:$0x7] =	wrdreg s24  }
0x17: {  	s7 =	simm.s32 $0x780;
	s24 =	sadd.s32 s6, s2;
	[dreg:$0x8] =	wrdreg s1  }
0x18: {  	[dreg:$0x9] =	wrdreg s20;
	s20 =	simm.s32 $0x800;
	s25 =	sshrl.u32 s24, $0x3  }
0x19: {  	v0 =	vimm.f32 $1.000000000e+00;
	v1 =	vimm.f32 $0.0e+00;
	s1 =	simm.s32 $0x680;
	s6 =	simm.s32 $0x380;
	[dreg:$0xb] =	wrdreg s25  }
.LBB2_7:
0x1a: {  	s9 =	stileid.u32;
	[bflag:$0x0] =	sbarrier.arrive $0xFFFF  }
0x1b: {  	s9 =	sshll.u32 s9, $0x6;
	s14 =	rddreg [dreg:$0x7]  }
0x1c: {  	s21 =	rddreg [dreg:$0xb];
	s9 =	sor.u32 $0x1C03, s9  }
0x1d: {  	[hbm:s14], [sflag:s9] =	dma.local [spmem:s21], $0x30E  }
0x1e: {  	_ =	swait.ge [sflag:s16], $0x30E  }
0x1f: {  	[sflag:s16] =	ssyncset.done $0x0;
	s24 =	rddreg [dreg:$0x8]  }
0x20: {  	s25 =	rddreg [dreg:$0xc];
	[sflag:s16] =	ssyncadd.s32 $0xFFFFFCF2  }
0x21: {  	[hbm:s24], [sflag:s9] =	dma.local [spmem:s25], $0x30E  }
0x22: {  	_ =	swait.ge [sflag:s16], $0x30E  }
0x23: {  	s24 =	rddreg [dreg:$0xd]  }
0x24: {  	s25 =	rddreg [dreg:$0x9];
	s14 =	sadd.s32 $0x1, s24  }
0x25: {  	p0 =	sne.s32 s14, s25  }
.Ltmp1:
0x26: {  	_ = 	snop;
	(pc) =	sbr.rel @!p0 .LBB2_8-.Ltmp1, $3  }
0x27: {  	_ =	sdelay $0x1  }
0x28: {  	[sflag:s16] =	ssyncset.done $0x0  }
0x29: {  	[sflag:s16] =	ssyncadd.s32 $0xFFFFFCF2  }
.LBB2_1:
0x2a: {  	[tilespmem:$0x800] =	vst v0  }
0x2b: {  	[tilespmem:$0x810] =	vst v0  }
0x2c: {  	[tilespmem:$0x820] =	vst v0  }
0x2d: {  	[tilespmem:$0x830] =	vst v0  }
0x2e: {  	[tilespmem:$0x840] =	vst v0  }
0x2f: {  	[tilespmem:$0x850] =	vst v0  }
0x30: {  	[tilespmem:$0x860] =	vst v0  }
0x31: {  	[tilespmem:$0x870] =	vst v0  }
0x32: {  	[tilespmem:$0x880] =	vst v1  }
0x33: {  	[tilespmem:$0x890] =	vst v1  }
0x34: {  	[tilespmem:$0x8A0] =	vst v1  }
0x35: {  	[tilespmem:$0x8B0] =	vst v1  }
0x36: {  	[tilespmem:$0x8C0] =	vst v1  }
0x37: {  	[tilespmem:$0x8D0] =	vst v1  }
0x38: {  	[tilespmem:$0x8E0] =	vst v1  }
0x39: {  	[dreg:$0xd] =	wrdreg s14;
	[tilespmem:$0x8F0] =	vst v1;
	s24 =	sadd.s32 $0x0, s10  }
0x3a: {  	[spmem:s24] =	stream.linear.scatter [tilespmem:s15], [sflag:$0x3], $0x80, $0x38;
	[tilespmem:$0x39E0] =	vst v63  }
0x3b: {  	_ =	swait.ge [sflag:s16], $0x80  }
0x3c: {  	[sflag:s16] =	ssyncset.done $0x0  }
0x3d: {  	s25 =	sadd.s32 $0x0, s11;
	[sflag:s16] =	ssyncadd.s32 $0xFFFFFF80  }
0x3e: {  	[spmem:s25] =	stream.linear.scatter [tilespmem:s15], [sflag:$0x3], $0x80, $0x38;
	[tilespmem:$0x39E0] =	vst v63  }
0x3f: {  	_ =	swait.ge [sflag:s16], $0x80  }
0x40: {  	s14 =	simm.s32 $0x80;
	s24 =	simm.s32 $0x400;
	[sflag:s16] =	ssyncset.done $0x0  }
.LBB2_2:
0x41: {  	s25 =	sadd.s32 s14, s10  }
0x42: {  	[sflag:s16] =	ssyncadd.s32 $0xFFFFFF80;
	s9 =	smov.u32 s24;
	s21 =	sadd.s32 $0x200, s24  }
0x43: {  	[spmem:s25] =	stream.linear.scatter [tilespmem:s15], [sflag:$0x3], $0x80, $0x38;
	[tilespmem:$0x39E0] =	vst v63  }
0x44: {  	p0 =	sne.s32 s24, $0x5E00;
	_ =	swait.ge [sflag:s16], $0x80  }
.Ltmp2:
0x45: {  	[sflag:s16] =	ssyncset.done $0x0;
	(pc) =	sbr.rel @p0 .LBB2_2-.Ltmp2, $4  }
0x46: {  	s14 =	sadd.s32 s14, s11;
	[sflag:s16] =	ssyncadd.s32 $0xFFFFFF80  }
0x47: {  	[spmem:s14] =	stream.linear.scatter [tilespmem:s15], [sflag:$0x3], $0x80, $0x38;
	[tilespmem:$0x39E0] =	vst v63  }
0x48: {  	_ =	swait.ge [sflag:s16], $0x80  }
0x49: {  	s24 =	smov.u32 s21;
	s14 =	sshra.s32 s9, $0x2;
	[sflag:s16] =	ssyncset.done $0x0  }
0x4a: {  	s9 =	sadd.s32 s14, s10;
	[sflag:s16] =	ssyncadd.s32 $0xFFFFFF80  }
0x4b: {  	[spmem:s9] =	stream.linear.scatter [tilespmem:s15], [sflag:$0x3], $0x80, $0x38;
	[tilespmem:$0x39E0] =	vst v63  }
0x4c: {  	_ =	swait.ge [sflag:s16], $0x80  }
0x4d: {  	[sflag:s16] =	ssyncset.done $0x0  }
0x4e: {  	s21 =	sadd.s32 s14, s11;
	[sflag:s16] =	ssyncadd.s32 $0xFFFFFF80  }
0x4f: {  	[spmem:s21] =	stream.linear.scatter [tilespmem:s15], [sflag:$0x3], $0x80, $0x38;
	[tilespmem:$0x39E0] =	vst v63  }
0x50: {  	_ =	swait.ge [sflag:s16], $0x80  }
0x51: {  	[sflag:s16] =	ssyncset.done $0x0  }
0x52: {  	s24 =	rddreg [dreg:$0x5];
	[sflag:s16] =	ssyncadd.s32 $0xFFFFFF80  }
0x53: {  	[spmem:s24] =	stream.linear.scatter [tilespmem:s15], [sflag:$0x3], $0x70, $0x38;
	[tilespmem:$0x39E0] =	vst v63  }
0x54: {  	_ =	swait.ge [sflag:s16], $0x70  }
0x55: {  	[sflag:s16] =	ssyncset.done $0x0  }
0x56: {  	s25 =	rddreg [dreg:$0x6];
	[sflag:s16] =	ssyncadd.s32 $0xFFFFFF90  }
0x57: {  	[spmem:s25] =	stream.linear.scatter [tilespmem:s15], [sflag:$0x3], $0x70, $0x38;
	[tilespmem:$0x39E0] =	vst v63  }
.Ltmp3:
0x58: {  	_ =	swait.ge [sflag:s16], $0x70;
	(pc) =	sbr.rel .LBB2_4-.Ltmp3, $4  }
0x59: {  	[sflag:s16] =	ssyncset.done $0x0  }
0x5a: {  	[sflag:s16] =	ssyncadd.s32 $0xFFFFFF90  }
0x5b: {  	[bflag:$0x0] =	sbarrier.arrive $0xFFFF  }
0x5c: {  	s14 =	simm.s32 $0x0;
	s21 =	simm.s32 $0x480;
	s24 =	rddreg [dreg:$0xa]  }
.LBB2_6:
0x5d: {  	s14 =	sadd.s32 $0x1000, s14  }
0x5e: {  	p0 =	sne.s32 s14, $0x62000  }
.Ltmp4:
0x5f: {  	_ = 	snop;
	(pc) =	sbr.rel @!p0 .LBB2_7-.Ltmp4, $2  }
0x60: {  	_ =	sdelay $0x2  }
0x61: {  	s24 =	sadd.s32 $0x20, s24  }
.LBB2_4:
0x62: {  	p0 =	sgt.u32 s24, $0xC34  }
.Ltmp5:
0x63: {  	_ = 	snop;
	(pc) =	sbr.rel @p0 .LBB2_6-.Ltmp5, $1  }
0x64: {  	_ =	sdelay $0x3  }
0x65: {  	s9 =	sadd.s32 s14, s13  }
0x66: {  	[tilespmem:s4], [sflag:$0x1] =	stream.linear.gather [hbm4b:s9+s4], $0x400, $0x38;
	[tilespmem:$0x39E0] =	vst v63  }
0x67: {  	s25 =	sadd.s32 s14, s12  }
0x68: {  	[tilespmem:s17], [sflag:$0x1] =	stream.linear.gather [hbm4b:s25+s4], $0x400, $0x38;
	[tilespmem:$0x39E0] =	vst v63  }
0x69: {  	_ =	swait.ge [sflag:s18], $0x400  }
0x6a: {  	[sflag:s18] =	ssyncset.done $0x0  }
0x6b: {  	[sflag:s18] =	ssyncadd.s32 $0xFFFFFC00  }
0x6c: {  	_ =	swait.ge [sflag:s18], $0x400  }
0x6d: {  	[sflag:s18] =	ssyncset.done $0x0  }
0x6e: {  	[sflag:s18] =	ssyncadd.s32 $0xFFFFFC00  }
0x6f: {  	[spmem:s2] =	stream.indirect.scatter.add.f32 [tilespmem:s20], [sflag:$0x2], $0x1, s4, s19, $0xb8;
	[tilespmem:$0x39E0] =	vst v63  }
0x70: {  	_ = 	snop  }
0x71: {  	[spmem:s3] =	stream.indirect.scatter.add.f32 [tilespmem:s20], [sflag:$0x2], $0x1, s17, s19, $0xb8;
	[tilespmem:$0x39E0] =	vst v63  }
0x72: {  	_ = 	snop  }
0x73: {  	[spmem:s2] =	stream.indirect.scatter.add.f32 [tilespmem:s20], [sflag:$0x2], $0x1, s19, s19, $0xb8;
	[tilespmem:$0x39E0] =	vst v63  }
0x74: {  	_ = 	snop  }
0x75: {  	[spmem:s3] =	stream.indirect.scatter.add.f32 [tilespmem:s20], [sflag:$0x2], $0x1, s21, s19, $0xb8;
	[tilespmem:$0x39E0] =	vst v63  }
0x76: {  	_ = 	snop  }
0x77: {  	[spmem:s2] =	stream.indirect.scatter.add.f32 [tilespmem:s20], [sflag:$0x2], $0x1, s22, s19, $0xb8;
	[tilespmem:$0x39E0] =	vst v63  }
0x78: {  	_ = 	snop  }
0x79: {  	[spmem:s3] =	stream.indirect.scatter.add.f32 [tilespmem:s20], [sflag:$0x2], $0x1, s23, s19, $0xb8;
	[tilespmem:$0x39E0] =	vst v63  }
0x7a: {  	_ = 	snop  }
0x7b: {  	[spmem:s2] =	stream.indirect.scatter.add.f32 [tilespmem:s20], [sflag:$0x2], $0x1, s26, s19, $0xb8;
	[tilespmem:$0x39E0] =	vst v63  }
0x7c: {  	_ = 	snop  }
0x7d: {  	[spmem:s3] =	stream.indirect.scatter.add.f32 [tilespmem:s20], [sflag:$0x2], $0x1, s28, s19, $0xb8;
	[tilespmem:$0x39E0] =	vst v63  }
0x7e: {  	_ = 	snop  }
0x7f: {  	[spmem:s2] =	stream.indirect.scatter.add.f32 [tilespmem:s20], [sflag:$0x2], $0x1, s29, s19, $0xb8;
	[tilespmem:$0x39E0] =	vst v63  }
0x80: {  	_ = 	snop  }
0x81: {  	[spmem:s3] =	stream.indirect.scatter.add.f32 [tilespmem:s20], [sflag:$0x2], $0x1, s30, s19, $0xb8;
	[tilespmem:$0x39E0] =	vst v63  }
0x82: {  	_ = 	snop  }
0x83: {  	[spmem:s2] =	stream.indirect.scatter.add.f32 [tilespmem:s20], [sflag:$0x2], $0x1, s31, s19, $0xb8;
	[tilespmem:$0x39E0] =	vst v63  }
0x84: {  	_ = 	snop  }
0x85: {  	[spmem:s3] =	stream.indirect.scatter.add.f32 [tilespmem:s20], [sflag:$0x2], $0x1, s1, s19, $0xb8;
	[tilespmem:$0x39E0] =	vst v63  }
0x86: {  	_ = 	snop  }
0x87: {  	[spmem:s2] =	stream.indirect.scatter.add.f32 [tilespmem:s20], [sflag:$0x2], $0x1, s0, s19, $0xb8;
	[tilespmem:$0x39E0] =	vst v63  }
0x88: {  	_ = 	snop  }
0x89: {  	[spmem:s3] =	stream.indirect.scatter.add.f32 [tilespmem:s20], [sflag:$0x2], $0x1, s5, s19, $0xb8;
	[tilespmem:$0x39E0] =	vst v63  }
0x8a: {  	_ = 	snop  }
0x8b: {  	[spmem:s2] =	stream.indirect.scatter.add.f32 [tilespmem:s20], [sflag:$0x2], $0x1, s6, s19, $0xb8;
	[tilespmem:$0x39E0] =	vst v63  }
0x8c: {  	_ = 	snop  }
0x8d: {  	[spmem:s3] =	stream.indirect.scatter.add.f32 [tilespmem:s20], [sflag:$0x2], $0x1, s7, s19, $0xb8;
	[tilespmem:$0x39E0] =	vst v63  }
0x8e: {  	_ =	swait.ge [sflag:s8], $0x80  }
0x8f: {  	[sflag:s8] =	ssyncset.done $0x0  }
0x90: {  	[sflag:s8] =	ssyncadd.s32 $0xFFFFFF80  }
0x91: {  	_ =	swait.ge [sflag:s8], $0x80  }
0x92: {  	[sflag:s8] =	ssyncset.done $0x0  }
0x93: {  	[sflag:s8] =	ssyncadd.s32 $0xFFFFFF80  }
0x94: {  	_ =	swait.ge [sflag:s8], $0x80  }
0x95: {  	[sflag:s8] =	ssyncset.done $0x0  }
0x96: {  	[sflag:s8] =	ssyncadd.s32 $0xFFFFFF80  }
0x97: {  	_ =	swait.ge [sflag:s8], $0x80  }
0x98: {  	[sflag:s8] =	ssyncset.done $0x0  }
0x99: {  	[sflag:s8] =	ssyncadd.s32 $0xFFFFFF80  }
0x9a: {  	_ =	swait.ge [sflag:s8], $0x80  }
0x9b: {  	[sflag:s8] =	ssyncset.done $0x0  }
0x9c: {  	[sflag:s8] =	ssyncadd.s32 $0xFFFFFF80  }
0x9d: {  	_ =	swait.ge [sflag:s8], $0x80  }
0x9e: {  	[sflag:s8] =	ssyncset.done $0x0  }
0x9f: {  	[sflag:s8] =	ssyncadd.s32 $0xFFFFFF80  }
0xa0: {  	_ =	swait.ge [sflag:s8], $0x80  }
0xa1: {  	[sflag:s8] =	ssyncset.done $0x0  }
0xa2: {  	[sflag:s8] =	ssyncadd.s32 $0xFFFFFF80  }
0xa3: {  	_ =	swait.ge [sflag:s8], $0x80  }
0xa4: {  	[sflag:s8] =	ssyncset.done $0x0  }
0xa5: {  	[sflag:s8] =	ssyncadd.s32 $0xFFFFFF80  }
0xa6: {  	_ =	swait.ge [sflag:s8], $0x80  }
0xa7: {  	[sflag:s8] =	ssyncset.done $0x0  }
0xa8: {  	[sflag:s8] =	ssyncadd.s32 $0xFFFFFF80  }
0xa9: {  	_ =	swait.ge [sflag:s8], $0x80  }
0xaa: {  	[sflag:s8] =	ssyncset.done $0x0  }
0xab: {  	[sflag:s8] =	ssyncadd.s32 $0xFFFFFF80  }
0xac: {  	_ =	swait.ge [sflag:s8], $0x80  }
0xad: {  	[sflag:s8] =	ssyncset.done $0x0  }
0xae: {  	[sflag:s8] =	ssyncadd.s32 $0xFFFFFF80  }
0xaf: {  	_ =	swait.ge [sflag:s8], $0x80  }
0xb0: {  	[sflag:s8] =	ssyncset.done $0x0  }
0xb1: {  	[sflag:s8] =	ssyncadd.s32 $0xFFFFFF80  }
0xb2: {  	_ =	swait.ge [sflag:s8], $0x80  }
0xb3: {  	[sflag:s8] =	ssyncset.done $0x0  }
0xb4: {  	[sflag:s8] =	ssyncadd.s32 $0xFFFFFF80  }
0xb5: {  	_ =	swait.ge [sflag:s8], $0x80  }
0xb6: {  	[sflag:s8] =	ssyncset.done $0x0  }
0xb7: {  	[sflag:s8] =	ssyncadd.s32 $0xFFFFFF80  }
0xb8: {  	_ =	swait.ge [sflag:s8], $0x80  }
.Ltmp6:
0xb9: {  	[sflag:s8] =	ssyncset.done $0x0;
	(pc) =	sbr.rel .LBB2_6-.Ltmp6, $4  }
0xba: {  	[sflag:s8] =	ssyncadd.s32 $0xFFFFFF80  }
0xbb: {  	_ =	swait.ge [sflag:s8], $0x80  }
0xbc: {  	[sflag:s8] =	ssyncset.done $0x0  }
0xbd: {  	[sflag:s8] =	ssyncadd.s32 $0xFFFFFF80  }
.LBB2_8:
0xbe: {  	_ =	sfence.sel $0x180000  }
0xbf: {  	[bflag:$0x0] =	sbarrier.arrive $0xFFFF  }
0xc0: {  	_ =	strace $0x90000047  }
0xc1: {  	s0 =	stileid.u32;
	[bflag:$0x2] =	sbarrier.arrive $0xFFFF  }
0xc2: {  	p0 =	sne.s32 s0, $0x0;
	s0 =	rddreg [dreg:$0x4]  }
0xc3: {  	s0 =	sadd.s32 @!p0 $0x100000, s0  }
0xc4: {  	[sflag:s0] =	ssyncadd.tile.s32 @!p0 $0x1;
	_ =	shalt  }
.Lfunc_end2:
_tile_overlayer_lowered:
.L_overlay_start_2:
0xc5: {  	(tag) =	ssettag $0x2  }
0xc6: {  	s0 =	rddreg [dreg:$0x0];
	s2 =	stileid.u32  }
0xc7: {  	s1 =	rddreg [dreg:$0x1];
	p0 =	sne.s32 s2, $0x0  }
0xc8: {  	s3 =	rddreg [dreg:$0x2];
	[bflag:$0x3] =	sbarrier.arrive $0xFFFF;
	s2 =	simm.s32 @!p0 $0x1C03  }
0xc9: {  	[timem:s3], [sflag:s2] =	dma.local @!p0 [hbm:s0], s1  }
0xca: {  	s0 =	simm.s32 @!p0 $0x3  }
0xcb: {  	_ =	swait.ge @!p0 [sflag:s0], s1  }
0xcc: {  	s1 =	ssub.s32 @!p0 $0x0, s1;
	[sflag:s0] =	ssyncset.done @!p0 $0x0  }
0xcd: {  	[sflag:s0] =	ssyncadd.s32 @!p0 s1  }
0xce: {  	[bflag:$0x3] =	sbarrier.arrive $0xFFFF  }
0xcf: {  	_ =	shalt  }

// kernel: kernel.9.cloned.1.call-start
scs
__scs_entry_jumppad:
0x0: {  	(pc) =	sbr.rel $0x88, $3  }
0x1: {  	(tag) =	ssettag $0x0;
	lr =	simm.s32 $0x1  }
0x2: {  	[smem:$0x3F9A] =	sst lr;
	_ =	strace $0xD0000000  }
0x3: {  	_ = 	snop  }
0x4: {  	_ = 	snop  }
0x5: {  	_ = 	snop  }
0x6: {  	_ = 	snop  }
0x7: {  	_ = 	snop  }
__scs_overlays_trampoline_lowered:
0x8: {  	[smem:$0x3FA9] =	sst s0  }
0x9: {  	[smem:$0x3FAA] =	sst s1  }
0xa: {  	[smem:$0x3FAB] =	sst s2  }
0xb: {  	[smem:$0x3FAC] =	sst s3  }
0xc: {  	[smem:$0x3FAD] =	sst s4  }
0xd: {  	[smem:$0x3FAE] =	sst s5  }
0xe: {  	[smem:$0x3FAF] =	sst s6  }
0xf: {  	[smem:$0x3FB0] =	sst s7  }
0x10: {  	[smem:$0x3FB1] =	sst s8  }
0x11: {  	[smem:$0x3FB2] =	sst s9;
	s0 =	simm.s32 @!p0 $0x0  }
0x12: {  	s1 =	sld [smem:$0x3F98];
	s0 =	simm.s32 @p0 $0x1  }
0x13: {  	[smem:$0x3FB3] =	sst s0;
	s0 =	simm.s32 @!p1 $0x0  }
0x14: {  	s2 =	sld [smem:$0x3F97];
	s0 =	simm.s32 @p1 $0x1  }
0x15: {  	[smem:$0x3FB4] =	sst s0;
	s0 =	simm.s32 @!p2 $0x0  }
0x16: {  	s3 =	sld [smem:$0x3FDB];
	s0 =	simm.s32 @p2 $0x1  }
0x17: {  	s4 =	simm.s32 $0x1BF5;
	[smem:$0x3FB6] =	sst s0  }
0x18: {  	s0 =	sld [smem:$0x3F99];
	_ =	swait.ge [sflag:s4], $0x0  }
0x19: {  	s7 =	sld [smem:$0x3F9A]  }
0x1a: {  	s8 =	sadd.s32 $0xFFFFE003, lr  }
0x1b: {  	s9 =	sadd.s32 $0xFFFFFEF7, lr;
	s5 =	simm.s32 $0xFFFFFFFF;
	p2 =	slt.u32 s8, $0xFFFFF086  }
0x1c: {  	p1 =	slt.u32 s9, $0xF7A;
	s5 =	simm.s32 @!p2 $0x0  }
0x1d: {  	s5 =	simm.s32 @p1 $0x1;
	p0 =	seq.s32 s7, s2  }
0x1e: {  	s7 =	smul.u32 @!p0 $0xF7A, s2;
	p2 =	seq.s32 @!p0 s5, $0x0  }
0x1f: {  	s9 =	smul.u32 $0xF7A, s1;
	s8 =	simm.s32 @!p0 $0x1BF5;
	p2 =	por !p2, p0  }
0x20: {  	[sflag:s8] =	ssyncset.s32 @!p0 $0xFFFFF086;
	s6 =	sadd.s32 @!p0 s3, s7;
	s7 =	simm.s32 @!p0 $0x108  }
0x21: {  	s3 =	sadd.s32 s3, s9;
	s6 =	sadd.s32 @!p0 $0x88, s6;
	s7 =	simm.s32 @p2 $0x1082  }
0x22: {  	[simem:s7], [sflag:s8] =	dma.local @!p0 [hbm:s6], $0xF7A  }
0x23: {  	s9 =	sor.u32 $0xD0000000, s2;
	s6 =	simm.s32 $0x108;
	_ =	swait.ge @!p0 [sflag:s8], $0x0  }
0x24: {  	s3 =	sadd.s32 $0x88, s3;
	s6 =	simm.s32 @!p1 $0x1082;
	[sflag:s4] =	ssyncset.s32 $0xFFFFF086  }
0x25: {  	[simem:s6], [sflag:s4] =	dma.local [hbm:s3], $0xF7A  }
0x26: {  	[smem:$0x3F9A] =	sst s1;
	(tag) =	ssettag s2;
	_ =	strace s9  }
0x27: {  	s1 =	sld [smem:$0x3FAA]  }
0x28: {  	s2 =	sld [smem:$0x3FAB]  }
0x29: {  	s4 =	sld [smem:$0x3FAD]  }
0x2a: {  	p0 =	seq.s32 s5, $0x0;
	s5 =	sld [smem:$0x3FAE]  }
0x2b: {  	s6 =	sld [smem:$0x3FAF]  }
0x2c: {  	s7 =	sld [smem:$0x3FB0]  }
0x2d: {  	s3 =	simm.s32 $0x108;
	s8 =	sld [smem:$0x3FB1]  }
0x2e: {  	s3 =	simm.s32 @!p0 $0x1082;
	s9 =	sld [smem:$0x3FB2]  }
0x2f: {  	lr =	sadd.s32 s0, s3;
	s0 =	sld [smem:$0x3FA9]  }
0x30: {  	s3 =	sld [smem:$0x3FAC]  }
0x31: {  	[smem:$0x3FB5] =	sst s10  }
0x32: {  	s10 =	sld [smem:$0x3FB3];
	_ =	sdelay $0x3  }
0x33: {  	p0 =	seq.s32 s10, $0x1;
	s10 =	sld [smem:$0x3FB5];
	_ =	sdelay $0x3  }
0x34: {  	[smem:$0x3FB5] =	sst s10  }
0x35: {  	s10 =	sld [smem:$0x3FB4];
	_ =	sdelay $0x3  }
0x36: {  	p1 =	seq.s32 s10, $0x1;
	s10 =	sld [smem:$0x3FB5];
	_ =	sdelay $0x3  }
0x37: {  	[smem:$0x3FB5] =	sst s10  }
0x38: {  	s10 =	sld [smem:$0x3FB6]  }
0x39: {  	_ = 	snop;
	(pc) =	sbr.ind lr, $3  }
0x3a: {  	_ = 	snop  }
0x3b: {  	_ = 	snop  }
0x3c: {  	p2 =	seq.s32 s10, $0x1;
	s10 =	sld [smem:$0x3FB5]  }
0x3d: {  	_ =	shalt  }
0x3e: {  	_ =	shalt  }
0x3f: {  	_ =	shalt  }
0x40: {  	_ =	shalt  }
0x41: {  	_ =	shalt  }
0x42: {  	_ =	shalt  }
0x43: {  	_ =	shalt  }
0x44: {  	_ =	shalt  }
0x45: {  	_ =	shalt  }
0x46: {  	_ =	shalt  }
0x47: {  	_ =	shalt  }
0x48: {  	_ =	shalt  }
0x49: {  	_ =	shalt  }
0x4a: {  	_ =	shalt  }
0x4b: {  	_ =	shalt  }
0x4c: {  	_ =	shalt  }
0x4d: {  	_ =	shalt  }
0x4e: {  	_ =	shalt  }
0x4f: {  	_ =	shalt  }
0x50: {  	_ =	shalt  }
0x51: {  	_ =	shalt  }
0x52: {  	_ =	shalt  }
0x53: {  	_ =	shalt  }
0x54: {  	_ =	shalt  }
0x55: {  	_ =	shalt  }
0x56: {  	_ =	shalt  }
0x57: {  	_ =	shalt  }
0x58: {  	_ =	shalt  }
0x59: {  	_ =	shalt  }
0x5a: {  	_ =	shalt  }
0x5b: {  	_ =	shalt  }
0x5c: {  	_ =	shalt  }
0x5d: {  	_ =	shalt  }
0x5e: {  	_ =	shalt  }
0x5f: {  	_ =	shalt  }
0x60: {  	_ =	shalt  }
0x61: {  	_ =	shalt  }
0x62: {  	_ =	shalt  }
0x63: {  	_ =	shalt  }
0x64: {  	_ =	shalt  }
0x65: {  	_ =	shalt  }
0x66: {  	_ =	shalt  }
0x67: {  	_ =	shalt  }
0x68: {  	_ =	shalt  }
0x69: {  	_ =	shalt  }
0x6a: {  	_ =	shalt  }
0x6b: {  	_ =	shalt  }
0x6c: {  	_ =	shalt  }
0x6d: {  	_ =	shalt  }
0x6e: {  	_ =	shalt  }
0x6f: {  	_ =	shalt  }
0x70: {  	_ =	shalt  }
0x71: {  	_ =	shalt  }
0x72: {  	_ =	shalt  }
0x73: {  	_ =	shalt  }
0x74: {  	_ =	shalt  }
0x75: {  	_ =	shalt  }
0x76: {  	_ =	shalt  }
0x77: {  	_ =	shalt  }
0x78: {  	_ =	shalt  }
0x79: {  	_ =	shalt  }
0x7a: {  	_ =	shalt  }
0x7b: {  	_ =	shalt  }
0x7c: {  	_ =	shalt  }
0x7d: {  	_ =	shalt  }
0x7e: {  	_ =	shalt  }
0x7f: {  	_ =	shalt  }
0x80: {  	_ =	shalt  }
0x81: {  	_ =	shalt  }
0x82: {  	_ =	shalt  }
0x83: {  	_ =	shalt  }
0x84: {  	_ =	shalt  }
0x85: {  	_ =	shalt  }
0x86: {  	_ =	shalt  }
0x87: {  	_ =	shalt  }
.Lfunc_end0:
.L_simem_size_0:
called_computation.1_lowered:
.L_overlay_start_0:
0x88: {  	s2 =	sld [smem:$0x3FD9]  }
0x89: {  	s3 =	sld [smem:$0x3FFE];
	_ =	sdelay $0x1  }
0x8a: {  	s1 =	srdreg.scid  }
0x8b: {  	s0 =	sand.u32 $0x1, s1  }
0x8c: {  	s17 =	sshll.u32 s0, $0xA;
	s2 =	sadd.s32 s3, s2  }
0x8d: {  	s2 =	sadd.s32 s2, s17  }
0x8e: {  	[smem:$0x3FC1] =	sst s2  }
0x8f: {  	_ = 	snop  }
0x90: {  	s2 =	sld [smem:$0x3FD0];
	(tm) =	ssettm $0x1  }
0x91: {  	s18 =	sld [smem:$0x3FFB];
	_ =	sdelay $0x3  }
0x92: {  	_ =	strace s18  }
0x93: {  	s3 =	sld [smem:$0x3FFC];
	_ =	sdelay $0x3  }
0x94: {  	_ =	strace s3  }
0x95: {  	s3 =	sld [smem:$0x3FFD];
	_ =	sdelay $0x3  }
0x96: {  	_ =	strace s3  }
0x97: {  	_ =	strace $0x8FFFFFFF  }
0x98: {  	s19 =	sld [smem:$0x3FDB];
	_ =	sdelay $0x1  }
0x99: {  	s4 =	simm.s32 $_scs_section_size  }
0x9a: {  	s5 =	simm.s32 $_size__tile_overlayer_lowered;
	s6 =	simm.s32 $_tile_overlayer_lowered  }
0x9b: {  	s22 =	simm.s32 $0x1BFF;
	s21 =	sshll.u32 s6, $0x1;
	s3 =	sadd.s32 s4, s19  }
0x9c: {  	s7 =	simm.s32 $0x0;
	s20 =	sshll.u32 s5, $0x1;
	s5 =	sadd.s32 s21, s3  }
0x9d: {  	[timem:s7], [sflag:s22] =	dma.local [hbm:s5], s20  }
0x9e: {  	_ =	swait.ge [sflag:s22], s20  }
0x9f: {  	s4 =	ssub.s32 $0x0, s20;
	[sflag:s22] =	ssyncset.done $0x0  }
0xa0: {  	[sflag:s22] =	ssyncadd.s32 s4;
	_ =	sdelay $0x1  }
0xa1: {  	s23 =	simm.s32 $0x1B8B  }
0xa2: {  	_ =	swait.ge [sflag:s23], $0x1  }
0xa3: {  	[sflag:s23] =	ssyncset.done $0x0  }
0xa4: {  	s25 =	simm.s32 $0x1B8E;
	s24 =	sld [smem:$0x3FFE];
	[sflag:s23] =	ssyncadd.s32 $0xFFFFFFFF  }
0xa5: {  	s26 =	simm.s32 $execute0_lowered;
	[smem:$0x3FD2] =	sst s25  }
0xa6: {  	s5 =	sshll.u32 s26, $0x1;
	_ =	strace $0x80000049;
	[dreg:$0x1] =	wrdreg $0xFFFFFFFF  }
0xa7: {  	s28 =	simm.s32 $_size_execute0_lowered;
	s3 =	sadd.s32 s3, s5;
	[dreg:$0x0] =	wrdreg $0x0  }
0xa8: {  	s5 =	sshll.u32 s28, $0x1;
	[dreg:$0x2] =	wrdreg s3  }
0xa9: {  	[dreg:$0x3] =	wrdreg s5  }
0xaa: {  	[dreg:$0x4] =	wrdreg $0xC0  }
0xab: {  	_ =	task [dreg:s7], $0x5FFFF  }
0xac: {  	[dreg:$0x1] =	wrdreg $0xFFFFFFFF  }
0xad: {  	[dreg:$0x0] =	wrdreg $0x60  }
0xae: {  	[dreg:$0x2] =	wrdreg s24  }
0xaf: {  	[dreg:$0x3] =	wrdreg s2  }
0xb0: {  	[dreg:$0x4] =	wrdreg $0x74000  }
0xb1: {  	[dreg:$0x5] =	wrdreg $0x9  }
0xb2: {  	_ =	task.clear_ibuf [dreg:s7], $0x6FFFF;
	_ =	strace $0x90000049  }
0xb3: {  	s29 =	simm.s32 $0x9;
	_ =	strace $0x8000004B  }
0xb4: {  	_ =	swait.ge [sflag:s29], $0x1  }
0xb5: {  	[sflag:s29] =	ssyncadd.s32 $0xFFFFFFFF  }
0xb6: {  	_ =	strace $0x9000004B  }
0xb7: {  	_ =	sfence  }
0xb8: {  	s30 =	sld [smem:$0x0];
	_ =	sdelay $0x2  }
0xb9: {  	s31 =	sshll.u32 s1, $0xD;
	s1 =	sshrl.u32 s1, $0x2  }
0xba: {  	s3 =	sand.u32 $0x4000, s31;
	s1 =	sadd.s32 s1, s30  }
0xbb: {  	s0 =	sor.u32 s3, s0;
	s1 =	sshll.u32 s1, $0x11  }
0xbc: {  	s0 =	sor.u32 s1, s0  }
0xbd: {  	s0 =	sadd.s32 $0x8F2B, s0  }
0xbe: {  	[sflag:s0] =	ssyncadd.remote.s32 $0x1  }
0xbf: {  	_ =	sfence.sel $0xFFFF  }
0xc0: {  	[dreg:$0x0] =	wrdreg $0xFFFFFFFF;
	(pc) =	sbr.abs _section_cstart, $3  }
0xc1: {  	[dreg:$0x1] =	wrdreg $0xFFFFFFFF  }
0xc2: {  	_ =	task.clear_ibuf [dreg:s7], $0x2FFFF;
	_ =	strace $0x9FFFFFFF  }
0xc3: {  	(tm) =	ssettm $0x7FFFFFFF  }
tec
execute0_lowered:
.L_overlay_start_1:
0x0: {  	(tag) =	ssettag $0x1  }
0x1: {  	s0 =	rddreg [dreg:$0x0]  }
0x2: {  	s2 =	rddreg [dreg:$0x1]  }
0x3: {  	s1 =	rddreg [dreg:$0x2];
	s4 =	simm.s32 $0x0;
	s3 =	srdreg.scid  }
0x4: {  	s24 =	stileid.u32;
	[smem:$0x7FF] =	sst s4;
	s3 =	sand.u32 $0x1, s3  }
0x5: {  	s5 =	smul.u32 $0x62000, s24;
	s7 =	sadd.s32 $0x3600, s0;
	s4 =	sadd.s32 $0x71600, s0  }
0x6: {  	s23 =	sshll.u32 s24, $0x6;
	s10 =	smul.u32 $0x18800, s24;
	s28 =	ssub.s32 $0x185A, s24  }
0x7: {  	s29 =	ssub.s32 $0x186A, s24;
	s21 =	smul.u32 $0x61A80, s3;
	_ =	strace $0x8000004A  }
0x8: {  	s8 =	ssub.s32 $0x2, s3;
	s3 =	smul.u32 $0x188000, s3;
	[dreg:$0xa] =	wrdreg s23  }
0x9: {  	s26 =	sor.u32 $0x400, s23;
	s18 =	sadd.s32 s7, s23;
	[dreg:$0x4] =	wrdreg s28  }
0xa: {  	[dreg:$0x5] =	wrdreg s29;
	s9 =	sshrl.u32 s8, $0x1;
	s30 =	sadd.s32 s10, s1  }
0xb: {  	[dreg:$0x6] =	wrdreg s18;
	s6 =	sadd.s32 s21, s0;
	s0 =	sadd.s32 $0x65200, s0  }
0xc: {  	s5 =	sshrl.u32 s5, $0x2;
	s31 =	sshrl.u32 s30, $0x3;
	[dreg:$0x8] =	wrdreg s0  }
0xd: {  	s22 =	ssub.s32 s8, s9;
	s8 =	sadd.s32 s5, s1;
	[dreg:$0xf] =	wrdreg s31  }
0xe: {  	s25 =	sadd.s32 $0x68BE00, s6;
	s6 =	sadd.s32 s7, s26;
	[dreg:$0x9] =	wrdreg s8  }
0xf: {  	s3 =	sadd.s32 s10, s3;
	s0 =	smax.u32 s22, $0x1;
	[dreg:$0xc] =	wrdreg s6  }
0x10: {  	s3 =	sshrl.u32 s3, $0x3;
	s5 =	sadd.s32 s26, s25;
	[dreg:$0xe] =	wrdreg s0  }
0x11: {  	s2 =	sadd.s32 s2, s3;
	[dreg:$0xb] =	wrdreg s5  }
0x12: {  	s15 =	sadd.s32 s23, s25;
	s3 =	simm.s32 $0x6C00;
	[dreg:$0xd] =	wrdreg s2  }
0x13: {  	s5 =	simm.s32 $0xA;
	s2 =	simm.s32 $0x0;
	[dreg:$0x7] =	wrdreg s15  }
.LBB2_1:
0x14: {  	[dreg:$0x10] =	wrdreg s2  }
0x15: {  	s0 =	simm.s32 $0x0;
	s30 =	rddreg [dreg:$0x8]  }
0x16: {  	[tilespmem:s3], [sflag:$0xA] =	stream.linear.gather [hbm4b:s30+s0], $0x800, $0x38;
	[tilespmem:$0x1FC00] =	vst v63  }
0x17: {  	_ =	swait.ge [sflag:s5], $0x800  }
0x18: {  	[sflag:s5] =	ssyncset.done $0x0  }
0x19: {  	s31 =	sadd.s32 $0x0, s8;
	[sflag:s5] =	ssyncadd.s32 $0xFFFFF800  }
0x1a: {  	[spmem:s31] =	stream.linear.scatter [tilespmem:s3], [sflag:$0xA], $0x800, $0x38;
	[tilespmem:$0x1FC00] =	vst v63  }
0x1b: {  	s0 =	simm.s32 $0x2000;
	_ =	swait.ge [sflag:s5], $0x800  }
.LBB2_2:
0x1c: {  	s2 =	sshra.s32 s0, $0x2;
	[sflag:s5] =	ssyncset.done $0x0;
	p0 =	sne.s32 s0, $0x60000  }
.Ltmp0:
0x1d: {  	s2 =	sadd.s32 s2, s8;
	[sflag:s5] =	ssyncadd.s32 $0xFFFFF800;
	(pc) =	sbr.rel @p0 .LBB2_2-.Ltmp0, $3  }
0x1e: {  	[spmem:s2] =	stream.linear.scatter [tilespmem:s3], [sflag:$0xA], $0x800, $0x38;
	[tilespmem:$0x1FC00] =	vst v63  }
0x1f: {  	s0 =	sadd.s32 $0x2000, s0;
	_ =	sdelay $0x1  }
0x20: {  	_ =	swait.ge [sflag:s5], $0x800  }
0x21: {  	[sflag:s5] =	ssyncset.done $0x0  }
0x22: {  	[sflag:s5] =	ssyncadd.s32 $0xFFFFF800  }
0x23: {  	s0 =	simm.s32 $0x0;
	[bflag:$0x0] =	sbarrier.arrive $0xFFFF  }
0x24: {  	[tilespmem:s0], [sflag:$0x1] =	stream.linear.gather [hbm4b:s15+s0], $0x200, $0x38;
	[tilespmem:$0x1FC00] =	vst v63  }
0x25: {  	s2 =	simm.s32 $0x600;
	s8 =	simm.s32 $0x1  }
0x26: {  	[tilespmem:s2], [sflag:$0x1] =	stream.linear.gather [hbm4b:s18+s0], $0x200, $0x38;
	[tilespmem:$0x1FC00] =	vst v63  }
0x27: {  	_ =	swait.ge [sflag:s8], $0x200  }
0x28: {  	[sflag:s8] =	ssyncset.done $0x0  }
0x29: {  	[sflag:s8] =	ssyncadd.s32 $0xFFFFFE00  }
0x2a: {  	_ =	swait.ge [sflag:s8], $0x200  }
0x2b: {  	[sflag:s8] =	ssyncset.done $0x0  }
0x2c: {  	s9 =	simm.s32 $0x80;
	s3 =	simm.s32 $0xC00;
	[sflag:s8] =	ssyncadd.s32 $0xFFFFFE00  }
0x2d: {  	[tilespmem:s3], [sflag:$0x4] =	stream.indirect.gather [hbm4b:s4+s9], $0x10, s0, s9, $0xb8;
	[tilespmem:$0x1FC00] =	vst v63  }
0x2e: {  	s10 =	simm.s32 $0x1400  }
0x2f: {  	[tilespmem:s10], [sflag:$0x4] =	stream.indirect.gather [hbm4b:s4+s9], $0x10, s9, s9, $0xb8;
	[tilespmem:$0x1FC00] =	vst v63  }
0x30: {  	s11 =	simm.s32 $0x100;
	s12 =	simm.s32 $0x1C00  }
0x31: {  	[tilespmem:s12], [sflag:$0x4] =	stream.indirect.gather [hbm4b:s4+s9], $0x10, s11, s9, $0xb8;
	[tilespmem:$0x1FC00] =	vst v63  }
0x32: {  	s13 =	simm.s32 $0x180;
	s14 =	simm.s32 $0x2400  }
0x33: {  	[tilespmem:s14], [sflag:$0x4] =	stream.indirect.gather [hbm4b:s4+s9], $0x10, s13, s9, $0xb8;
	[tilespmem:$0x1FC00] =	vst v63  }
0x34: {  	s17 =	simm.s32 $0x200;
	s16 =	rddreg [dreg:$0xb]  }
0x35: {  	[tilespmem:s17], [sflag:$0x2] =	stream.linear.gather [hbm4b:s16+s0], $0x200, $0x38;
	[tilespmem:$0x1FC00] =	vst v63  }
0x36: {  	s20 =	simm.s32 $0x800;
	p1 =	por $0x1, $0x1;
	s19 =	rddreg [dreg:$0xc]  }
0x37: {  	[tilespmem:s20], [sflag:$0x2] =	stream.linear.gather [hbm4b:s19+s0], $0x200, $0x38;
	[tilespmem:$0x1FC00] =	vst v63  }
0x38: {  	s0 =	simm.s32 @!p1 $0x9  }
0x39: {  	_ =	swait.ge @!p1 [sflag:s0], $0x800  }
0x3a: {  	[sflag:s0] =	ssyncset.done @!p1 $0x0  }
0x3b: {  	[sflag:s0] =	ssyncadd.s32 @!p1 $0xFFFFF800  }
0x3c: {  	_ =	swait.ge @!p1 [sflag:s0], $0x800  }
0x3d: {  	[sflag:s0] =	ssyncset.done @!p1 $0x0  }
0x3e: {  	[sflag:s0] =	ssyncadd.s32 @!p1 $0xFFFFF800  }
0x3f: {  	_ =	swait.ge @!p1 [sflag:s0], $0x800  }
0x40: {  	[sflag:s0] =	ssyncset.done @!p1 $0x0  }
0x41: {  	[sflag:s0] =	ssyncadd.s32 @!p1 $0xFFFFF800  }
0x42: {  	_ =	swait.ge @!p1 [sflag:s0], $0x800  }
0x43: {  	s21 =	rddreg [dreg:$0x4]  }
0x44: {  	[sflag:s0] =	ssyncset.done @!p1 $0x0;
	p0 =	sle.u32 s21, $0x0  }
0x45: {  	[sflag:s0] =	ssyncadd.s32 @!p1 $0xFFFFF800;
	s0 =	simm.s32 @!p0 $0x2  }
0x46: {  	_ =	swait.ge @!p0 [sflag:s0], $0x200  }
0x47: {  	[sflag:s0] =	ssyncset.done @!p0 $0x0  }
0x48: {  	s22 =	sadd.s32 $0x0, s24;
	[sflag:s0] =	ssyncadd.s32 @!p0 $0xFFFFFE00  }
0x49: {  	s23 =	sadd.s32 $0x20, s22;
	_ =	swait.ge @!p0 [sflag:s0], $0x200  }
0x4a: {  	p1 =	sgt.u32 s23, $0x1869;
	s11 =	simm.s32 @!p0 $0x2C00;
	[sflag:s0] =	ssyncset.done @!p0 $0x0  }
0x4b: {  	s3 =	simm.s32 @!p0 $0x80;
	s6 =	simm.s32 @!p0 $0x200;
	[sflag:s0] =	ssyncadd.s32 @!p0 $0xFFFFFE00  }
0x4c: {  	[tilespmem:s11], [sflag:$0x5] =	stream.indirect.gather @!p0 [hbm4b:s4+s3], $0x10, s6, s3, $0xb8;
	[tilespmem:$0x1FC00] =	vst v63  }
0x4d: {  	s13 =	simm.s32 @!p0 $0x3400;
	s12 =	simm.s32 @!p0 $0x3C00;
	s0 =	simm.s32 @!p0 $0x280  }
0x4e: {  	[tilespmem:s13], [sflag:$0x5] =	stream.indirect.gather @!p0 [hbm4b:s4+s3], $0x10, s0, s3, $0xb8;
	[tilespmem:$0x1FC00] =	vst v63  }
0x4f: {  	s5 =	sadd.s32 @!p1 $0x0, s18;
	s14 =	simm.s32 @!p0 $0x4400;
	s6 =	simm.s32 @!p0 $0x300  }
0x50: {  	[tilespmem:s12], [sflag:$0x5] =	stream.indirect.gather @!p0 [hbm4b:s4+s3], $0x10, s6, s3, $0xb8;
	[tilespmem:$0x1FC00] =	vst v63  }
0x51: {  	s10 =	simm.s32 @!p1 $0x400;
	s0 =	sadd.s32 @!p1 $0x0, s15;
	s6 =	simm.s32 @!p0 $0x380  }
0x52: {  	[tilespmem:s14], [sflag:$0x5] =	stream.indirect.gather @!p0 [hbm4b:s4+s3], $0x10, s6, s3, $0xb8;
	[tilespmem:$0x1FC00] =	vst v63  }
0x53: {  	s7 =	rddreg [dreg:$0x5];
	s0 =	sadd.s32 @!p1 $0x800, s0;
	s6 =	simm.s32 @!p1 $0x0  }
0x54: {  	[tilespmem:s10], [sflag:$0x3] =	stream.linear.gather @!p1 [hbm4b:s0+s6], $0x200, $0x38;
	[tilespmem:$0x1FC00] =	vst v63  }
0x55: {  	s5 =	sadd.s32 @!p1 $0x800, s5;
	p2 =	sle.u32 s7, $0x0;
	s0 =	simm.s32 @!p1 $0xA00  }
0x56: {  	[tilespmem:s0], [sflag:$0x3] =	stream.linear.gather @!p1 [hbm4b:s5+s6], $0x200, $0x38;
	[tilespmem:$0x1FC00] =	vst v63  }
0x57: {  	s5 =	simm.s32 @!p2 $0x4  }
0x58: {  	_ =	swait.ge @!p2 [sflag:s5], $0x800  }
0x59: {  	[sflag:s5] =	ssyncset.done @!p2 $0x0  }
0x5a: {  	[sflag:s5] =	ssyncadd.s32 @!p2 $0xFFFFF800  }
0x5b: {  	_ =	swait.ge @!p2 [sflag:s5], $0x800  }
0x5c: {  	[sflag:s5] =	ssyncset.done @!p2 $0x0  }
0x5d: {  	[sflag:s5] =	ssyncadd.s32 @!p2 $0xFFFFF800  }
0x5e: {  	_ =	swait.ge @!p2 [sflag:s5], $0x800  }
0x5f: {  	[sflag:s5] =	ssyncset.done @!p2 $0x0  }
0x60: {  	[sflag:s5] =	ssyncadd.s32 @!p2 $0xFFFFF800  }
0x61: {  	_ =	swait.ge @!p2 [sflag:s5], $0x800  }
0x62: {  	s7 =	simm.s32 @!p2 $0x80;
	[sflag:s5] =	ssyncset.done @!p2 $0x0  }
0x63: {  	s16 =	simm.s32 @!p2 $0x600;
	s6 =	simm.s32 @!p2 $0xC00;
	[sflag:s5] =	ssyncadd.s32 @!p2 $0xFFFFF800  }
0x64: {  	[spmem:s1] =	stream.indirect.scatter.add.f32 @!p2 [tilespmem:s6], [sflag:$0x7], $0x10, s16, s7, $0xb8;
	[tilespmem:$0x1FC00] =	vst v63  }
0x65: {  	s5 =	simm.s32 @!p2 $0x680;
	s6 =	simm.s32 @!p2 $0x1400  }
0x66: {  	[spmem:s1] =	stream.indirect.scatter.add.f32 @!p2 [tilespmem:s6], [sflag:$0x7], $0x10, s5, s7, $0xb8;
	[tilespmem:$0x1FC00] =	vst v63  }
0x67: {  	s5 =	simm.s32 @!p2 $0x700;
	s6 =	simm.s32 @!p2 $0x1C00  }
0x68: {  	[spmem:s1] =	stream.indirect.scatter.add.f32 @!p2 [tilespmem:s6], [sflag:$0x7], $0x10, s5, s7, $0xb8;
	[tilespmem:$0x1FC00] =	vst v63  }
0x69: {  	s16 =	simm.s32 @!p2 $0x7;
	s5 =	simm.s32 @!p2 $0x780;
	s6 =	simm.s32 @!p2 $0x2400  }
0x6a: {  	[spmem:s1] =	stream.indirect.scatter.add.f32 @!p2 [tilespmem:s6], [sflag:$0x7], $0x10, s5, s7, $0xb8;
	[tilespmem:$0x1FC00] =	vst v63  }
0x6b: {  	_ =	swait.ge @!p2 [sflag:s16], $0x800  }
0x6c: {  	[sflag:s16] =	ssyncset.done @!p2 $0x0  }
0x6d: {  	[sflag:s16] =	ssyncadd.s32 @!p2 $0xFFFFF800  }
0x6e: {  	_ =	swait.ge @!p2 [sflag:s16], $0x800  }
0x6f: {  	[sflag:s16] =	ssyncset.done @!p2 $0x0  }
0x70: {  	[sflag:s16] =	ssyncadd.s32 @!p2 $0xFFFFF800  }
0x71: {  	_ =	swait.ge @!p2 [sflag:s16], $0x800  }
0x72: {  	[sflag:s16] =	ssyncset.done @!p2 $0x0  }
0x73: {  	[sflag:s16] =	ssyncadd.s32 @!p2 $0xFFFFF800  }
0x74: {  	_ =	swait.ge @!p2 [sflag:s16], $0x800  }
0x75: {  	[sflag:s16] =	ssyncset.done @!p2 $0x0  }
0x76: {  	s5 =	simm.s32 @!p1 $0x3;
	[sflag:s16] =	ssyncadd.s32 @!p2 $0xFFFFF800  }
0x77: {  	_ =	swait.ge @!p1 [sflag:s5], $0x200  }
0x78: {  	[sflag:s5] =	ssyncset.done @!p1 $0x0  }
0x79: {  	[sflag:s5] =	ssyncadd.s32 @!p1 $0xFFFFFE00  }
0x7a: {  	_ =	swait.ge @!p1 [sflag:s5], $0x200  }
0x7b: {  	[sflag:s5] =	ssyncset.done @!p1 $0x0  }
0x7c: {  	s23 =	simm.s32 @!p1 $0x80;
	s7 =	simm.s32 @!p1 $0x4C00;
	[sflag:s5] =	ssyncadd.s32 @!p1 $0xFFFFFE00  }
0x7d: {  	[tilespmem:s7], [sflag:$0x6] =	stream.indirect.gather @!p1 [hbm4b:s4+s23], $0x10, s10, s23, $0xb8;
	[tilespmem:$0x1FC00] =	vst v63  }
0x7e: {  	s25 =	sadd.s32 $0x30, s22;
	s5 =	simm.s32 @!p1 $0x5400;
	s10 =	simm.s32 @!p1 $0x480  }
0x7f: {  	[tilespmem:s5], [sflag:$0x6] =	stream.indirect.gather @!p1 [hbm4b:s4+s23], $0x10, s10, s23, $0xb8;
	[tilespmem:$0x1FC00] =	vst v63  }
0x80: {  	s28 =	simm.s32 @!p1 $0x5C00;
	p2 =	sgt.u32 s25, $0x1869;
	s10 =	simm.s32 @!p1 $0x500  }
0x81: {  	[tilespmem:s28], [sflag:$0x6] =	stream.indirect.gather @!p1 [hbm4b:s4+s23], $0x10, s10, s23, $0xb8;
	[tilespmem:$0x1FC00] =	vst v63  }
0x82: {  	s6 =	simm.s32 @!p1 $0x580;
	s16 =	sadd.s32 @!p2 $0x0, s15;
	s10 =	simm.s32 @!p1 $0x6400  }
0x83: {  	[tilespmem:s10], [sflag:$0x6] =	stream.indirect.gather @!p1 [hbm4b:s4+s23], $0x10, s6, s23, $0xb8;
	[tilespmem:$0x1FC00] =	vst v63  }
0x84: {  	s17 =	sadd.s32 @!p2 $0x0, s18;
	s16 =	sadd.s32 @!p2 $0xC00, s16;
	s6 =	simm.s32 @!p2 $0x0  }
0x85: {  	[tilespmem:s6], [sflag:$0x1] =	stream.linear.gather @!p2 [hbm4b:s16+s6], $0x200, $0x38;
	[tilespmem:$0x1FC00] =	vst v63  }
0x86: {  	s16 =	sadd.s32 @!p2 $0xC00, s17;
	s17 =	simm.s32 @!p2 $0x600  }
0x87: {  	[tilespmem:s17], [sflag:$0x1] =	stream.linear.gather @!p2 [hbm4b:s16+s6], $0x200, $0x38;
	[tilespmem:$0x1FC00] =	vst v63  }
0x88: {  	s16 =	simm.s32 @!p0 $0x5  }
0x89: {  	_ =	swait.ge @!p0 [sflag:s16], $0x800  }
0x8a: {  	[sflag:s16] =	ssyncset.done @!p0 $0x0  }
0x8b: {  	[sflag:s16] =	ssyncadd.s32 @!p0 $0xFFFFF800  }
0x8c: {  	_ =	swait.ge @!p0 [sflag:s16], $0x800  }
0x8d: {  	[sflag:s16] =	ssyncset.done @!p0 $0x0  }
0x8e: {  	[sflag:s16] =	ssyncadd.s32 @!p0 $0xFFFFF800  }
0x8f: {  	_ =	swait.ge @!p0 [sflag:s16], $0x800  }
0x90: {  	[sflag:s16] =	ssyncset.done @!p0 $0x0  }
0x91: {  	[sflag:s16] =	ssyncadd.s32 @!p0 $0xFFFFF800  }
0x92: {  	_ =	swait.ge @!p0 [sflag:s16], $0x800  }
0x93: {  	[sflag:s16] =	ssyncset.done @!p0 $0x0  }
0x94: {  	s17 =	simm.s32 @!p0 $0x800;
	[sflag:s16] =	ssyncadd.s32 @!p0 $0xFFFFF800  }
0x95: {  	[spmem:s1] =	stream.indirect.scatter.add.f32 @!p0 [tilespmem:s11], [sflag:$0x8], $0x10, s17, s3, $0xb8;
	[tilespmem:$0x1FC00] =	vst v63  }
0x96: {  	s11 =	simm.s32 @!p0 $0x880  }
0x97: {  	[spmem:s1] =	stream.indirect.scatter.add.f32 @!p0 [tilespmem:s13], [sflag:$0x8], $0x10, s11, s3, $0xb8;
	[tilespmem:$0x1FC00] =	vst v63  }
0x98: {  	s11 =	simm.s32 @!p0 $0x900  }
0x99: {  	[spmem:s1] =	stream.indirect.scatter.add.f32 @!p0 [tilespmem:s12], [sflag:$0x8], $0x10, s11, s3, $0xb8;
	[tilespmem:$0x1FC00] =	vst v63  }
0x9a: {  	s11 =	simm.s32 @!p0 $0x980;
	s12 =	simm.s32 @!p0 $0x8  }
0x9b: {  	[spmem:s1] =	stream.indirect.scatter.add.f32 @!p0 [tilespmem:s14], [sflag:$0x8], $0x10, s11, s3, $0xb8;
	[tilespmem:$0x1FC00] =	vst v63  }
0x9c: {  	_ =	swait.ge @!p0 [sflag:s12], $0x800  }
0x9d: {  	[sflag:s12] =	ssyncset.done @!p0 $0x0  }
0x9e: {  	[sflag:s12] =	ssyncadd.s32 @!p0 $0xFFFFF800  }
0x9f: {  	_ =	swait.ge @!p0 [sflag:s12], $0x800  }
0xa0: {  	[sflag:s12] =	ssyncset.done @!p0 $0x0  }
0xa1: {  	[sflag:s12] =	ssyncadd.s32 @!p0 $0xFFFFF800  }
0xa2: {  	_ =	swait.ge @!p0 [sflag:s12], $0x800  }
0xa3: {  	[sflag:s12] =	ssyncset.done @!p0 $0x0  }
0xa4: {  	[sflag:s12] =	ssyncadd.s32 @!p0 $0xFFFFF800  }
0xa5: {  	_ =	swait.ge @!p0 [sflag:s12], $0x800  }
0xa6: {  	[sflag:s12] =	ssyncset.done @!p0 $0x0  }
0xa7: {  	s3 =	simm.s32 @!p2 $0x1;
	[sflag:s12] =	ssyncadd.s32 @!p0 $0xFFFFF800  }
0xa8: {  	_ =	swait.ge @!p2 [sflag:s3], $0x200  }
0xa9: {  	[sflag:s3] =	ssyncset.done @!p2 $0x0  }
0xaa: {  	[sflag:s3] =	ssyncadd.s32 @!p2 $0xFFFFFE00  }
0xab: {  	_ =	swait.ge @!p2 [sflag:s3], $0x200  }
0xac: {  	s2 =	sadd.s32 $0x40, s22;
	s11 =	simm.s32 @!p2 $0xC00;
	[sflag:s3] =	ssyncset.done @!p2 $0x0  }
0xad: {  	p0 =	sgt.u32 s2, $0x1869;
	s2 =	simm.s32 @!p2 $0x80;
	[sflag:s3] =	ssyncadd.s32 @!p2 $0xFFFFFE00  }
0xae: {  	[tilespmem:s11], [sflag:$0x4] =	stream.indirect.gather @!p2 [hbm4b:s4+s2], $0x10, s6, s2, $0xb8;
	[tilespmem:$0x1FC00] =	vst v63  }
0xaf: {  	s12 =	simm.s32 @!p2 $0x1C00;
	s6 =	simm.s32 @!p2 $0x1400  }
0xb0: {  	[tilespmem:s6], [sflag:$0x4] =	stream.indirect.gather @!p2 [hbm4b:s4+s2], $0x10, s2, s2, $0xb8;
	[tilespmem:$0x1FC00] =	vst v63  }
0xb1: {  	p3 =	por p0, p0;
	s3 =	sadd.s32 @!p0 $0x0, s15;
	s11 =	simm.s32 @!p2 $0x100  }
0xb2: {  	[tilespmem:s12], [sflag:$0x4] =	stream.indirect.gather @!p2 [hbm4b:s4+s2], $0x10, s11, s2, $0xb8;
	[tilespmem:$0x1FC00] =	vst v63  }
0xb3: {  	s6 =	sadd.s32 @!p0 $0x0, s18;
	s11 =	simm.s32 @!p2 $0x180;
	s12 =	simm.s32 @!p2 $0x2400  }
0xb4: {  	[tilespmem:s12], [sflag:$0x4] =	stream.indirect.gather @!p2 [hbm4b:s4+s2], $0x10, s11, s2, $0xb8;
	[tilespmem:$0x1FC00] =	vst v63  }
0xb5: {  	s2 =	sadd.s32 @!p0 $0x1000, s3;
	s3 =	simm.s32 @!p3 $0x0;
	s11 =	simm.s32 @!p3 $0x200  }
0xb6: {  	[tilespmem:s11], [sflag:$0x2] =	stream.linear.gather @!p3 [hbm4b:s2+s3], $0x200, $0x38;
	[tilespmem:$0x1FC00] =	vst v63  }
0xb7: {  	s2 =	sadd.s32 @!p0 $0x1000, s6;
	s6 =	simm.s32 @!p3 $0x800;
	s11 =	simm.s32 @!p1 $0x6  }
0xb8: {  	[tilespmem:s6], [sflag:$0x2] =	stream.linear.gather @!p3 [hbm4b:s2+s3], $0x200, $0x38;
	[tilespmem:$0x1FC00] =	vst v63  }
0xb9: {  	_ =	swait.ge @!p1 [sflag:s11], $0x800  }
0xba: {  	[sflag:s11] =	ssyncset.done @!p1 $0x0  }
0xbb: {  	[sflag:s11] =	ssyncadd.s32 @!p1 $0xFFFFF800  }
0xbc: {  	s30 =	simm.s32 $0x1800;
	_ =	swait.ge @!p1 [sflag:s11], $0x800  }
0xbd: {  	s31 =	simm.s32 $0x30;
	s26 =	sadd.s32 $0x30, s24;
	[sflag:s11] =	ssyncset.done @!p1 $0x0  }
0xbe: {  	s29 =	sadd.s32 $0x40, s26;
	s22 =	simm.s32 $0x2400;
	[sflag:s11] =	ssyncadd.s32 @!p1 $0xFFFFF800  }
0xbf: {  	s19 =	sadd.s32 $0x30, s26;
	s20 =	simm.s32 $0x30;
	_ =	swait.ge @!p1 [sflag:s11], $0x800  }
0xc0: {  	s21 =	sadd.s32 $0x20, s26;
	p0 =	sgt.u32 s29, $0x1869;
	[sflag:s11] =	ssyncset.done @!p1 $0x0  }
0xc1: {  	s16 =	simm.s32 $0xC00;
	s2 =	sadd.s32 @!p0 $0xC00, s15;
	[sflag:s11] =	ssyncadd.s32 @!p1 $0xFFFFF800  }
0xc2: {  	s3 =	sadd.s32 @!p0 $0xC00, s18;
	s2 =	sadd.s32 @!p0 $0x1000, s2;
	_ =	swait.ge @!p1 [sflag:s11], $0x800  }
0xc3: {  	s12 =	sadd.s32 @!p0 $0x1000, s3;
	p0 =	por p0, p0;
	[sflag:s11] =	ssyncset.done @!p1 $0x0  }
0xc4: {  	s3 =	simm.s32 @!p1 $0xB80;
	[sflag:s11] =	ssyncadd.s32 @!p1 $0xFFFFF800;
	s11 =	simm.s32 @!p1 $0xA80  }
0xc5: {  	[spmem:s1] =	stream.indirect.scatter.add.f32 @!p1 [tilespmem:s7], [sflag:$0x9], $0x10, s0, s23, $0xb8;
	[tilespmem:$0x1FC00] =	vst v63  }
.LBB2_4:
0xc6: {  	[spmem:s1] =	stream.indirect.scatter.add.f32 @!p1 [tilespmem:s5], [sflag:$0x9], $0x10, s11, s23, $0xb8;
	[tilespmem:$0x1FC00] =	vst v63  }
0xc7: {  	p4 =	seq.s32 s16, $0x0;
	s7 =	simm.s32 @!p1 $0xB00  }
0xc8: {  	[spmem:s1] =	stream.indirect.scatter.add.f32 @!p1 [tilespmem:s28], [sflag:$0x9], $0x10, s7, s23, $0xb8;
	[tilespmem:$0x1FC00] =	vst v63  }
0xc9: {  	s6 =	simm.s32 @!p4 $0x9  }
0xca: {  	[spmem:s1] =	stream.indirect.scatter.add.f32 @!p1 [tilespmem:s10], [sflag:$0x9], $0x10, s3, s23, $0xb8;
	[tilespmem:$0x1FC00] =	vst v63  }
0xcb: {  	_ =	swait.ge @!p4 [sflag:s6], $0x800  }
0xcc: {  	[sflag:s6] =	ssyncset.done @!p4 $0x0  }
0xcd: {  	s0 =	rddreg [dreg:$0x7];
	[sflag:s6] =	ssyncadd.s32 @!p4 $0xFFFFF800  }
0xce: {  	s9 =	rddreg [dreg:$0x6];
	_ =	swait.ge @!p4 [sflag:s6], $0x800  }
0xcf: {  	[sflag:s6] =	ssyncset.done @!p4 $0x0  }
0xd0: {  	[sflag:s6] =	ssyncadd.s32 @!p4 $0xFFFFF800  }
0xd1: {  	_ =	swait.ge @!p4 [sflag:s6], $0x800  }
0xd2: {  	s31 =	sadd.s32 $0x30, s31;
	[sflag:s6] =	ssyncset.done @!p4 $0x0  }
0xd3: {  	s15 =	sadd.s32 s31, s24;
	[sflag:s6] =	ssyncadd.s32 @!p4 $0xFFFFF800  }
0xd4: {  	s5 =	sadd.s32 $0x40, s15;
	_ =	swait.ge @!p4 [sflag:s6], $0x800  }
0xd5: {  	p3 =	sgt.u32 s5, $0x1869;
	[sflag:s6] =	ssyncset.done @!p4 $0x0;
	s29 =	rddreg [dreg:$0x4]  }
0xd6: {  	s3 =	sadd.s32 @!p3 s30, s0;
	[sflag:s6] =	ssyncadd.s32 @!p4 $0xFFFFF800;
	p4 =	sge.u32 s20, s29  }
0xd7: {  	s26 =	sadd.s32 @!p3 $0x1000, s3;
	s3 =	simm.s32 @!p4 $0x2  }
0xd8: {  	_ =	swait.ge @!p4 [sflag:s3], $0x200  }
0xd9: {  	[sflag:s3] =	ssyncset.done @!p4 $0x0  }
0xda: {  	s17 =	sadd.s32 $0x20, s15;
	p1 =	sgt.u32 s21, $0x1869;
	[sflag:s3] =	ssyncadd.s32 @!p4 $0xFFFFFE00  }
0xdb: {  	s21 =	smov.u32 s17;
	s5 =	sadd.s32 @!p3 s30, s9;
	_ =	swait.ge @!p4 [sflag:s3], $0x200  }
0xdc: {  	s24 =	sadd.s32 @!p3 $0x1000, s5;
	s18 =	simm.s32 @!p4 $0x2C00;
	[sflag:s3] =	ssyncset.done @!p4 $0x0  }
0xdd: {  	s7 =	simm.s32 @!p4 $0x80;
	s5 =	simm.s32 @!p4 $0x200;
	[sflag:s3] =	ssyncadd.s32 @!p4 $0xFFFFFE00  }
0xde: {  	[tilespmem:s18], [sflag:$0x5] =	stream.indirect.gather @!p4 [hbm4b:s4+s7], $0x10, s5, s7, $0xb8;
	[tilespmem:$0x1FC00] =	vst v63  }
0xdf: {  	s23 =	simm.s32 @!p1 $0x0;
	s29 =	simm.s32 @!p4 $0x3400;
	s3 =	simm.s32 @!p4 $0x280  }
0xe0: {  	[tilespmem:s29], [sflag:$0x5] =	stream.indirect.gather @!p4 [hbm4b:s4+s7], $0x10, s3, s7, $0xb8;
	[tilespmem:$0x1FC00] =	vst v63  }
0xe1: {  	s6 =	sadd.s32 @!p1 s16, s9;
	s17 =	simm.s32 @!p4 $0x3C00;
	s3 =	simm.s32 @!p4 $0x300  }
0xe2: {  	[tilespmem:s17], [sflag:$0x5] =	stream.indirect.gather @!p4 [hbm4b:s4+s7], $0x10, s3, s7, $0xb8;
	[tilespmem:$0x1FC00] =	vst v63  }
0xe3: {  	s10 =	simm.s32 @!p4 $0x380;
	s5 =	sadd.s32 @!p1 s16, s0;
	s3 =	simm.s32 @!p4 $0x4400  }
0xe4: {  	[tilespmem:s3], [sflag:$0x5] =	stream.indirect.gather @!p4 [hbm4b:s4+s7], $0x10, s10, s7, $0xb8;
	[tilespmem:$0x1FC00] =	vst v63  }
0xe5: {  	s14 =	rddreg [dreg:$0x5];
	s5 =	sadd.s32 @!p1 $0x800, s5;
	s10 =	simm.s32 @!p1 $0x400  }
0xe6: {  	[tilespmem:s10], [sflag:$0x3] =	stream.linear.gather @!p1 [hbm4b:s5+s23], $0x200, $0x38;
	[tilespmem:$0x1FC00] =	vst v63  }
0xe7: {  	s6 =	sadd.s32 @!p1 $0x800, s6;
	p5 =	sge.u32 s20, s14;
	s5 =	simm.s32 @!p1 $0xA00  }
0xe8: {  	[tilespmem:s5], [sflag:$0x3] =	stream.linear.gather @!p1 [hbm4b:s6+s23], $0x200, $0x38;
	[tilespmem:$0x1FC00] =	vst v63  }
0xe9: {  	s5 =	simm.s32 @!p5 $0x4  }
0xea: {  	_ =	swait.ge @!p5 [sflag:s5], $0x800  }
0xeb: {  	[sflag:s5] =	ssyncset.done @!p5 $0x0  }
0xec: {  	[sflag:s5] =	ssyncadd.s32 @!p5 $0xFFFFF800  }
0xed: {  	_ =	swait.ge @!p5 [sflag:s5], $0x800  }
0xee: {  	[sflag:s5] =	ssyncset.done @!p5 $0x0  }
0xef: {  	[sflag:s5] =	ssyncadd.s32 @!p5 $0xFFFFF800  }
0xf0: {  	_ =	swait.ge @!p5 [sflag:s5], $0x800  }
0xf1: {  	[sflag:s5] =	ssyncset.done @!p5 $0x0  }
0xf2: {  	[sflag:s5] =	ssyncadd.s32 @!p5 $0xFFFFF800  }
0xf3: {  	_ =	swait.ge @!p5 [sflag:s5], $0x800  }
0xf4: {  	s14 =	simm.s32 @!p5 $0x80;
	[sflag:s5] =	ssyncset.done @!p5 $0x0  }
0xf5: {  	s6 =	simm.s32 @!p5 $0xC00;
	s23 =	simm.s32 @!p5 $0x600;
	[sflag:s5] =	ssyncadd.s32 @!p5 $0xFFFFF800  }
0xf6: {  	[spmem:s1] =	stream.indirect.scatter.add.f32 @!p5 [tilespmem:s6], [sflag:$0x7], $0x10, s23, s14, $0xb8;
	[tilespmem:$0x1FC00] =	vst v63  }
0xf7: {  	s25 =	sadd.s32 $0x30, s15;
	s28 =	simm.s32 @!p5 $0x680;
	s15 =	simm.s32 @!p5 $0x1400  }
0xf8: {  	[spmem:s1] =	stream.indirect.scatter.add.f32 @!p5 [tilespmem:s15], [sflag:$0x7], $0x10, s28, s14, $0xb8;
	[tilespmem:$0x1FC00] =	vst v63  }
0xf9: {  	s5 =	simm.s32 @!p5 $0x700;
	s6 =	simm.s32 @!p5 $0x1C00  }
0xfa: {  	[spmem:s1] =	stream.indirect.scatter.add.f32 @!p5 [tilespmem:s6], [sflag:$0x7], $0x10, s5, s14, $0xb8;
	[tilespmem:$0x1FC00] =	vst v63  }
0xfb: {  	s15 =	simm.s32 @!p5 $0x7;
	s5 =	simm.s32 @!p5 $0x780;
	s6 =	simm.s32 @!p5 $0x2400  }
0xfc: {  	[spmem:s1] =	stream.indirect.scatter.add.f32 @!p5 [tilespmem:s6], [sflag:$0x7], $0x10, s5, s14, $0xb8;
	[tilespmem:$0x1FC00] =	vst v63  }
0xfd: {  	_ =	swait.ge @!p5 [sflag:s15], $0x800  }
0xfe: {  	[sflag:s15] =	ssyncset.done @!p5 $0x0  }
0xff: {  	[sflag:s15] =	ssyncadd.s32 @!p5 $0xFFFFF800  }
0x100: {  	_ =	swait.ge @!p5 [sflag:s15], $0x800  }
0x101: {  	[sflag:s15] =	ssyncset.done @!p5 $0x0  }
0x102: {  	[sflag:s15] =	ssyncadd.s32 @!p5 $0xFFFFF800  }
0x103: {  	_ =	swait.ge @!p5 [sflag:s15], $0x800  }
0x104: {  	[sflag:s15] =	ssyncset.done @!p5 $0x0  }
0x105: {  	[sflag:s15] =	ssyncadd.s32 @!p5 $0xFFFFF800  }
0x106: {  	_ =	swait.ge @!p5 [sflag:s15], $0x800  }
0x107: {  	[sflag:s15] =	ssyncset.done @!p5 $0x0  }
0x108: {  	s5 =	simm.s32 @!p1 $0x3;
	[sflag:s15] =	ssyncadd.s32 @!p5 $0xFFFFF800  }
0x109: {  	_ =	swait.ge @!p1 [sflag:s5], $0x200  }
0x10a: {  	[sflag:s5] =	ssyncset.done @!p1 $0x0  }
0x10b: {  	[sflag:s5] =	ssyncadd.s32 @!p1 $0xFFFFFE00  }
0x10c: {  	_ =	swait.ge @!p1 [sflag:s5], $0x200  }
0x10d: {  	[sflag:s5] =	ssyncset.done @!p1 $0x0  }
0x10e: {  	s23 =	simm.s32 @!p1 $0x80;
	s14 =	simm.s32 @!p1 $0x4C00;
	[sflag:s5] =	ssyncadd.s32 @!p1 $0xFFFFFE00  }
0x10f: {  	[tilespmem:s14], [sflag:$0x6] =	stream.indirect.gather @!p1 [hbm4b:s4+s23], $0x10, s10, s23, $0xb8;
	[tilespmem:$0x1FC00] =	vst v63  }
0x110: {  	s6 =	simm.s32 @!p1 $0x480;
	s5 =	simm.s32 @!p1 $0x5400  }
0x111: {  	[tilespmem:s5], [sflag:$0x6] =	stream.indirect.gather @!p1 [hbm4b:s4+s23], $0x10, s6, s23, $0xb8;
	[tilespmem:$0x1FC00] =	vst v63  }
0x112: {  	s28 =	simm.s32 @!p1 $0x5C00;
	s15 =	simm.s32 @!p1 $0x500;
	p5 =	sgt.u32 s19, $0x1869  }
0x113: {  	[tilespmem:s28], [sflag:$0x6] =	stream.indirect.gather @!p1 [hbm4b:s4+s23], $0x10, s15, s23, $0xb8;
	[tilespmem:$0x1FC00] =	vst v63  }
0x114: {  	s8 =	simm.s32 @!p1 $0x580;
	s10 =	simm.s32 @!p1 $0x6400;
	s15 =	sadd.s32 @!p5 s16, s0  }
0x115: {  	[tilespmem:s10], [sflag:$0x6] =	stream.indirect.gather @!p1 [hbm4b:s4+s23], $0x10, s8, s23, $0xb8;
	[tilespmem:$0x1FC00] =	vst v63  }
0x116: {  	s6 =	simm.s32 @!p5 $0x0;
	s16 =	sadd.s32 @!p5 s16, s9;
	s8 =	sadd.s32 @!p5 $0xC00, s15  }
0x117: {  	[tilespmem:s6], [sflag:$0x1] =	stream.linear.gather @!p5 [hbm4b:s8+s6], $0x200, $0x38;
	[tilespmem:$0x1FC00] =	vst v63  }
0x118: {  	s19 =	simm.s32 @!p5 $0x600;
	s15 =	sadd.s32 @!p5 $0xC00, s16;
	s8 =	simm.s32 @!p4 $0x5  }
0x119: {  	[tilespmem:s19], [sflag:$0x1] =	stream.linear.gather @!p5 [hbm4b:s15+s6], $0x200, $0x38;
	[tilespmem:$0x1FC00] =	vst v63  }
0x11a: {  	_ =	swait.ge @!p4 [sflag:s8], $0x800  }
0x11b: {  	[sflag:s8] =	ssyncset.done @!p4 $0x0  }
0x11c: {  	[sflag:s8] =	ssyncadd.s32 @!p4 $0xFFFFF800  }
0x11d: {  	_ =	swait.ge @!p4 [sflag:s8], $0x800  }
0x11e: {  	[sflag:s8] =	ssyncset.done @!p4 $0x0  }
0x11f: {  	[sflag:s8] =	ssyncadd.s32 @!p4 $0xFFFFF800  }
0x120: {  	_ =	swait.ge @!p4 [sflag:s8], $0x800  }
0x121: {  	[sflag:s8] =	ssyncset.done @!p4 $0x0  }
0x122: {  	[sflag:s8] =	ssyncadd.s32 @!p4 $0xFFFFF800  }
0x123: {  	_ =	swait.ge @!p4 [sflag:s8], $0x800  }
0x124: {  	s13 =	smov.u32 s22;
	s16 =	smov.u32 s30;
	[sflag:s8] =	ssyncset.done @!p4 $0x0  }
0x125: {  	s30 =	smov.u32 s13;
	s13 =	simm.s32 @!p4 $0x800;
	[sflag:s8] =	ssyncadd.s32 @!p4 $0xFFFFF800  }
0x126: {  	[spmem:s1] =	stream.indirect.scatter.add.f32 @!p4 [tilespmem:s18], [sflag:$0x8], $0x10, s13, s7, $0xb8;
	[tilespmem:$0x1FC00] =	vst v63  }
0x127: {  	s15 =	simm.s32 @!p4 $0x880  }
0x128: {  	[spmem:s1] =	stream.indirect.scatter.add.f32 @!p4 [tilespmem:s29], [sflag:$0x8], $0x10, s15, s7, $0xb8;
	[tilespmem:$0x1FC00] =	vst v63  }
0x129: {  	s8 =	simm.s32 @!p4 $0x900  }
0x12a: {  	[spmem:s1] =	stream.indirect.scatter.add.f32 @!p4 [tilespmem:s17], [sflag:$0x8], $0x10, s8, s7, $0xb8;
	[tilespmem:$0x1FC00] =	vst v63  }
0x12b: {  	s13 =	simm.s32 @!p4 $0x8;
	s8 =	simm.s32 @!p4 $0x980  }
0x12c: {  	[spmem:s1] =	stream.indirect.scatter.add.f32 @!p4 [tilespmem:s3], [sflag:$0x8], $0x10, s8, s7, $0xb8;
	[tilespmem:$0x1FC00] =	vst v63  }
0x12d: {  	_ =	swait.ge @!p4 [sflag:s13], $0x800  }
0x12e: {  	[sflag:s13] =	ssyncset.done @!p4 $0x0  }
0x12f: {  	[sflag:s13] =	ssyncadd.s32 @!p4 $0xFFFFF800  }
0x130: {  	_ =	swait.ge @!p4 [sflag:s13], $0x800  }
0x131: {  	[sflag:s13] =	ssyncset.done @!p4 $0x0  }
0x132: {  	[sflag:s13] =	ssyncadd.s32 @!p4 $0xFFFFF800  }
0x133: {  	_ =	swait.ge @!p4 [sflag:s13], $0x800  }
0x134: {  	[sflag:s13] =	ssyncset.done @!p4 $0x0  }
0x135: {  	[sflag:s13] =	ssyncadd.s32 @!p4 $0xFFFFF800  }
0x136: {  	_ =	swait.ge @!p4 [sflag:s13], $0x800  }
0x137: {  	[sflag:s13] =	ssyncset.done @!p4 $0x0  }
0x138: {  	s3 =	simm.s32 @!p5 $0x1;
	[sflag:s13] =	ssyncadd.s32 @!p4 $0xFFFFF800  }
0x139: {  	_ =	swait.ge @!p5 [sflag:s3], $0x200  }
0x13a: {  	[sflag:s3] =	ssyncset.done @!p5 $0x0  }
0x13b: {  	[sflag:s3] =	ssyncadd.s32 @!p5 $0xFFFFFE00  }
0x13c: {  	_ =	swait.ge @!p5 [sflag:s3], $0x200  }
0x13d: {  	[sflag:s3] =	ssyncset.done @!p5 $0x0  }
0x13e: {  	s7 =	simm.s32 @!p5 $0x80;
	s8 =	simm.s32 @!p5 $0xC00;
	[sflag:s3] =	ssyncadd.s32 @!p5 $0xFFFFFE00  }
0x13f: {  	[tilespmem:s8], [sflag:$0x4] =	stream.indirect.gather @!p5 [hbm4b:s4+s7], $0x10, s6, s7, $0xb8;
	[tilespmem:$0x1FC00] =	vst v63  }
0x140: {  	s3 =	simm.s32 @!p5 $0x1400  }
0x141: {  	[tilespmem:s3], [sflag:$0x4] =	stream.indirect.gather @!p5 [hbm4b:s4+s7], $0x10, s7, s7, $0xb8;
	[tilespmem:$0x1FC00] =	vst v63  }
0x142: {  	s6 =	simm.s32 @!p5 $0x100;
	s8 =	simm.s32 @!p5 $0x1C00  }
0x143: {  	[tilespmem:s8], [sflag:$0x4] =	stream.indirect.gather @!p5 [hbm4b:s4+s7], $0x10, s6, s7, $0xb8;
	[tilespmem:$0x1FC00] =	vst v63  }
0x144: {  	s13 =	simm.s32 @!p5 $0x2400;
	s3 =	simm.s32 @!p5 $0x180  }
0x145: {  	[tilespmem:s13], [sflag:$0x4] =	stream.indirect.gather @!p5 [hbm4b:s4+s7], $0x10, s3, s7, $0xb8;
	[tilespmem:$0x1FC00] =	vst v63  }
0x146: {  	s6 =	simm.s32 @!p0 $0x200;
	s3 =	simm.s32 @!p0 $0x0  }
0x147: {  	[tilespmem:s6], [sflag:$0x2] =	stream.linear.gather @!p0 [hbm4b:s2+s3], $0x200, $0x38;
	[tilespmem:$0x1FC00] =	vst v63  }
0x148: {  	s7 =	simm.s32 @!p1 $0x6;
	s6 =	simm.s32 @!p0 $0x800  }
0x149: {  	[tilespmem:s6], [sflag:$0x2] =	stream.linear.gather @!p0 [hbm4b:s12+s3], $0x200, $0x38;
	[tilespmem:$0x1FC00] =	vst v63  }
0x14a: {  	_ =	swait.ge @!p1 [sflag:s7], $0x800  }
0x14b: {  	[sflag:s7] =	ssyncset.done @!p1 $0x0  }
0x14c: {  	[sflag:s7] =	ssyncadd.s32 @!p1 $0xFFFFF800  }
0x14d: {  	_ =	swait.ge @!p1 [sflag:s7], $0x800  }
0x14e: {  	[sflag:s7] =	ssyncset.done @!p1 $0x0  }
0x14f: {  	s22 =	sadd.s32 $0xC00, s22;
	[sflag:s7] =	ssyncadd.s32 @!p1 $0xFFFFF800  }
0x150: {  	p2 =	sne.s32 s22, $0x62400;
	_ =	swait.ge @!p1 [sflag:s7], $0x800  }
0x151: {  	s11 =	simm.s32 @!p1 $0xA80;
	s20 =	smov.u32 s31;
	[sflag:s7] =	ssyncset.done @!p1 $0x0  }
.Ltmp1:
0x152: {  	s0 =	simm.s32 @!p1 $0xA00;
	[sflag:s7] =	ssyncadd.s32 @!p1 $0xFFFFF800;
	(pc) =	sbr.rel @p2 .LBB2_4-.Ltmp1, $4  }
0x153: {  	s19 =	smov.u32 s25;
	s2 =	smov.u32 s26;
	_ =	swait.ge @!p1 [sflag:s7], $0x800  }
0x154: {  	s12 =	smov.u32 s24;
	s24 =	stileid.u32;
	[sflag:s7] =	ssyncset.done @!p1 $0x0  }
0x155: {  	p0 =	por p3, p3;
	s3 =	simm.s32 @!p1 $0xB80;
	[sflag:s7] =	ssyncadd.s32 @!p1 $0xFFFFF800  }
0x156: {  	[spmem:s1] =	stream.indirect.scatter.add.f32 @!p1 [tilespmem:s14], [sflag:$0x9], $0x10, s0, s23, $0xb8;
	[tilespmem:$0x1FC00] =	vst v63  }
0x157: {  	[spmem:s1] =	stream.indirect.scatter.add.f32 @!p1 [tilespmem:s5], [sflag:$0x9], $0x10, s11, s23, $0xb8;
	[tilespmem:$0x1FC00] =	vst v63  }
0x158: {  	p3 =	seq.s32 s16, $0x0;
	s5 =	simm.s32 @!p1 $0xB00  }
0x159: {  	[spmem:s1] =	stream.indirect.scatter.add.f32 @!p1 [tilespmem:s28], [sflag:$0x9], $0x10, s5, s23, $0xb8;
	[tilespmem:$0x1FC00] =	vst v63  }
0x15a: {  	s5 =	simm.s32 @!p3 $0x9  }
0x15b: {  	[spmem:s1] =	stream.indirect.scatter.add.f32 @!p1 [tilespmem:s10], [sflag:$0x9], $0x10, s3, s23, $0xb8;
	[tilespmem:$0x1FC00] =	vst v63  }
0x15c: {  	_ =	swait.ge @!p3 [sflag:s5], $0x800  }
0x15d: {  	[sflag:s5] =	ssyncset.done @!p3 $0x0  }
0x15e: {  	[sflag:s5] =	ssyncadd.s32 @!p3 $0xFFFFF800  }
0x15f: {  	_ =	swait.ge @!p3 [sflag:s5], $0x800  }
0x160: {  	[sflag:s5] =	ssyncset.done @!p3 $0x0  }
0x161: {  	[sflag:s5] =	ssyncadd.s32 @!p3 $0xFFFFF800  }
0x162: {  	_ =	swait.ge @!p3 [sflag:s5], $0x800  }
0x163: {  	[sflag:s5] =	ssyncset.done @!p3 $0x0  }
0x164: {  	[sflag:s5] =	ssyncadd.s32 @!p3 $0xFFFFF800  }
0x165: {  	_ =	swait.ge @!p3 [sflag:s5], $0x800  }
0x166: {  	s17 =	rddreg [dreg:$0x4]  }
0x167: {  	[sflag:s5] =	ssyncset.done @!p3 $0x0;
	p2 =	sge.u32 s20, s17  }
0x168: {  	[sflag:s5] =	ssyncadd.s32 @!p3 $0xFFFFF800;
	s3 =	simm.s32 @!p2 $0x2  }
0x169: {  	_ =	swait.ge @!p2 [sflag:s3], $0x200  }
0x16a: {  	[sflag:s3] =	ssyncset.done @!p2 $0x0  }
0x16b: {  	p1 =	sgt.u32 s21, $0x1869;
	[sflag:s3] =	ssyncadd.s32 @!p2 $0xFFFFFE00  }
0x16c: {  	s14 =	simm.s32 @!p1 $0x400;
	_ =	swait.ge @!p2 [sflag:s3], $0x200  }
0x16d: {  	s7 =	simm.s32 @!p2 $0x2C00;
	s5 =	simm.s32 @!p2 $0x80;
	[sflag:s3] =	ssyncset.done @!p2 $0x0  }
0x16e: {  	s6 =	simm.s32 @!p2 $0x200;
	s11 =	simm.s32 @!p2 $0x3400;
	[sflag:s3] =	ssyncadd.s32 @!p2 $0xFFFFFE00  }
0x16f: {  	[tilespmem:s7], [sflag:$0x5] =	stream.indirect.gather @!p2 [hbm4b:s4+s5], $0x10, s6, s5, $0xb8;
	[tilespmem:$0x1FC00] =	vst v63  }
0x170: {  	s10 =	simm.s32 @!p2 $0x3C00;
	s9 =	rddreg [dreg:$0x7];
	s3 =	simm.s32 @!p2 $0x280  }
0x171: {  	[tilespmem:s11], [sflag:$0x5] =	stream.indirect.gather @!p2 [hbm4b:s4+s5], $0x10, s3, s5, $0xb8;
	[tilespmem:$0x1FC00] =	vst v63  }
0x172: {  	s8 =	simm.s32 @!p2 $0x300;
	s13 =	simm.s32 @!p2 $0x4400;
	s21 =	rddreg [dreg:$0x6]  }
0x173: {  	[tilespmem:s10], [sflag:$0x5] =	stream.indirect.gather @!p2 [hbm4b:s4+s5], $0x10, s8, s5, $0xb8;
	[tilespmem:$0x1FC00] =	vst v63  }
0x174: {  	s0 =	rddreg [dreg:$0x5];
	s3 =	sadd.s32 @!p1 s16, s9;
	s8 =	simm.s32 @!p2 $0x380  }
0x175: {  	[tilespmem:s13], [sflag:$0x5] =	stream.indirect.gather @!p2 [hbm4b:s4+s5], $0x10, s8, s5, $0xb8;
	[tilespmem:$0x1FC00] =	vst v63  }
0x176: {  	s6 =	sadd.s32 @!p1 s16, s21;
	s3 =	sadd.s32 @!p1 $0x800, s3;
	s8 =	simm.s32 @!p1 $0x0  }
0x177: {  	[tilespmem:s14], [sflag:$0x3] =	stream.linear.gather @!p1 [hbm4b:s3+s8], $0x200, $0x38;
	[tilespmem:$0x1FC00] =	vst v63  }
0x178: {  	p3 =	sge.u32 s20, s0;
	s6 =	sadd.s32 @!p1 $0x800, s6;
	s3 =	simm.s32 @!p1 $0xA00  }
0x179: {  	[tilespmem:s3], [sflag:$0x3] =	stream.linear.gather @!p1 [hbm4b:s6+s8], $0x200, $0x38;
	[tilespmem:$0x1FC00] =	vst v63  }
0x17a: {  	s6 =	simm.s32 @!p3 $0x4  }
0x17b: {  	_ =	swait.ge @!p3 [sflag:s6], $0x800  }
0x17c: {  	[sflag:s6] =	ssyncset.done @!p3 $0x0  }
0x17d: {  	[sflag:s6] =	ssyncadd.s32 @!p3 $0xFFFFF800  }
0x17e: {  	_ =	swait.ge @!p3 [sflag:s6], $0x800  }
0x17f: {  	[sflag:s6] =	ssyncset.done @!p3 $0x0  }
0x180: {  	[sflag:s6] =	ssyncadd.s32 @!p3 $0xFFFFF800  }
0x181: {  	_ =	swait.ge @!p3 [sflag:s6], $0x800  }
0x182: {  	[sflag:s6] =	ssyncset.done @!p3 $0x0  }
0x183: {  	[sflag:s6] =	ssyncadd.s32 @!p3 $0xFFFFF800  }
0x184: {  	_ =	swait.ge @!p3 [sflag:s6], $0x800  }
0x185: {  	s0 =	simm.s32 @!p3 $0x80;
	[sflag:s6] =	ssyncset.done @!p3 $0x0  }
0x186: {  	s15 =	simm.s32 @!p3 $0x600;
	s8 =	simm.s32 @!p3 $0xC00;
	[sflag:s6] =	ssyncadd.s32 @!p3 $0xFFFFF800  }
0x187: {  	[spmem:s1] =	stream.indirect.scatter.add.f32 @!p3 [tilespmem:s8], [sflag:$0x7], $0x10, s15, s0, $0xb8;
	[tilespmem:$0x1FC00] =	vst v63  }
0x188: {  	s6 =	simm.s32 @!p3 $0x680;
	s8 =	simm.s32 @!p3 $0x1400  }
0x189: {  	[spmem:s1] =	stream.indirect.scatter.add.f32 @!p3 [tilespmem:s8], [sflag:$0x7], $0x10, s6, s0, $0xb8;
	[tilespmem:$0x1FC00] =	vst v63  }
0x18a: {  	s6 =	simm.s32 @!p3 $0x700;
	s8 =	simm.s32 @!p3 $0x1C00  }
0x18b: {  	[spmem:s1] =	stream.indirect.scatter.add.f32 @!p3 [tilespmem:s8], [sflag:$0x7], $0x10, s6, s0, $0xb8;
	[tilespmem:$0x1FC00] =	vst v63  }
0x18c: {  	s15 =	simm.s32 @!p3 $0x7;
	s6 =	simm.s32 @!p3 $0x780;
	s8 =	simm.s32 @!p3 $0x2400  }
0x18d: {  	[spmem:s1] =	stream.indirect.scatter.add.f32 @!p3 [tilespmem:s8], [sflag:$0x7], $0x10, s6, s0, $0xb8;
	[tilespmem:$0x1FC00] =	vst v63  }
0x18e: {  	_ =	swait.ge @!p3 [sflag:s15], $0x800  }
0x18f: {  	[sflag:s15] =	ssyncset.done @!p3 $0x0  }
0x190: {  	[sflag:s15] =	ssyncadd.s32 @!p3 $0xFFFFF800  }
0x191: {  	_ =	swait.ge @!p3 [sflag:s15], $0x800  }
0x192: {  	[sflag:s15] =	ssyncset.done @!p3 $0x0  }
0x193: {  	[sflag:s15] =	ssyncadd.s32 @!p3 $0xFFFFF800  }
0x194: {  	_ =	swait.ge @!p3 [sflag:s15], $0x800  }
0x195: {  	[sflag:s15] =	ssyncset.done @!p3 $0x0  }
0x196: {  	[sflag:s15] =	ssyncadd.s32 @!p3 $0xFFFFF800  }
0x197: {  	_ =	swait.ge @!p3 [sflag:s15], $0x800  }
0x198: {  	[sflag:s15] =	ssyncset.done @!p3 $0x0  }
0x199: {  	s8 =	simm.s32 @!p1 $0x3;
	[sflag:s15] =	ssyncadd.s32 @!p3 $0xFFFFF800  }
0x19a: {  	_ =	swait.ge @!p1 [sflag:s8], $0x200  }
0x19b: {  	[sflag:s8] =	ssyncset.done @!p1 $0x0  }
0x19c: {  	[sflag:s8] =	ssyncadd.s32 @!p1 $0xFFFFFE00  }
0x19d: {  	_ =	swait.ge @!p1 [sflag:s8], $0x200  }
0x19e: {  	[sflag:s8] =	ssyncset.done @!p1 $0x0  }
0x19f: {  	s20 =	simm.s32 @!p1 $0x80;
	s6 =	simm.s32 @!p1 $0x4C00;
	[sflag:s8] =	ssyncadd.s32 @!p1 $0xFFFFFE00  }
0x1a0: {  	[tilespmem:s6], [sflag:$0x6] =	stream.indirect.gather @!p1 [hbm4b:s4+s20], $0x10, s14, s20, $0xb8;
	[tilespmem:$0x1FC00] =	vst v63  }
0x1a1: {  	s8 =	simm.s32 @!p1 $0x480;
	s14 =	simm.s32 @!p1 $0x5400  }
0x1a2: {  	[tilespmem:s14], [sflag:$0x6] =	stream.indirect.gather @!p1 [hbm4b:s4+s20], $0x10, s8, s20, $0xb8;
	[tilespmem:$0x1FC00] =	vst v63  }
0x1a3: {  	s17 =	simm.s32 @!p1 $0x5C00;
	p3 =	sgt.u32 s19, $0x1869;
	s8 =	simm.s32 @!p1 $0x500  }
0x1a4: {  	[tilespmem:s17], [sflag:$0x6] =	stream.indirect.gather @!p1 [hbm4b:s4+s20], $0x10, s8, s20, $0xb8;
	[tilespmem:$0x1FC00] =	vst v63  }
0x1a5: {  	s18 =	simm.s32 @!p1 $0x6400;
	s15 =	sadd.s32 @!p3 s16, s9;
	s8 =	simm.s32 @!p1 $0x580  }
0x1a6: {  	[tilespmem:s18], [sflag:$0x6] =	stream.indirect.gather @!p1 [hbm4b:s4+s20], $0x10, s8, s20, $0xb8;
	[tilespmem:$0x1FC00] =	vst v63  }
0x1a7: {  	s16 =	sadd.s32 @!p3 s16, s21;
	s15 =	sadd.s32 @!p3 $0xC00, s15;
	s8 =	simm.s32 @!p3 $0x0  }
0x1a8: {  	[tilespmem:s8], [sflag:$0x1] =	stream.linear.gather @!p3 [hbm4b:s15+s8], $0x200, $0x38;
	[tilespmem:$0x1FC00] =	vst v63  }
0x1a9: {  	s15 =	sadd.s32 @!p3 $0xC00, s16;
	s16 =	simm.s32 @!p3 $0x600  }
0x1aa: {  	[tilespmem:s16], [sflag:$0x1] =	stream.linear.gather @!p3 [hbm4b:s15+s8], $0x200, $0x38;
	[tilespmem:$0x1FC00] =	vst v63  }
0x1ab: {  	s15 =	simm.s32 @!p2 $0x5  }
0x1ac: {  	_ =	swait.ge @!p2 [sflag:s15], $0x800  }
0x1ad: {  	[sflag:s15] =	ssyncset.done @!p2 $0x0  }
0x1ae: {  	[sflag:s15] =	ssyncadd.s32 @!p2 $0xFFFFF800  }
0x1af: {  	_ =	swait.ge @!p2 [sflag:s15], $0x800  }
0x1b0: {  	[sflag:s15] =	ssyncset.done @!p2 $0x0  }
0x1b1: {  	[sflag:s15] =	ssyncadd.s32 @!p2 $0xFFFFF800  }
0x1b2: {  	_ =	swait.ge @!p2 [sflag:s15], $0x800  }
0x1b3: {  	[sflag:s15] =	ssyncset.done @!p2 $0x0  }
0x1b4: {  	[sflag:s15] =	ssyncadd.s32 @!p2 $0xFFFFF800  }
0x1b5: {  	_ =	swait.ge @!p2 [sflag:s15], $0x800  }
0x1b6: {  	[sflag:s15] =	ssyncset.done @!p2 $0x0  }
0x1b7: {  	[sflag:s15] =	ssyncadd.s32 @!p2 $0xFFFFF800;
	s15 =	simm.s32 @!p2 $0x800  }
0x1b8: {  	[spmem:s1] =	stream.indirect.scatter.add.f32 @!p2 [tilespmem:s7], [sflag:$0x8], $0x10, s15, s5, $0xb8;
	[tilespmem:$0x1FC00] =	vst v63  }
0x1b9: {  	s7 =	simm.s32 @!p2 $0x880  }
0x1ba: {  	[spmem:s1] =	stream.indirect.scatter.add.f32 @!p2 [tilespmem:s11], [sflag:$0x8], $0x10, s7, s5, $0xb8;
	[tilespmem:$0x1FC00] =	vst v63  }
0x1bb: {  	s7 =	simm.s32 @!p2 $0x900  }
0x1bc: {  	[spmem:s1] =	stream.indirect.scatter.add.f32 @!p2 [tilespmem:s10], [sflag:$0x8], $0x10, s7, s5, $0xb8;
	[tilespmem:$0x1FC00] =	vst v63  }
0x1bd: {  	s7 =	simm.s32 @!p2 $0x980;
	s10 =	simm.s32 @!p2 $0x8  }
0x1be: {  	[spmem:s1] =	stream.indirect.scatter.add.f32 @!p2 [tilespmem:s13], [sflag:$0x8], $0x10, s7, s5, $0xb8;
	[tilespmem:$0x1FC00] =	vst v63  }
0x1bf: {  	_ =	swait.ge @!p2 [sflag:s10], $0x800  }
0x1c0: {  	[sflag:s10] =	ssyncset.done @!p2 $0x0  }
0x1c1: {  	[sflag:s10] =	ssyncadd.s32 @!p2 $0xFFFFF800  }
0x1c2: {  	_ =	swait.ge @!p2 [sflag:s10], $0x800  }
0x1c3: {  	[sflag:s10] =	ssyncset.done @!p2 $0x0  }
0x1c4: {  	[sflag:s10] =	ssyncadd.s32 @!p2 $0xFFFFF800  }
0x1c5: {  	_ =	swait.ge @!p2 [sflag:s10], $0x800  }
0x1c6: {  	[sflag:s10] =	ssyncset.done @!p2 $0x0  }
0x1c7: {  	[sflag:s10] =	ssyncadd.s32 @!p2 $0xFFFFF800  }
0x1c8: {  	_ =	swait.ge @!p2 [sflag:s10], $0x800  }
0x1c9: {  	[sflag:s10] =	ssyncset.done @!p2 $0x0  }
0x1ca: {  	s5 =	simm.s32 @!p3 $0x1;
	[sflag:s10] =	ssyncadd.s32 @!p2 $0xFFFFF800  }
0x1cb: {  	_ =	swait.ge @!p3 [sflag:s5], $0x200  }
0x1cc: {  	[sflag:s5] =	ssyncset.done @!p3 $0x0  }
0x1cd: {  	[sflag:s5] =	ssyncadd.s32 @!p3 $0xFFFFFE00  }
0x1ce: {  	_ =	swait.ge @!p3 [sflag:s5], $0x200  }
0x1cf: {  	[sflag:s5] =	ssyncset.done @!p3 $0x0  }
0x1d0: {  	s7 =	simm.s32 @!p3 $0x80;
	s10 =	simm.s32 @!p3 $0xC00;
	[sflag:s5] =	ssyncadd.s32 @!p3 $0xFFFFFE00  }
0x1d1: {  	[tilespmem:s10], [sflag:$0x4] =	stream.indirect.gather @!p3 [hbm4b:s4+s7], $0x10, s8, s7, $0xb8;
	[tilespmem:$0x1FC00] =	vst v63  }
0x1d2: {  	s5 =	simm.s32 @!p3 $0x1400  }
0x1d3: {  	[tilespmem:s5], [sflag:$0x4] =	stream.indirect.gather @!p3 [hbm4b:s4+s7], $0x10, s7, s7, $0xb8;
	[tilespmem:$0x1FC00] =	vst v63  }
0x1d4: {  	s8 =	simm.s32 @!p3 $0x1C00;
	s5 =	simm.s32 @!p3 $0x100  }
0x1d5: {  	[tilespmem:s8], [sflag:$0x4] =	stream.indirect.gather @!p3 [hbm4b:s4+s7], $0x10, s5, s7, $0xb8;
	[tilespmem:$0x1FC00] =	vst v63  }
0x1d6: {  	s5 =	simm.s32 @!p3 $0x180;
	s8 =	simm.s32 @!p3 $0x2400  }
0x1d7: {  	[tilespmem:s8], [sflag:$0x4] =	stream.indirect.gather @!p3 [hbm4b:s4+s7], $0x10, s5, s7, $0xb8;
	[tilespmem:$0x1FC00] =	vst v63  }
0x1d8: {  	s5 =	simm.s32 @!p0 $0x0;
	s7 =	simm.s32 @!p0 $0x200  }
0x1d9: {  	[tilespmem:s7], [sflag:$0x2] =	stream.linear.gather @!p0 [hbm4b:s2+s5], $0x200, $0x38;
	[tilespmem:$0x1FC00] =	vst v63  }
0x1da: {  	s2 =	simm.s32 @!p0 $0x800;
	s7 =	simm.s32 @!p1 $0x6  }
0x1db: {  	[tilespmem:s2], [sflag:$0x2] =	stream.linear.gather @!p0 [hbm4b:s12+s5], $0x200, $0x38;
	[tilespmem:$0x1FC00] =	vst v63  }
0x1dc: {  	_ =	swait.ge @!p1 [sflag:s7], $0x800  }
0x1dd: {  	[sflag:s7] =	ssyncset.done @!p1 $0x0  }
0x1de: {  	[sflag:s7] =	ssyncadd.s32 @!p1 $0xFFFFF800  }
0x1df: {  	_ =	swait.ge @!p1 [sflag:s7], $0x800  }
0x1e0: {  	[sflag:s7] =	ssyncset.done @!p1 $0x0  }
0x1e1: {  	[sflag:s7] =	ssyncadd.s32 @!p1 $0xFFFFF800  }
0x1e2: {  	_ =	swait.ge @!p1 [sflag:s7], $0x800  }
0x1e3: {  	[sflag:s7] =	ssyncset.done @!p1 $0x0  }
0x1e4: {  	[sflag:s7] =	ssyncadd.s32 @!p1 $0xFFFFF800  }
0x1e5: {  	_ =	swait.ge @!p1 [sflag:s7], $0x800  }
0x1e6: {  	[sflag:s7] =	ssyncset.done @!p1 $0x0  }
0x1e7: {  	[sflag:s7] =	ssyncadd.s32 @!p1 $0xFFFFF800  }
0x1e8: {  	[spmem:s1] =	stream.indirect.scatter.add.f32 @!p1 [tilespmem:s6], [sflag:$0x9], $0x10, s3, s20, $0xb8;
	[tilespmem:$0x1FC00] =	vst v63  }
0x1e9: {  	s0 =	simm.s32 @!p1 $0xA80  }
0x1ea: {  	[spmem:s1] =	stream.indirect.scatter.add.f32 @!p1 [tilespmem:s14], [sflag:$0x9], $0x10, s0, s20, $0xb8;
	[tilespmem:$0x1FC00] =	vst v63  }
0x1eb: {  	p0 =	seq.s32 s30, $0x0;
	s0 =	simm.s32 @!p1 $0xB00  }
0x1ec: {  	[spmem:s1] =	stream.indirect.scatter.add.f32 @!p1 [tilespmem:s17], [sflag:$0x9], $0x10, s0, s20, $0xb8;
	[tilespmem:$0x1FC00] =	vst v63  }
0x1ed: {  	s2 =	simm.s32 @!p0 $0x9;
	s0 =	simm.s32 @!p1 $0xB80  }
0x1ee: {  	[spmem:s1] =	stream.indirect.scatter.add.f32 @!p1 [tilespmem:s18], [sflag:$0x9], $0x10, s0, s20, $0xb8;
	[tilespmem:$0x1FC00] =	vst v63  }
0x1ef: {  	_ =	swait.ge @!p0 [sflag:s2], $0x800  }
0x1f0: {  	[sflag:s2] =	ssyncset.done @!p0 $0x0  }
0x1f1: {  	[sflag:s2] =	ssyncadd.s32 @!p0 $0xFFFFF800  }
0x1f2: {  	_ =	swait.ge @!p0 [sflag:s2], $0x800  }
0x1f3: {  	[sflag:s2] =	ssyncset.done @!p0 $0x0  }
0x1f4: {  	[sflag:s2] =	ssyncadd.s32 @!p0 $0xFFFFF800  }
0x1f5: {  	_ =	swait.ge @!p0 [sflag:s2], $0x800  }
0x1f6: {  	[sflag:s2] =	ssyncset.done @!p0 $0x0  }
0x1f7: {  	[sflag:s2] =	ssyncadd.s32 @!p0 $0xFFFFF800  }
0x1f8: {  	_ =	swait.ge @!p0 [sflag:s2], $0x800  }
0x1f9: {  	s19 =	sadd.s32 $0x30, s31;
	s18 =	rddreg [dreg:$0x4]  }
0x1fa: {  	[sflag:s2] =	ssyncset.done @!p0 $0x0;
	p1 =	sge.u32 s19, s18  }
0x1fb: {  	[sflag:s2] =	ssyncadd.s32 @!p0 $0xFFFFF800;
	s0 =	simm.s32 @!p1 $0x2  }
0x1fc: {  	_ =	swait.ge @!p1 [sflag:s0], $0x200  }
0x1fd: {  	s20 =	sadd.s32 s19, s24;
	[sflag:s0] =	ssyncset.done @!p1 $0x0  }
0x1fe: {  	s22 =	sadd.s32 $0x20, s20;
	[sflag:s0] =	ssyncadd.s32 @!p1 $0xFFFFFE00  }
0x1ff: {  	p0 =	sgt.u32 s22, $0x1869;
	_ =	swait.ge @!p1 [sflag:s0], $0x200  }
0x200: {  	s5 =	simm.s32 @!p1 $0x2C00;
	s3 =	simm.s32 @!p1 $0x80;
	[sflag:s0] =	ssyncset.done @!p1 $0x0  }
0x201: {  	s8 =	simm.s32 @!p1 $0x200;
	s11 =	simm.s32 @!p1 $0x3400;
	[sflag:s0] =	ssyncadd.s32 @!p1 $0xFFFFFE00  }
0x202: {  	[tilespmem:s5], [sflag:$0x5] =	stream.indirect.gather @!p1 [hbm4b:s4+s3], $0x10, s8, s3, $0xb8;
	[tilespmem:$0x1FC00] =	vst v63  }
0x203: {  	s10 =	simm.s32 @!p1 $0x3C00;
	s7 =	sadd.s32 @!p0 s30, s21;
	s0 =	simm.s32 @!p1 $0x280  }
0x204: {  	[tilespmem:s11], [sflag:$0x5] =	stream.indirect.gather @!p1 [hbm4b:s4+s3], $0x10, s0, s3, $0xb8;
	[tilespmem:$0x1FC00] =	vst v63  }
0x205: {  	s12 =	simm.s32 @!p1 $0x4400;
	s14 =	simm.s32 @!p0 $0x400;
	s8 =	simm.s32 @!p1 $0x300  }
0x206: {  	[tilespmem:s10], [sflag:$0x5] =	stream.indirect.gather @!p1 [hbm4b:s4+s3], $0x10, s8, s3, $0xb8;
	[tilespmem:$0x1FC00] =	vst v63  }
0x207: {  	s23 =	rddreg [dreg:$0x5];
	s0 =	sadd.s32 @!p0 s30, s9;
	s8 =	simm.s32 @!p1 $0x380  }
0x208: {  	[tilespmem:s12], [sflag:$0x5] =	stream.indirect.gather @!p1 [hbm4b:s4+s3], $0x10, s8, s3, $0xb8;
	[tilespmem:$0x1FC00] =	vst v63  }
0x209: {  	p2 =	sge.u32 s19, s23;
	s0 =	sadd.s32 @!p0 $0x800, s0;
	s8 =	simm.s32 @!p0 $0x0  }
0x20a: {  	[tilespmem:s14], [sflag:$0x3] =	stream.linear.gather @!p0 [hbm4b:s0+s8], $0x200, $0x38;
	[tilespmem:$0x1FC00] =	vst v63  }
0x20b: {  	s7 =	sadd.s32 @!p0 $0x800, s7;
	s6 =	simm.s32 @!p2 $0x4;
	s0 =	simm.s32 @!p0 $0xA00  }
0x20c: {  	[tilespmem:s0], [sflag:$0x3] =	stream.linear.gather @!p0 [hbm4b:s7+s8], $0x200, $0x38;
	[tilespmem:$0x1FC00] =	vst v63  }
0x20d: {  	_ =	swait.ge @!p2 [sflag:s6], $0x800  }
0x20e: {  	[sflag:s6] =	ssyncset.done @!p2 $0x0  }
0x20f: {  	[sflag:s6] =	ssyncadd.s32 @!p2 $0xFFFFF800  }
0x210: {  	_ =	swait.ge @!p2 [sflag:s6], $0x800  }
0x211: {  	[sflag:s6] =	ssyncset.done @!p2 $0x0  }
0x212: {  	[sflag:s6] =	ssyncadd.s32 @!p2 $0xFFFFF800  }
0x213: {  	_ =	swait.ge @!p2 [sflag:s6], $0x800  }
0x214: {  	[sflag:s6] =	ssyncset.done @!p2 $0x0  }
0x215: {  	[sflag:s6] =	ssyncadd.s32 @!p2 $0xFFFFF800  }
0x216: {  	_ =	swait.ge @!p2 [sflag:s6], $0x800  }
0x217: {  	s13 =	simm.s32 @!p2 $0x600;
	[sflag:s6] =	ssyncset.done @!p2 $0x0  }
0x218: {  	s7 =	simm.s32 @!p2 $0xC00;
	s8 =	simm.s32 @!p2 $0x80;
	[sflag:s6] =	ssyncadd.s32 @!p2 $0xFFFFF800  }
0x219: {  	[spmem:s1] =	stream.indirect.scatter.add.f32 @!p2 [tilespmem:s7], [sflag:$0x7], $0x10, s13, s8, $0xb8;
	[tilespmem:$0x1FC00] =	vst v63  }
0x21a: {  	s6 =	simm.s32 @!p2 $0x680;
	s7 =	simm.s32 @!p2 $0x1400  }
0x21b: {  	[spmem:s1] =	stream.indirect.scatter.add.f32 @!p2 [tilespmem:s7], [sflag:$0x7], $0x10, s6, s8, $0xb8;
	[tilespmem:$0x1FC00] =	vst v63  }
0x21c: {  	s6 =	simm.s32 @!p2 $0x700;
	s7 =	simm.s32 @!p2 $0x1C00  }
0x21d: {  	[spmem:s1] =	stream.indirect.scatter.add.f32 @!p2 [tilespmem:s7], [sflag:$0x7], $0x10, s6, s8, $0xb8;
	[tilespmem:$0x1FC00] =	vst v63  }
0x21e: {  	s13 =	simm.s32 @!p2 $0x7;
	s6 =	simm.s32 @!p2 $0x780;
	s7 =	simm.s32 @!p2 $0x2400  }
0x21f: {  	[spmem:s1] =	stream.indirect.scatter.add.f32 @!p2 [tilespmem:s7], [sflag:$0x7], $0x10, s6, s8, $0xb8;
	[tilespmem:$0x1FC00] =	vst v63  }
0x220: {  	_ =	swait.ge @!p2 [sflag:s13], $0x800  }
0x221: {  	[sflag:s13] =	ssyncset.done @!p2 $0x0  }
0x222: {  	[sflag:s13] =	ssyncadd.s32 @!p2 $0xFFFFF800  }
0x223: {  	_ =	swait.ge @!p2 [sflag:s13], $0x800  }
0x224: {  	[sflag:s13] =	ssyncset.done @!p2 $0x0  }
0x225: {  	[sflag:s13] =	ssyncadd.s32 @!p2 $0xFFFFF800  }
0x226: {  	_ =	swait.ge @!p2 [sflag:s13], $0x800  }
0x227: {  	[sflag:s13] =	ssyncset.done @!p2 $0x0  }
0x228: {  	[sflag:s13] =	ssyncadd.s32 @!p2 $0xFFFFF800  }
0x229: {  	_ =	swait.ge @!p2 [sflag:s13], $0x800  }
0x22a: {  	[sflag:s13] =	ssyncset.done @!p2 $0x0  }
0x22b: {  	s6 =	simm.s32 @!p0 $0x3;
	[sflag:s13] =	ssyncadd.s32 @!p2 $0xFFFFF800  }
0x22c: {  	_ =	swait.ge @!p0 [sflag:s6], $0x200  }
0x22d: {  	[sflag:s6] =	ssyncset.done @!p0 $0x0  }
0x22e: {  	[sflag:s6] =	ssyncadd.s32 @!p0 $0xFFFFFE00  }
0x22f: {  	_ =	swait.ge @!p0 [sflag:s6], $0x200  }
0x230: {  	[sflag:s6] =	ssyncset.done @!p0 $0x0  }
0x231: {  	s7 =	simm.s32 @!p0 $0x80;
	s13 =	simm.s32 @!p0 $0x4C00;
	[sflag:s6] =	ssyncadd.s32 @!p0 $0xFFFFFE00  }
0x232: {  	[tilespmem:s13], [sflag:$0x6] =	stream.indirect.gather @!p0 [hbm4b:s4+s7], $0x10, s14, s7, $0xb8;
	[tilespmem:$0x1FC00] =	vst v63  }
0x233: {  	s25 =	sadd.s32 $0x30, s20;
	s6 =	simm.s32 @!p0 $0x5400;
	s14 =	simm.s32 @!p0 $0x480  }
0x234: {  	[tilespmem:s6], [sflag:$0x6] =	stream.indirect.gather @!p0 [hbm4b:s4+s7], $0x10, s14, s7, $0xb8;
	[tilespmem:$0x1FC00] =	vst v63  }
0x235: {  	s15 =	simm.s32 @!p0 $0x500;
	p2 =	sgt.u32 s25, $0x1869;
	s14 =	simm.s32 @!p0 $0x5C00  }
0x236: {  	[tilespmem:s14], [sflag:$0x6] =	stream.indirect.gather @!p0 [hbm4b:s4+s7], $0x10, s15, s7, $0xb8;
	[tilespmem:$0x1FC00] =	vst v63  }
0x237: {  	s16 =	simm.s32 @!p0 $0x6400;
	s8 =	simm.s32 @!p0 $0x580;
	s15 =	sadd.s32 @!p2 s30, s9  }
0x238: {  	[tilespmem:s16], [sflag:$0x6] =	stream.indirect.gather @!p0 [hbm4b:s4+s7], $0x10, s8, s7, $0xb8;
	[tilespmem:$0x1FC00] =	vst v63  }
0x239: {  	s17 =	sadd.s32 @!p2 s30, s21;
	s15 =	sadd.s32 @!p2 $0xC00, s15;
	s8 =	simm.s32 @!p2 $0x0  }
0x23a: {  	[tilespmem:s8], [sflag:$0x1] =	stream.linear.gather @!p2 [hbm4b:s15+s8], $0x200, $0x38;
	[tilespmem:$0x1FC00] =	vst v63  }
0x23b: {  	s15 =	sadd.s32 @!p2 $0xC00, s17;
	s17 =	simm.s32 @!p2 $0x600  }
0x23c: {  	[tilespmem:s17], [sflag:$0x1] =	stream.linear.gather @!p2 [hbm4b:s15+s8], $0x200, $0x38;
	[tilespmem:$0x1FC00] =	vst v63  }
0x23d: {  	s15 =	simm.s32 @!p1 $0x5  }
0x23e: {  	_ =	swait.ge @!p1 [sflag:s15], $0x800  }
0x23f: {  	[sflag:s15] =	ssyncset.done @!p1 $0x0  }
0x240: {  	[sflag:s15] =	ssyncadd.s32 @!p1 $0xFFFFF800  }
0x241: {  	_ =	swait.ge @!p1 [sflag:s15], $0x800  }
0x242: {  	[sflag:s15] =	ssyncset.done @!p1 $0x0  }
0x243: {  	[sflag:s15] =	ssyncadd.s32 @!p1 $0xFFFFF800  }
0x244: {  	_ =	swait.ge @!p1 [sflag:s15], $0x800  }
0x245: {  	[sflag:s15] =	ssyncset.done @!p1 $0x0  }
0x246: {  	[sflag:s15] =	ssyncadd.s32 @!p1 $0xFFFFF800  }
0x247: {  	_ =	swait.ge @!p1 [sflag:s15], $0x800  }
0x248: {  	[sflag:s15] =	ssyncset.done @!p1 $0x0  }
0x249: {  	[sflag:s15] =	ssyncadd.s32 @!p1 $0xFFFFF800;
	s15 =	simm.s32 @!p1 $0x800  }
0x24a: {  	[spmem:s1] =	stream.indirect.scatter.add.f32 @!p1 [tilespmem:s5], [sflag:$0x8], $0x10, s15, s3, $0xb8;
	[tilespmem:$0x1FC00] =	vst v63  }
0x24b: {  	s5 =	simm.s32 @!p1 $0x880  }
0x24c: {  	[spmem:s1] =	stream.indirect.scatter.add.f32 @!p1 [tilespmem:s11], [sflag:$0x8], $0x10, s5, s3, $0xb8;
	[tilespmem:$0x1FC00] =	vst v63  }
0x24d: {  	s5 =	simm.s32 @!p1 $0x900  }
0x24e: {  	[spmem:s1] =	stream.indirect.scatter.add.f32 @!p1 [tilespmem:s10], [sflag:$0x8], $0x10, s5, s3, $0xb8;
	[tilespmem:$0x1FC00] =	vst v63  }
0x24f: {  	s5 =	simm.s32 @!p1 $0x980  }
0x250: {  	[spmem:s1] =	stream.indirect.scatter.add.f32 @!p1 [tilespmem:s12], [sflag:$0x8], $0x10, s5, s3, $0xb8;
	[tilespmem:$0x1FC00] =	vst v63  }
0x251: {  	s3 =	simm.s32 @!p1 $0x8  }
0x252: {  	_ =	swait.ge @!p1 [sflag:s3], $0x800  }
0x253: {  	[sflag:s3] =	ssyncset.done @!p1 $0x0  }
0x254: {  	[sflag:s3] =	ssyncadd.s32 @!p1 $0xFFFFF800  }
0x255: {  	_ =	swait.ge @!p1 [sflag:s3], $0x800  }
0x256: {  	[sflag:s3] =	ssyncset.done @!p1 $0x0  }
0x257: {  	[sflag:s3] =	ssyncadd.s32 @!p1 $0xFFFFF800  }
0x258: {  	_ =	swait.ge @!p1 [sflag:s3], $0x800  }
0x259: {  	[sflag:s3] =	ssyncset.done @!p1 $0x0  }
0x25a: {  	[sflag:s3] =	ssyncadd.s32 @!p1 $0xFFFFF800  }
0x25b: {  	_ =	swait.ge @!p1 [sflag:s3], $0x800  }
0x25c: {  	[sflag:s3] =	ssyncset.done @!p1 $0x0  }
0x25d: {  	s5 =	simm.s32 @!p2 $0x1;
	[sflag:s3] =	ssyncadd.s32 @!p1 $0xFFFFF800  }
0x25e: {  	_ =	swait.ge @!p2 [sflag:s5], $0x200  }
0x25f: {  	[sflag:s5] =	ssyncset.done @!p2 $0x0  }
0x260: {  	[sflag:s5] =	ssyncadd.s32 @!p2 $0xFFFFFE00  }
0x261: {  	_ =	swait.ge @!p2 [sflag:s5], $0x200  }
0x262: {  	[sflag:s5] =	ssyncset.done @!p2 $0x0  }
0x263: {  	s3 =	simm.s32 @!p2 $0x80;
	[sflag:s5] =	ssyncadd.s32 @!p2 $0xFFFFFE00;
	s5 =	simm.s32 @!p2 $0xC00  }
0x264: {  	[tilespmem:s5], [sflag:$0x4] =	stream.indirect.gather @!p2 [hbm4b:s4+s3], $0x10, s8, s3, $0xb8;
	[tilespmem:$0x1FC00] =	vst v63  }
0x265: {  	s5 =	simm.s32 @!p2 $0x1400  }
0x266: {  	[tilespmem:s5], [sflag:$0x4] =	stream.indirect.gather @!p2 [hbm4b:s4+s3], $0x10, s3, s3, $0xb8;
	[tilespmem:$0x1FC00] =	vst v63  }
0x267: {  	s2 =	sadd.s32 $0x40, s20;
	s8 =	simm.s32 @!p2 $0x1C00;
	s5 =	simm.s32 @!p2 $0x100  }
0x268: {  	[tilespmem:s8], [sflag:$0x4] =	stream.indirect.gather @!p2 [hbm4b:s4+s3], $0x10, s5, s3, $0xb8;
	[tilespmem:$0x1FC00] =	vst v63  }
0x269: {  	p1 =	sgt.u32 s2, $0x1869;
	s2 =	simm.s32 @!p2 $0x180;
	s5 =	simm.s32 @!p2 $0x2400  }
0x26a: {  	[tilespmem:s5], [sflag:$0x4] =	stream.indirect.gather @!p2 [hbm4b:s4+s3], $0x10, s2, s3, $0xb8;
	[tilespmem:$0x1FC00] =	vst v63  }
0x26b: {  	s2 =	sadd.s32 @!p1 s30, s9;
	p2 =	por p1, p1  }
0x26c: {  	s2 =	sadd.s32 @!p1 $0x1000, s2;
	s3 =	simm.s32 @!p2 $0x0;
	s5 =	simm.s32 @!p2 $0x200  }
0x26d: {  	[tilespmem:s5], [sflag:$0x2] =	stream.linear.gather @!p2 [hbm4b:s2+s3], $0x200, $0x38;
	[tilespmem:$0x1FC00] =	vst v63  }
0x26e: {  	s2 =	sadd.s32 @!p1 s30, s21  }
0x26f: {  	s5 =	simm.s32 @!p2 $0x800;
	s2 =	sadd.s32 @!p1 $0x1000, s2  }
0x270: {  	[tilespmem:s5], [sflag:$0x2] =	stream.linear.gather @!p2 [hbm4b:s2+s3], $0x200, $0x38;
	[tilespmem:$0x1FC00] =	vst v63  }
0x271: {  	s2 =	simm.s32 @!p0 $0x6  }
0x272: {  	_ =	swait.ge @!p0 [sflag:s2], $0x800  }
0x273: {  	[sflag:s2] =	ssyncset.done @!p0 $0x0  }
0x274: {  	[sflag:s2] =	ssyncadd.s32 @!p0 $0xFFFFF800  }
0x275: {  	_ =	swait.ge @!p0 [sflag:s2], $0x800  }
0x276: {  	[sflag:s2] =	ssyncset.done @!p0 $0x0  }
0x277: {  	[sflag:s2] =	ssyncadd.s32 @!p0 $0xFFFFF800  }
0x278: {  	_ =	swait.ge @!p0 [sflag:s2], $0x800  }
0x279: {  	[sflag:s2] =	ssyncset.done @!p0 $0x0  }
0x27a: {  	[sflag:s2] =	ssyncadd.s32 @!p0 $0xFFFFF800  }
0x27b: {  	_ =	swait.ge @!p0 [sflag:s2], $0x800  }
0x27c: {  	[sflag:s2] =	ssyncset.done @!p0 $0x0  }
0x27d: {  	[sflag:s2] =	ssyncadd.s32 @!p0 $0xFFFFF800  }
0x27e: {  	[spmem:s1] =	stream.indirect.scatter.add.f32 @!p0 [tilespmem:s13], [sflag:$0x9], $0x10, s0, s7, $0xb8;
	[tilespmem:$0x1FC00] =	vst v63  }
0x27f: {  	s0 =	simm.s32 @!p0 $0xA80  }
0x280: {  	[spmem:s1] =	stream.indirect.scatter.add.f32 @!p0 [tilespmem:s6], [sflag:$0x9], $0x10, s0, s7, $0xb8;
	[tilespmem:$0x1FC00] =	vst v63  }
0x281: {  	s0 =	simm.s32 @!p0 $0xB00  }
0x282: {  	[spmem:s1] =	stream.indirect.scatter.add.f32 @!p0 [tilespmem:s14], [sflag:$0x9], $0x10, s0, s7, $0xb8;
	[tilespmem:$0x1FC00] =	vst v63  }
0x283: {  	s0 =	simm.s32 @!p0 $0xB80  }
0x284: {  	[spmem:s1] =	stream.indirect.scatter.add.f32 @!p0 [tilespmem:s16], [sflag:$0x9], $0x10, s0, s7, $0xb8;
	[tilespmem:$0x1FC00] =	vst v63  }
0x285: {  	[bflag:$0x0] =	sbarrier.arrive $0xFFFF  }
0x286: {  	s26 =	rddreg [dreg:$0xa]  }
0x287: {  	s28 =	rddreg [dreg:$0xd]  }
0x288: {  	s5 =	simm.s32 $0xA;
	s29 =	rddreg [dreg:$0xf];
	s0 =	sor.u32 $0x1C0A, s26  }
0x289: {  	[hbm:s28], [sflag:s0] =	dma.local [spmem:s29], $0x3100  }
0x28a: {  	_ =	swait.ge [sflag:s5], $0x3100  }
0x28b: {  	s30 =	rddreg [dreg:$0x10]  }
0x28c: {  	s31 =	rddreg [dreg:$0xe];
	s2 =	sadd.s32 $0x1, s30  }
0x28d: {  	p0 =	sne.s32 s2, s31  }
.Ltmp2:
0x28e: {  	_ = 	snop;
	(pc) =	sbr.rel @p0 .LBB2_1-.Ltmp2, $3  }
0x28f: {  	_ =	sdelay $0x1  }
0x290: {  	s18 =	smov.u32 s21;
	s15 =	smov.u32 s9;
	[sflag:s5] =	ssyncset.done $0x0  }
0x291: {  	s3 =	simm.s32 $0x6C00;
	s8 =	rddreg [dreg:$0x9];
	[sflag:s5] =	ssyncadd.s32 $0xFFFFCF00  }
0x292: {  	_ =	sfence.sel $0x180000  }
0x293: {  	[bflag:$0x0] =	sbarrier.arrive $0xFFFF  }
0x294: {  	_ =	strace $0x9000004A  }
0x295: {  	[bflag:$0x2] =	sbarrier.arrive $0xFFFF  }
0x296: {  	p0 =	sne.s32 s24, $0x0;
	s0 =	rddreg [dreg:$0x3]  }
0x297: {  	s0 =	sadd.s32 @!p0 $0x100000, s0  }
0x298: {  	[sflag:s0] =	ssyncadd.tile.s32 @!p0 $0x1;
	_ =	shalt  }
.Lfunc_end2:
_tile_overlayer_lowered:
.L_overlay_start_2:
0x299: {  	(tag) =	ssettag $0x2  }
0x29a: {  	s0 =	rddreg [dreg:$0x0];
	s2 =	stileid.u32  }
0x29b: {  	s1 =	rddreg [dreg:$0x1];
	p0 =	sne.s32 s2, $0x0  }
0x29c: {  	s3 =	rddreg [dreg:$0x2];
	[bflag:$0x3] =	sbarrier.arrive $0xFFFF;
	s2 =	simm.s32 @!p0 $0x1C0A  }
0x29d: {  	[timem:s3], [sflag:s2] =	dma.local @!p0 [hbm:s0], s1  }
0x29e: {  	s0 =	simm.s32 @!p0 $0xA  }
0x29f: {  	_ =	swait.ge @!p0 [sflag:s0], s1  }
0x2a0: {  	s1 =	ssub.s32 @!p0 $0x0, s1;
	[sflag:s0] =	ssyncset.done @!p0 $0x0  }
0x2a1: {  	[sflag:s0] =	ssyncadd.s32 @!p0 s1  }
0x2a2: {  	[bflag:$0x3] =	sbarrier.arrive $0xFFFF  }
0x2a3: {  	_ =	shalt  }

</sc_bundles>
